<compile_context>
chip_gen: v7x
topology: tpu7x:2x2x1
jax: 0.10.2.dev20260603
libtpu: 0.0.44.dev20260713+nightly
codegen_flags: <defaults>
</compile_context>

<pallas_src>
import functools

import jax
import jax.numpy as jnp
from jax import lax
from jax.experimental import pallas as pl
from jax.experimental.pallas import tpu as pltpu
from jax.experimental.pallas import tpu_sc as plsc

_EPS = 1e-5



def _spk_sc_body(table_hbm, idx_hbm, out_hbm, idx_v, rows_v, sem):
    first = (lax.axis_index("s") == 0) & (lax.axis_index("c") == 0)

    @pl.when(first)
    def _():
        pltpu.sync_copy(idx_hbm, idx_v)
        pltpu.async_copy(table_hbm.at[idx_v], rows_v, sem).wait()
        pltpu.sync_copy(rows_v, out_hbm)


def _run_spk_gather(speakers, table):
    idx8 = jnp.pad(speakers, (0, 4))
    t128 = jnp.pad(table, ((0, 0), (0, 128 - table.shape[1])))
    k = functools.partial(
        pl.kernel,
        mesh=plsc.VectorSubcoreMesh(core_axis_name="c", subcore_axis_name="s"),
        out_type=jax.ShapeDtypeStruct((8, 128), jnp.float32),
        scratch_types=[
            pltpu.VMEM((8,), jnp.int32),
            pltpu.VMEM((8, 128), jnp.float32),
            pltpu.SemaphoreType.DMA,
        ],
    )(_spk_sc_body)
    return k(t128, idx8)[:4, :table.shape[1]]


def _shift_mat(t_in, t_out, off):
    u = lax.broadcasted_iota(jnp.int32, (t_in, t_out), 0)
    t = lax.broadcasted_iota(jnp.int32, (t_in, t_out), 1)
    return (u == t + off).astype(jnp.float32)


def _shift_mat_s2(t_in, t_out, off):
    u = lax.broadcasted_iota(jnp.int32, (t_in, t_out), 0)
    t = lax.broadcasted_iota(jnp.int32, (t_in, t_out), 1)
    return (u == 2 * t + off).astype(jnp.float32)



def _enc_vq_body(mels, w1, w2, w3, w4, w5, w6, b6,
                 g1, be1, g2, be2, g3, be3, g4, be4, g5, be5,
                 cb, cbt,
                 q_out, loss_out, perp_out,
                 sa, sb, sc, sd):
    f32 = jnp.float32

    def conv(src_ref, w_ref, b, sels):
        acc = None
        for k, S in enumerate(sels):
            m = jnp.dot(w_ref[k], src_ref[b], preferred_element_type=f32)
            p = m if S is None else jnp.dot(m, S, preferred_element_type=f32)
            acc = p if acc is None else acc + p
        return acc

    def bn_relu_inplace(s_ref, n_t, g_ref, be_ref):
        n = 4 * n_t
        tot = s_ref[0] + s_ref[1] + s_ref[2] + s_ref[3]
        mean = jnp.sum(tot, axis=1, keepdims=True) / n
        sq = s_ref[0] ** 2 + s_ref[1] ** 2 + s_ref[2] ** 2 + s_ref[3] ** 2
        var = jnp.sum(sq, axis=1, keepdims=True) / n - mean ** 2
        scale = g_ref[...] / jnp.sqrt(var + _EPS)
        shift = be_ref[...] - scale * mean
        for b in range(4):
            s_ref[b] = jnp.maximum(s_ref[b] * scale + shift, 0.0)

    sels1 = [_shift_mat(66, 64, k) for k in range(3)]
    for b in range(4):
        sa[b] = conv(mels, w1, b, sels1)
    bn_relu_inplace(sa, 64, g1, be1)

    sels2 = [_shift_mat(64, 64, -1), None, _shift_mat(64, 64, 1)]
    for b in range(4):
        sb[b] = conv(sa, w2, b, sels2)
    bn_relu_inplace(sb, 64, g2, be2)

    sels3 = [_shift_mat_s2(64, 32, k - 1) for k in range(4)]
    for b in range(4):
        sc[b] = conv(sb, w3, b, sels3)
    bn_relu_inplace(sc, 32, g3, be3)

    sels4 = [_shift_mat(32, 32, -1), None, _shift_mat(32, 32, 1)]
    for b in range(4):
        sd[b] = conv(sc, w4, b, sels4)
    bn_relu_inplace(sd, 32, g4, be4)

    for b in range(4):
        sc[b] = conv(sd, w5, b, sels4)
    bn_relu_inplace(sc, 32, g5, be5)

    e2 = jnp.sum(cb[...] ** 2, axis=1, keepdims=True)
    iota_codes = lax.broadcasted_iota(jnp.int32, (512, 32), 0)
    big = jnp.full((512, 32), 1 << 20, jnp.int32)

    counts = jnp.zeros((512, 1), f32)
    z2_sum = 0.0
    zq_sum = 0.0
    q2_sum = 0.0
    for b in range(4):
        h6 = jnp.dot(w6[...], sc[b],
                     preferred_element_type=f32) + b6[...]
        s = jnp.dot(cb[...], h6, preferred_element_type=f32)
        z2 = jnp.sum(h6 ** 2, axis=0, keepdims=True)
        dist = e2 + z2 - 2.0 * s
        mn = jnp.min(dist, axis=0, keepdims=True)
        cand = jnp.where(dist == mn, iota_codes, big)
        idx = jnp.min(cand, axis=0, keepdims=True)
        oneh = (iota_codes == idx).astype(f32)
        q_out[b] = jnp.dot(cbt[...], oneh, preferred_element_type=f32)
        counts = counts + jnp.sum(oneh, axis=1, keepdims=True)
        z2_sum = z2_sum + jnp.sum(z2)
        zq_sum = zq_sum + jnp.sum(oneh * s)
        q2_sum = q2_sum + jnp.sum(oneh * e2)

    e_latent = (z2_sum - 2.0 * zq_sum + q2_sum) / (128.0 * 64.0)
    loss_out[...] = jnp.full((1, 1), 0.25 * e_latent, f32)
    p = counts / 128.0
    perp_out[...] = jnp.full(
        (1, 1), jnp.exp(-jnp.sum(p * jnp.log(p + 1e-10))), f32)


def _run_enc_vq(mels, p):
    f32 = jnp.float32
    outs = (
        jax.ShapeDtypeStruct((4, 64, 32), f32),
        jax.ShapeDtypeStruct((1, 1), f32),
        jax.ShapeDtypeStruct((1, 1), f32),
    )
    scratch = [
        pltpu.VMEM((4, 512, 64), f32),
        pltpu.VMEM((4, 512, 64), f32),
        pltpu.VMEM((4, 512, 32), f32),
        pltpu.VMEM((4, 512, 32), f32),
    ]
    taps = lambda w: jnp.moveaxis(w, 2, 0)
    args = (
        mels,
        taps(p['enc_w1']), taps(p['enc_w2']), taps(p['enc_w3']),
        taps(p['enc_w4']), taps(p['enc_w5']),
        p['enc_w6'][:, :, 0], p['enc_b6'].reshape(64, 1),
        p['bn1_g'].reshape(512, 1), p['bn1_b'].reshape(512, 1),
        p['bn2_g'].reshape(512, 1), p['bn2_b'].reshape(512, 1),
        p['bn3_g'].reshape(512, 1), p['bn3_b'].reshape(512, 1),
        p['bn4_g'].reshape(512, 1), p['bn4_b'].reshape(512, 1),
        p['bn5_g'].reshape(512, 1), p['bn5_b'].reshape(512, 1),
        p['codebook'], p['codebook'].T,
    )
    return pl.pallas_call(
        _enc_vq_body,
        out_shape=outs,
        scratch_shapes=scratch,
    )(*args)



def _rnn1_body(m0,
               wi0f, wh0f, bi0f, bh0f, wi0r, wh0r, bi0r, bh0r,
               wi1f, wh1f, bi1f, bh1f, wi1r, wh1r, bi1r, bh1r,
               out, y0):
    H = 128
    f32 = jnp.float32

    def cell(xt, h, wi, wh, bi, bh):
        gi = jnp.dot(xt, wi[...], preferred_element_type=f32) + bi[...]
        gh = jnp.dot(h, wh[...], preferred_element_type=f32) + bh[...]
        r = jax.nn.sigmoid(gi[:, 0:H] + gh[:, 0:H])
        z = jax.nn.sigmoid(gi[:, H:2 * H] + gh[:, H:2 * H])
        n = jnp.tanh(gi[:, 2 * H:3 * H] + r * gh[:, 2 * H:3 * H])
        return (1.0 - z) * n + z * h

    def bigru(in_ref, wif, whf, bif, bhf, wir, whr, bir, bhr, out_ref):
        def step(i, carry):
            hf, hr = carry
            tr = 63 - i
            hf = cell(in_ref[i], hf, wif, whf, bif, bhf)
            hr = cell(in_ref[tr], hr, wir, whr, bir, bhr)
            out_ref[i, :, 0:H] = hf
            out_ref[tr, :, H:2 * H] = hr
            return (hf, hr)
        z4 = jnp.zeros((4, H), f32)
        lax.fori_loop(0, 64, step, (z4, z4))

    bigru(m0, wi0f, wh0f, bi0f, bh0f, wi0r, wh0r, bi0r, bh0r, y0)
    bigru(y0, wi1f, wh1f, bi1f, bh1f, wi1r, wh1r, bi1r, bh1r, out)


def _run_rnn1(m0, p):
    f32 = jnp.float32
    args = [m0]
    for l in range(2):
        for d in ['f', 'r']:
            args.append(p['rnn1_l%d_%s_w_ih' % (l, d)].T)
            args.append(p['rnn1_l%d_%s_w_hh' % (l, d)].T)
            args.append(p['rnn1_l%d_%s_b_ih' % (l, d)].reshape(1, 384))
            args.append(p['rnn1_l%d_%s_b_hh' % (l, d)].reshape(1, 384))
    return pl.pallas_call(
        _rnn1_body,
        out_shape=jax.ShapeDtypeStruct((64, 4, 256), f32),
        scratch_shapes=[pltpu.VMEM((64, 4, 256), f32)],
    )(*args)



def _rnn2_body(xs, aemb, wxt, wmt, bih, mrows, whr, whz, whn, bhh,
               fc1t, fc1b, fc2t, fc2b,
               out, U_s, V_s, G_s, H_s, h_s):
    f32 = jnp.float32
    c = pl.program_id(0)

    @pl.when(c == 0)
    def _init():
        U_s[...] = jnp.dot(aemb[...], wxt[...], preferred_element_type=f32)
        V_s[...] = jnp.dot(mrows[...], wmt[...],
                           preferred_element_type=f32) + bih[...]
        h_s[...] = jnp.zeros((4, 512), f32)

    x_blk = xs[0]
    iota_v = lax.broadcasted_iota(jnp.int32, (256, 256), 1)
    oneh = (x_blk == iota_v).astype(f32)
    G_s[...] = jnp.dot(oneh, U_s[...], preferred_element_type=f32)
    Vc = V_s[pl.ds(pl.multiple_of(c * 8, 8), 4), :]

    R = 512

    def gru_step(gi, h):
        ghr = jnp.dot(h, whr[...], preferred_element_type=f32) \
            + bhh[:, 0:R]
        ghz = jnp.dot(h, whz[...], preferred_element_type=f32) \
            + bhh[:, R:2 * R]
        ghn = jnp.dot(h, whn[...], preferred_element_type=f32) \
            + bhh[:, 2 * R:3 * R]
        r = jax.nn.sigmoid(gi[:, 0:R] + ghr)
        z = jax.nn.sigmoid(gi[:, R:2 * R] + ghz)
        n = jnp.tanh(gi[:, 2 * R:3 * R] + r * ghn)
        return (1.0 - z) * n + z * h

    def pair(i, h):
        o8 = pl.multiple_of(i * 8, 8)
        g8 = G_s[pl.ds(o8, 8), :]
        ha = gru_step(g8[0:4, :] + Vc, h)
        hb = gru_step(g8[4:8, :] + Vc, ha)
        H_s[pl.ds(o8, 8), :] = jnp.concatenate([ha, hb], axis=0)
        return hb

    h = lax.fori_loop(0, 32, pair, h_s[...])
    h_s[...] = h

    o = jnp.maximum(
        jnp.dot(H_s[...], fc1t[...], preferred_element_type=f32)
        + fc1b[...], 0.0)
    out[0] = jnp.dot(o, fc2t[...], preferred_element_type=f32) + fc2b[...]


def _run_rnn2(x, mrows, p):
    f32 = jnp.float32
    xs3 = x.T.reshape(64, 256, 1)
    wih = p['rnn2_w_ih']
    args = (
        xs3,
        p['audio_emb'],
        wih[:, :256].T, wih[:, 256:].T,
        p['rnn2_b_ih'].reshape(1, 1536),
        mrows,
        p['rnn2_w_hh'][0:512].T,
        p['rnn2_w_hh'][512:1024].T,
        p['rnn2_w_hh'][1024:1536].T,
        p['rnn2_b_hh'].reshape(1, 1536),
        p['fc1_w'].T, p['fc1_b'].reshape(1, 256),
        p['fc2_w'].T, p['fc2_b'].reshape(1, 256),
    )
    const = lambda shape: pl.BlockSpec(shape, lambda c: (0,) * len(shape))
    in_specs = [
        pl.BlockSpec((1, 256, 1), lambda c: (c, 0, 0)),
        const((256, 256)),
        const((256, 1536)), const((256, 1536)),
        const((1, 1536)),
        const((512, 256)),
        const((512, 512)), const((512, 512)), const((512, 512)),
        const((1, 1536)),
        const((512, 256)), const((1, 256)),
        const((256, 256)), const((1, 256)),
    ]
    out = pl.pallas_call(
        _rnn2_body,
        grid=(64,),
        in_specs=in_specs,
        out_specs=pl.BlockSpec((1, 256, 256), lambda c: (c, 0, 0)),
        out_shape=jax.ShapeDtypeStruct((64, 256, 256), f32),
        scratch_shapes=[
            pltpu.VMEM((256, 1536), f32),
            pltpu.VMEM((512, 1536), f32),
            pltpu.VMEM((256, 1536), f32),
            pltpu.VMEM((256, 512), f32),
            pltpu.VMEM((4, 512), f32),
        ],
    )(*args)
    return out.reshape(64, 64, 4, 256).transpose(2, 0, 1, 3).reshape(
        4, 4096, 256)



def kernel(x, mels, speakers, params):
    p = params
    q, loss, perp = _run_enc_vq(mels, p)

    q3 = q.transpose(0, 2, 1)
    qrep = jnp.repeat(q3, 2, axis=1)
    spk = _run_spk_gather(speakers, p['spk_emb'])
    spk_b = jnp.broadcast_to(spk[:, None, :], (4, 64, 64))
    m0 = jnp.concatenate([qrep, spk_b], axis=-1)
    m0 = m0.transpose(1, 0, 2)

    y1 = _run_rnn1(m0, p)
    mrows = jnp.pad(y1, ((0, 0), (0, 4), (0, 0))).reshape(512, 256)

    logits = _run_rnn2(x, mrows, p)
    return logits, loss[0, 0], perp[0, 0]

# --- scband reference (transcript-rebuilt; emitter-appended) ---
"""Pipeline reference for scband-model-73486890434988 (READ-ONLY COPY).

The authoritative reference and input builder live on the scoring server;
editing this copy changes nothing except your own understanding.
"""

import jax
import jax.numpy as jnp
import numpy as np
from jax import lax

HOP = 64

def conv1d(x, w, stride=1, pad=0):
    return lax.conv_general_dilated(x, w, (stride,), [(pad, pad)], dimension_numbers=('NCH', 'OIH', 'NCH'))

def bn(x, g, b, eps=1e-5):
    m = jnp.mean(x, axis=(0, 2), keepdims=True)
    v = jnp.var(x, axis=(0, 2), keepdims=True)
    return g[None, :, None] * (x - m) / jnp.sqrt(v + eps) + b[None, :, None]

def gru_layer(x, w_ih, w_hh, b_ih, b_hh, reverse=False):
    B = x.shape[0]
    H = w_hh.shape[1]
    xs = jnp.swapaxes(x, 0, 1)
    if reverse:
        xs = xs[::-1]
    h0 = jnp.zeros((B, H), dtype=x.dtype)
    def step(h, xt):
        gi = xt @ w_ih.T + b_ih
        gh = h @ w_hh.T + b_hh
        ir, iz, inn = jnp.split(gi, 3, axis=1)
        hr, hz, hn = jnp.split(gh, 3, axis=1)
        r = jax.nn.sigmoid(ir + hr)
        z = jax.nn.sigmoid(iz + hz)
        n = jnp.tanh(inn + r * hn)
        hnew = (1.0 - z) * n + z * h
        return hnew, hnew
    _, ys = lax.scan(step, h0, xs)
    if reverse:
        ys = ys[::-1]
    return jnp.swapaxes(ys, 0, 1)

def forward(x, mels, speakers, p):
    h = jax.nn.relu(bn(conv1d(mels, p['enc_w1'], 1, 0), p['bn1_g'], p['bn1_b']))
    h = jax.nn.relu(bn(conv1d(h, p['enc_w2'], 1, 1), p['bn2_g'], p['bn2_b']))
    h = jax.nn.relu(bn(conv1d(h, p['enc_w3'], 2, 1), p['bn3_g'], p['bn3_b']))
    h = jax.nn.relu(bn(conv1d(h, p['enc_w4'], 1, 1), p['bn4_g'], p['bn4_b']))
    h = jax.nn.relu(bn(conv1d(h, p['enc_w5'], 1, 1), p['bn5_g'], p['bn5_b']))
    h = conv1d(h, p['enc_w6'], 1, 0) + p['enc_b6'][None, :, None]
    emb = p['codebook']
    M, D = emb.shape
    z = jnp.swapaxes(h, 1, 2)
    z_flat = lax.stop_gradient(z).reshape(-1, D)
    dist = jnp.sum(emb ** 2, axis=1)[None, :] + jnp.sum(z_flat ** 2, axis=1, keepdims=True) - 2.0 * (z_flat @ emb.T)
    idx = jnp.argmin(dist, axis=-1)
    enc_onehot = jax.nn.one_hot(idx, M, dtype=jnp.float32)
    q = emb[idx].reshape(z.shape)
    e_latent = jnp.mean((z - lax.stop_gradient(q)) ** 2)
    loss = 0.25 * e_latent
    q_st = z + lax.stop_gradient(q - z)
    avg_probs = jnp.mean(enc_onehot, axis=0)
    perplexity = jnp.exp(-jnp.sum(avg_probs * jnp.log(avg_probs + 1e-10)))
    m = jnp.swapaxes(q_st, 1, 2)
    m = jnp.repeat(m, 2, axis=2)
    m = jnp.swapaxes(m, 1, 2)
    spk = p['spk_emb'][speakers]
    spk = jnp.broadcast_to(spk[:, None, :], (m.shape[0], m.shape[1], spk.shape[-1]))
    m = jnp.concatenate([m, spk], axis=-1)
    for l in range(2):
        f = gru_layer(m, p['rnn1_l%d_f_w_ih' % l], p['rnn1_l%d_f_w_hh' % l], p['rnn1_l%d_f_b_ih' % l], p['rnn1_l%d_f_b_hh' % l], False)
        r = gru_layer(m, p['rnn1_l%d_r_w_ih' % l], p['rnn1_l%d_r_w_hh' % l], p['rnn1_l%d_r_b_ih' % l], p['rnn1_l%d_r_b_hh' % l], True)
        m = jnp.concatenate([f, r], axis=-1)
    m = jnp.swapaxes(m, 1, 2)
    m = jnp.repeat(m, HOP, axis=2)
    m = jnp.swapaxes(m, 1, 2)
    xe = p['audio_emb'][x]
    h2 = gru_layer(jnp.concatenate([xe, m], axis=2), p['rnn2_w_ih'], p['rnn2_w_hh'], p['rnn2_b_ih'], p['rnn2_b_hh'], False)
    o = jax.nn.relu(h2 @ p['fc1_w'].T + p['fc1_b'])
    logits = o @ p['fc2_w'].T + p['fc2_b']
    return logits, loss, perplexity

def setup_inputs(seed: int = 0):
    key = jax.random.key(seed)
    ks = iter(jax.random.split(key, 64))
    def nrm(shape, s=0.05):
        return jax.random.normal(next(ks), shape, dtype=jnp.float32) * s
    C = 512
    D = 64
    cond = 128
    R = 512
    p = {}
    p['enc_w1'] = nrm((C, 80, 3))
    p['enc_w2'] = nrm((C, C, 3))
    p['enc_w3'] = nrm((C, C, 4))
    p['enc_w4'] = nrm((C, C, 3))
    p['enc_w5'] = nrm((C, C, 3))
    p['enc_w6'] = nrm((D, C, 1))
    p['enc_b6'] = nrm((D,))
    for i in range(1, 6):
        p['bn%d_g' % i] = jnp.ones((C,), jnp.float32)
        p['bn%d_b' % i] = jnp.zeros((C,), jnp.float32)
    p['codebook'] = jax.random.uniform(next(ks), (512, D), jnp.float32, -1.0 / 512.0, 1.0 / 512.0)
    p['spk_emb'] = nrm((102, 64))
    p['audio_emb'] = nrm((256, 256))
    ins = [64 + 64, 2 * cond]
    for l in range(2):
        for d in ['f', 'r']:
            p['rnn1_l%d_%s_w_ih' % (l, d)] = nrm((3 * cond, ins[l]))
            p['rnn1_l%d_%s_w_hh' % (l, d)] = nrm((3 * cond, cond))
            p['rnn1_l%d_%s_b_ih' % (l, d)] = nrm((3 * cond,))
            p['rnn1_l%d_%s_b_hh' % (l, d)] = nrm((3 * cond,))
    p['rnn2_w_ih'] = nrm((3 * R, 256 + 2 * cond))
    p['rnn2_w_hh'] = nrm((3 * R, R))
    p['rnn2_b_ih'] = nrm((3 * R,))
    p['rnn2_b_hh'] = nrm((3 * R,))
    p['fc1_w'] = nrm((256, R))
    p['fc1_b'] = nrm((256,))
    p['fc2_w'] = nrm((256, 256))
    p['fc2_b'] = nrm((256,))
    x = jax.random.randint(next(ks), (4, 4096), 0, 256, dtype=jnp.int32)
    mels = jax.random.normal(next(ks), (4, 80, 66), dtype=jnp.float32)
    speakers = jax.random.randint(next(ks), (4,), 0, 102, dtype=jnp.int32)
    return {'x': x, 'mels': mels, 'speakers': speakers, 'params': p}

def reference(x, mels, speakers, params):
    return forward(x, mels, speakers, params)

if __name__ == "__main__":
    import jax
    _d = setup_inputs()
    print(jax.jit(kernel)(*tuple(_d.values())))

</pallas_src>

<mosaic_0001>
#map = affine_map<(d0, d1) -> (0, 0)>
#map1 = affine_map<(d0, d1) -> (0)>
module attributes {stable_mosaic.version = 14 : i64} {
  func.func @_spk_sc_body(%arg0: i32, %arg1: i32, %arg2: memref<102x128xf32, #tpu.memory_space<hbm>>, %arg3: memref<8xi32, #tpu.memory_space<hbm>>, %arg4: memref<8x128xf32, #tpu.memory_space<hbm>>, %arg5: memref<8xi32, #tpu.memory_space<vmem>>, %arg6: memref<8x128xf32, #tpu.memory_space<vmem>>, %arg7: memref<!tpu.dma_semaphore, #tpu.memory_space<semaphore_mem>>) attributes {dimension_semantics = [#tpu.dimension_semantics<core_parallel>, #tpu.dimension_semantics<subcore_parallel>], iteration_bounds = array<i64: 2, 16>, scalar_prefetch = 0 : i64, scratch_operands = 3 : i64, tpu.core_type = #tpu.core_type<sc_vector_subcore>, window_params = [{transform_indices = #map}, {transform_indices = #map1}, {transform_indices = #map}]} {
    %eq3A = arith.constant 0 : i32
    %eq3A_0 = arith.cmpi eq, %arg1, %eq3A : i32
    %eq3A_1 = arith.constant 0 : i32
    %eq3A_2 = arith.cmpi eq, %arg0, %eq3A_1 : i32
    %and3A = arith.andi %eq3A_0, %eq3A_2 : i1
    %convert_element_type3A = arith.extui %and3A : i1 to i32
    %cond3A = arith.constant 0 : i32
    %cond3A_3 = arith.cmpi ne, %convert_element_type3A, %cond3A : i32
    scf.if %cond3A_3 {
      "tpu.region"() ({
        %run_scoped3A = tpu.sem_alloc : memref<!tpu.dma_semaphore, #tpu.memory_space<semaphore_mem>>
        tpu.enqueue_dma source(%arg3 : memref<8xi32, #tpu.memory_space<hbm>>) target(%arg5 : memref<8xi32, #tpu.memory_space<vmem>>) target_semaphore(%run_scoped3A : memref<!tpu.dma_semaphore, #tpu.memory_space<semaphore_mem>>)
        tpu.wait_dma2 semaphore(%run_scoped3A : memref<!tpu.dma_semaphore, #tpu.memory_space<semaphore_mem>>) src(%arg3 : memref<8xi32, #tpu.memory_space<hbm>>) dst(%arg5 : memref<8xi32, #tpu.memory_space<vmem>>)
        tpu.yield
      }) : () -> ()
      %dma_start3A = arith.constant 0 : i32
      %dma_start3A_4 = arith.constant 0 : i32
      %dma_start3A_5 = tpu.memref_slice %arg2[%dma_start3A, %dma_start3A_4] : memref<102x128xf32, #tpu.memory_space<hbm>> -> memref<102x128xf32, #tpu.memory_space<hbm>>
      tpu.enqueue_indirect_dma source(%dma_start3A_5 : memref<102x128xf32, #tpu.memory_space<hbm>>) target(%arg6 : memref<8x128xf32, #tpu.memory_space<vmem>>) offsets(%arg5 : memref<8xi32, #tpu.memory_space<vmem>>) semaphore(%arg7 : memref<!tpu.dma_semaphore, #tpu.memory_space<semaphore_mem>>)
      %dma_wait3A = arith.constant 0 : i32
      %dma_wait3A_6 = arith.constant 0 : i32
      %dma_wait3A_7 = tpu.memref_slice %arg2[%dma_wait3A, %dma_wait3A_6] : memref<102x128xf32, #tpu.memory_space<hbm>> -> memref<102x128xf32, #tpu.memory_space<hbm>>
      tpu.wait_indirect_dma semaphore(%arg7 : memref<!tpu.dma_semaphore, #tpu.memory_space<semaphore_mem>>) src(%dma_wait3A_7 : memref<102x128xf32, #tpu.memory_space<hbm>>) dst(%arg6 : memref<8x128xf32, #tpu.memory_space<vmem>>)
      "tpu.region"() ({
        %run_scoped3A = tpu.sem_alloc : memref<!tpu.dma_semaphore, #tpu.memory_space<semaphore_mem>>
        tpu.enqueue_dma source(%arg6 : memref<8x128xf32, #tpu.memory_space<vmem>>) target(%arg4 : memref<8x128xf32, #tpu.memory_space<hbm>>) target_semaphore(%run_scoped3A : memref<!tpu.dma_semaphore, #tpu.memory_space<semaphore_mem>>)
        tpu.wait_dma2 semaphore(%run_scoped3A : memref<!tpu.dma_semaphore, #tpu.memory_space<semaphore_mem>>) src(%arg6 : memref<8x128xf32, #tpu.memory_space<vmem>>) dst(%arg4 : memref<8x128xf32, #tpu.memory_space<hbm>>)
        tpu.yield
      }) : () -> ()
    } else {
    }
    return
  }
}

module attributes {stable_mosaic.version = 14 : i64} {
  func.func @_enc_vq_body(%arg0: memref<4x80x66xf32, #tpu.memory_space<vmem>>, %arg1: memref<3x512x80xf32, #tpu.memory_space<vmem>>, %arg2: memref<3x512x512xf32, #tpu.memory_space<vmem>>, %arg3: memref<4x512x512xf32, #tpu.memory_space<vmem>>, %arg4: memref<3x512x512xf32, #tpu.memory_space<vmem>>, %arg5: memref<3x512x512xf32, #tpu.memory_space<vmem>>, %arg6: memref<64x512xf32, #tpu.memory_space<vmem>>, %arg7: memref<64x1xf32, #tpu.memory_space<vmem>>, %arg8: memref<512x1xf32, #tpu.memory_space<vmem>>, %arg9: memref<512x1xf32, #tpu.memory_space<vmem>>, %arg10: memref<512x1xf32, #tpu.memory_space<vmem>>, %arg11: memref<512x1xf32, #tpu.memory_space<vmem>>, %arg12: memref<512x1xf32, #tpu.memory_space<vmem>>, %arg13: memref<512x1xf32, #tpu.memory_space<vmem>>, %arg14: memref<512x1xf32, #tpu.memory_space<vmem>>, %arg15: memref<512x1xf32, #tpu.memory_space<vmem>>, %arg16: memref<512x1xf32, #tpu.memory_space<vmem>>, %arg17: memref<512x1xf32, #tpu.memory_space<vmem>>, %arg18: memref<512x64xf32, #tpu.memory_space<vmem>>, %arg19: memref<64x512xf32, #tpu.memory_space<vmem>>, %arg20: memref<4x64x32xf32, #tpu.memory_space<vmem>>, %arg21: memref<1x1xf32, #tpu.memory_space<vmem>>, %arg22: memref<1x1xf32, #tpu.memory_space<vmem>>, %arg23: memref<4x512x64xf32, #tpu.memory_space<vmem>>, %arg24: memref<4x512x64xf32, #tpu.memory_space<vmem>>, %arg25: memref<4x512x32xf32, #tpu.memory_space<vmem>>, %arg26: memref<4x512x32xf32, #tpu.memory_space<vmem>>) attributes {dimension_semantics = [], scalar_prefetch = 0 : i64, scratch_operands = 4 : i64, tpu.core_type = #tpu.core_type<tc>} {
    %iota3A = tpu.iota {dimensions = array<i32: 0>} : vector<66x64xi32>
    %iota3A_0 = tpu.iota {dimensions = array<i32: 1>} : vector<66x64xi32>
    %add3A = arith.constant 0 : i32
    %add3A_1 = vector.broadcast %add3A : i32 to vector<66x64xi32>
    %add3A_2 = arith.addi %iota3A_0, %add3A_1 : vector<66x64xi32>
    %eq3A = arith.cmpi eq, %iota3A, %add3A_2 : vector<66x64xi32>
    %convert_element_type3A = arith.extui %eq3A : vector<66x64xi1> to vector<66x64xi32>
    %convert_element_type3A_3 = arith.sitofp %convert_element_type3A : vector<66x64xi32> to vector<66x64xf32>
    %iota3A_4 = tpu.iota {dimensions = array<i32: 0>} : vector<66x64xi32>
    %iota3A_5 = tpu.iota {dimensions = array<i32: 1>} : vector<66x64xi32>
    %add3A_6 = arith.constant 1 : i32
    %add3A_7 = vector.broadcast %add3A_6 : i32 to vector<66x64xi32>
    %add3A_8 = arith.addi %iota3A_5, %add3A_7 : vector<66x64xi32>
    %eq3A_9 = arith.cmpi eq, %iota3A_4, %add3A_8 : vector<66x64xi32>
    %convert_element_type3A_10 = arith.extui %eq3A_9 : vector<66x64xi1> to vector<66x64xi32>
    %convert_element_type3A_11 = arith.sitofp %convert_element_type3A_10 : vector<66x64xi32> to vector<66x64xf32>
    %iota3A_12 = tpu.iota {dimensions = array<i32: 0>} : vector<66x64xi32>
    %iota3A_13 = tpu.iota {dimensions = array<i32: 1>} : vector<66x64xi32>
    %add3A_14 = arith.constant 2 : i32
    %add3A_15 = vector.broadcast %add3A_14 : i32 to vector<66x64xi32>
    %add3A_16 = arith.addi %iota3A_13, %add3A_15 : vector<66x64xi32>
    %eq3A_17 = arith.cmpi eq, %iota3A_12, %add3A_16 : vector<66x64xi32>
    %convert_element_type3A_18 = arith.extui %eq3A_17 : vector<66x64xi1> to vector<66x64xi32>
    %convert_element_type3A_19 = arith.sitofp %convert_element_type3A_18 : vector<66x64xi32> to vector<66x64xf32>
    %get3A = arith.constant 0 : index
    %get3A_20 = arith.constant 0 : index
    %get3A_21 = arith.constant 0 : index
    %get3A_22 = vector.load %arg1[%get3A, %get3A_20, %get3A_21] : memref<3x512x80xf32, #tpu.memory_space<vmem>>, vector<1x512x80xf32>
    %get3A_23 = vector.shape_cast %get3A_22 : vector<1x512x80xf32> to vector<512x80xf32>
    %get3A_24 = arith.constant 0 : index
    %get3A_25 = arith.constant 0 : index
    %get3A_26 = arith.constant 0 : index
    %get3A_27 = vector.load %arg0[%get3A_24, %get3A_25, %get3A_26] : memref<4x80x66xf32, #tpu.memory_space<vmem>>, vector<1x80x66xf32>
    %get3A_28 = vector.shape_cast %get3A_27 : vector<1x80x66xf32> to vector<80x66xf32>
    %dot_general3A = arith.constant dense<0.000000e+00> : vector<512x66xf32>
    %dot_general3A_29 = tpu.matmul %get3A_23, %get3A_28, %dot_general3A {dimension_numbers = #tpu.dot_dimension_numbers<[1], [0], [0], [1], [0, 0, 1, 1], [], []>, transpose_lhs_hint = false} : vector<512x80xf32>, vector<80x66xf32>, vector<512x66xf32> -> vector<512x66xf32>
    %dot_general3A_30 = arith.constant dense<0.000000e+00> : vector<512x64xf32>
    %dot_general3A_31 = tpu.matmul %dot_general3A_29, %convert_element_type3A_3, %dot_general3A_30 {dimension_numbers = #tpu.dot_dimension_numbers<[1], [0], [0], [1], [0, 0, 1, 1], [], []>, transpose_lhs_hint = false} : vector<512x66xf32>, vector<66x64xf32>, vector<512x64xf32> -> vector<512x64xf32>
    %get3A_32 = arith.constant 1 : index
    %get3A_33 = arith.constant 0 : index
    %get3A_34 = arith.constant 0 : index
    %get3A_35 = vector.load %arg1[%get3A_32, %get3A_33, %get3A_34] : memref<3x512x80xf32, #tpu.memory_space<vmem>>, vector<1x512x80xf32>
    %get3A_36 = vector.shape_cast %get3A_35 : vector<1x512x80xf32> to vector<512x80xf32>
    %get3A_37 = arith.constant 0 : index
    %get3A_38 = arith.constant 0 : index
    %get3A_39 = arith.constant 0 : index
    %get3A_40 = vector.load %arg0[%get3A_37, %get3A_38, %get3A_39] : memref<4x80x66xf32, #tpu.memory_space<vmem>>, vector<1x80x66xf32>
    %get3A_41 = vector.shape_cast %get3A_40 : vector<1x80x66xf32> to vector<80x66xf32>
    %dot_general3A_42 = arith.constant dense<0.000000e+00> : vector<512x66xf32>
    %dot_general3A_43 = tpu.matmul %get3A_36, %get3A_41, %dot_general3A_42 {dimension_numbers = #tpu.dot_dimension_numbers<[1], [0], [0], [1], [0, 0, 1, 1], [], []>, transpose_lhs_hint = false} : vector<512x80xf32>, vector<80x66xf32>, vector<512x66xf32> -> vector<512x66xf32>
    %dot_general3A_44 = arith.constant dense<0.000000e+00> : vector<512x64xf32>
    %dot_general3A_45 = tpu.matmul %dot_general3A_43, %convert_element_type3A_11, %dot_general3A_44 {dimension_numbers = #tpu.dot_dimension_numbers<[1], [0], [0], [1], [0, 0, 1, 1], [], []>, transpose_lhs_hint = false} : vector<512x66xf32>, vector<66x64xf32>, vector<512x64xf32> -> vector<512x64xf32>
    %add3A_46 = arith.addf %dot_general3A_31, %dot_general3A_45 : vector<512x64xf32>
    %get3A_47 = arith.constant 2 : index
    %get3A_48 = arith.constant 0 : index
    %get3A_49 = arith.constant 0 : index
    %get3A_50 = vector.load %arg1[%get3A_47, %get3A_48, %get3A_49] : memref<3x512x80xf32, #tpu.memory_space<vmem>>, vector<1x512x80xf32>
    %get3A_51 = vector.shape_cast %get3A_50 : vector<1x512x80xf32> to vector<512x80xf32>
    %get3A_52 = arith.constant 0 : index
    %get3A_53 = arith.constant 0 : index
    %get3A_54 = arith.constant 0 : index
    %get3A_55 = vector.load %arg0[%get3A_52, %get3A_53, %get3A_54] : memref<4x80x66xf32, #tpu.memory_space<vmem>>, vector<1x80x66xf32>
    %get3A_56 = vector.shape_cast %get3A_55 : vector<1x80x66xf32> to vector<80x66xf32>
    %dot_general3A_57 = arith.constant dense<0.000000e+00> : vector<512x66xf32>
    %dot_general3A_58 = tpu.matmul %get3A_51, %get3A_56, %dot_general3A_57 {dimension_numbers = #tpu.dot_dimension_numbers<[1], [0], [0], [1], [0, 0, 1, 1], [], []>, transpose_lhs_hint = false} : vector<512x80xf32>, vector<80x66xf32>, vector<512x66xf32> -> vector<512x66xf32>
    %dot_general3A_59 = arith.constant dense<0.000000e+00> : vector<512x64xf32>
    %dot_general3A_60 = tpu.matmul %dot_general3A_58, %convert_element_type3A_19, %dot_general3A_59 {dimension_numbers = #tpu.dot_dimension_numbers<[1], [0], [0], [1], [0, 0, 1, 1], [], []>, transpose_lhs_hint = false} : vector<512x66xf32>, vector<66x64xf32>, vector<512x64xf32> -> vector<512x64xf32>
    %add3A_61 = arith.addf %add3A_46, %dot_general3A_60 : vector<512x64xf32>
    %swap3A = arith.constant 0 : index
    %swap3A_62 = arith.constant 0 : index
    %swap3A_63 = arith.constant 0 : index
    %swap3A_64 = vector.load %arg23[%swap3A, %swap3A_62, %swap3A_63] : memref<4x512x64xf32, #tpu.memory_space<vmem>>, vector<1x512x64xf32>
    %swap3A_65 = vector.shape_cast %swap3A_64 : vector<1x512x64xf32> to vector<512x64xf32>
    %swap3A_66 = vector.shape_cast %add3A_61 : vector<512x64xf32> to vector<1x512x64xf32>
    tpu.vector_store %arg23[%swap3A, %swap3A_62, %swap3A_63], %swap3A_66 {strides = array<i32>} : memref<4x512x64xf32, #tpu.memory_space<vmem>>, vector<1x512x64xf32>,
    %get3A_67 = arith.constant 0 : index
    %get3A_68 = arith.constant 0 : index
    %get3A_69 = arith.constant 0 : index
    %get3A_70 = vector.load %arg1[%get3A_67, %get3A_68, %get3A_69] : memref<3x512x80xf32, #tpu.memory_space<vmem>>, vector<1x512x80xf32>
    %get3A_71 = vector.shape_cast %get3A_70 : vector<1x512x80xf32> to vector<512x80xf32>
    %get3A_72 = arith.constant 1 : index
    %get3A_73 = arith.constant 0 : index
    %get3A_74 = arith.constant 0 : index
    %get3A_75 = vector.load %arg0[%get3A_72, %get3A_73, %get3A_74] : memref<4x80x66xf32, #tpu.memory_space<vmem>>, vector<1x80x66xf32>
    %get3A_76 = vector.shape_cast %get3A_75 : vector<1x80x66xf32> to vector<80x66xf32>
    %dot_general3A_77 = arith.constant dense<0.000000e+00> : vector<512x66xf32>
    %dot_general3A_78 = tpu.matmul %get3A_71, %get3A_76, %dot_general3A_77 {dimension_numbers = #tpu.dot_dimension_numbers<[1], [0], [0], [1], [0, 0, 1, 1], [], []>, transpose_lhs_hint = false} : vector<512x80xf32>, vector<80x66xf32>, vector<512x66xf32> -> vector<512x66xf32>
    %dot_general3A_79 = arith.constant dense<0.000000e+00> : vector<512x64xf32>
    %dot_general3A_80 = tpu.matmul %dot_general3A_78, %convert_element_type3A_3, %dot_general3A_79 {dimension_numbers = #tpu.dot_dimension_numbers<[1], [0], [0], [1], [0, 0, 1, 1], [], []>, transpose_lhs_hint = false} : vector<512x66xf32>, vector<66x64xf32>, vector<512x64xf32> -> vector<512x64xf32>
    %get3A_81 = arith.constant 1 : index
    %get3A_82 = arith.constant 0 : index
    %get3A_83 = arith.constant 0 : index
    %get3A_84 = vector.load %arg1[%get3A_81, %get3A_82, %get3A_83] : memref<3x512x80xf32, #tpu.memory_space<vmem>>, vector<1x512x80xf32>
    %get3A_85 = vector.shape_cast %get3A_84 : vector<1x512x80xf32> to vector<512x80xf32>
    %get3A_86 = arith.constant 1 : index
    %get3A_87 = arith.constant 0 : index
    %get3A_88 = arith.constant 0 : index
    %get3A_89 = vector.load %arg0[%get3A_86, %get3A_87, %get3A_88] : memref<4x80x66xf32, #tpu.memory_space<vmem>>, vector<1x80x66xf32>
    %get3A_90 = vector.shape_cast %get3A_89 : vector<1x80x66xf32> to vector<80x66xf32>
    %dot_general3A_91 = arith.constant dense<0.000000e+00> : vector<512x66xf32>
    %dot_general3A_92 = tpu.matmul %get3A_85, %get3A_90, %dot_general3A_91 {dimension_numbers = #tpu.dot_dimension_numbers<[1], [0], [0], [1], [0, 0, 1, 1], [], []>, transpose_lhs_hint = false} : vector<512x80xf32>, vector<80x66xf32>, vector<512x66xf32> -> vector<512x66xf32>
    %dot_general3A_93 = arith.constant dense<0.000000e+00> : vector<512x64xf32>
    %dot_general3A_94 = tpu.matmul %dot_general3A_92, %convert_element_type3A_11, %dot_general3A_93 {dimension_numbers = #tpu.dot_dimension_numbers<[1], [0], [0], [1], [0, 0, 1, 1], [], []>, transpose_lhs_hint = false} : vector<512x66xf32>, vector<66x64xf32>, vector<512x64xf32> -> vector<512x64xf32>
    %add3A_95 = arith.addf %dot_general3A_80, %dot_general3A_94 : vector<512x64xf32>
    %get3A_96 = arith.constant 2 : index
    %get3A_97 = arith.constant 0 : index
    %get3A_98 = arith.constant 0 : index
    %get3A_99 = vector.load %arg1[%get3A_96, %get3A_97, %get3A_98] : memref<3x512x80xf32, #tpu.memory_space<vmem>>, vector<1x512x80xf32>
    %get3A_100 = vector.shape_cast %get3A_99 : vector<1x512x80xf32> to vector<512x80xf32>
    %get3A_101 = arith.constant 1 : index
    %get3A_102 = arith.constant 0 : index
    %get3A_103 = arith.constant 0 : index
    %get3A_104 = vector.load %arg0[%get3A_101, %get3A_102, %get3A_103] : memref<4x80x66xf32, #tpu.memory_space<vmem>>, vector<1x80x66xf32>
    %get3A_105 = vector.shape_cast %get3A_104 : vector<1x80x66xf32> to vector<80x66xf32>
    %dot_general3A_106 = arith.constant dense<0.000000e+00> : vector<512x66xf32>
    %dot_general3A_107 = tpu.matmul %get3A_100, %get3A_105, %dot_general3A_106 {dimension_numbers = #tpu.dot_dimension_numbers<[1], [0], [0], [1], [0, 0, 1, 1], [], []>, transpose_lhs_hint = false} : vector<512x80xf32>, vector<80x66xf32>, vector<512x66xf32> -> vector<512x66xf32>
    %dot_general3A_108 = arith.constant dense<0.000000e+00> : vector<512x64xf32>
    %dot_general3A_109 = tpu.matmul %dot_general3A_107, %convert_element_type3A_19, %dot_general3A_108 {dimension_numbers = #tpu.dot_dimension_numbers<[1], [0], [0], [1], [0, 0, 1, 1], [], []>, transpose_lhs_hint = false} : vector<512x66xf32>, vector<66x64xf32>, vector<512x64xf32> -> vector<512x64xf32>
    %add3A_110 = arith.addf %add3A_95, %dot_general3A_109 : vector<512x64xf32>
    %swap3A_111 = arith.constant 1 : index
    %swap3A_112 = arith.constant 0 : index
    %swap3A_113 = arith.constant 0 : index
    %swap3A_114 = vector.load %arg23[%swap3A_111, %swap3A_112, %swap3A_113] : memref<4x512x64xf32, #tpu.memory_space<vmem>>, vector<1x512x64xf32>
    %swap3A_115 = vector.shape_cast %swap3A_114 : vector<1x512x64xf32> to vector<512x64xf32>
    %swap3A_116 = vector.shape_cast %add3A_110 : vector<512x64xf32> to vector<1x512x64xf32>
    tpu.vector_store %arg23[%swap3A_111, %swap3A_112, %swap3A_113], %swap3A_116 {strides = array<i32>} : memref<4x512x64xf32, #tpu.memory_space<vmem>>, vector<1x512x64xf32>,
    %get3A_117 = arith.constant 0 : index
    %get3A_118 = arith.constant 0 : index
    %get3A_119 = arith.constant 0 : index
    %get3A_120 = vector.load %arg1[%get3A_117, %get3A_118, %get3A_119] : memref<3x512x80xf32, #tpu.memory_space<vmem>>, vector<1x512x80xf32>
    %get3A_121 = vector.shape_cast %get3A_120 : vector<1x512x80xf32> to vector<512x80xf32>
    %get3A_122 = arith.constant 2 : index
    %get3A_123 = arith.constant 0 : index
    %get3A_124 = arith.constant 0 : index
    %get3A_125 = vector.load %arg0[%get3A_122, %get3A_123, %get3A_124] : memref<4x80x66xf32, #tpu.memory_space<vmem>>, vector<1x80x66xf32>
    %get3A_126 = vector.shape_cast %get3A_125 : vector<1x80x66xf32> to vector<80x66xf32>
    %dot_general3A_127 = arith.constant dense<0.000000e+00> : vector<512x66xf32>
    %dot_general3A_128 = tpu.matmul %get3A_121, %get3A_126, %dot_general3A_127 {dimension_numbers = #tpu.dot_dimension_numbers<[1], [0], [0], [1], [0, 0, 1, 1], [], []>, transpose_lhs_hint = false} : vector<512x80xf32>, vector<80x66xf32>, vector<512x66xf32> -> vector<512x66xf32>
    %dot_general3A_129 = arith.constant dense<0.000000e+00> : vector<512x64xf32>
    %dot_general3A_130 = tpu.matmul %dot_general3A_128, %convert_element_type3A_3, %dot_general3A_129 {dimension_numbers = #tpu.dot_dimension_numbers<[1], [0], [0], [1], [0, 0, 1, 1], [], []>, transpose_lhs_hint = false} : vector<512x66xf32>, vector<66x64xf32>, vector<512x64xf32> -> vector<512x64xf32>
    %get3A_131 = arith.constant 1 : index
    %get3A_132 = arith.constant 0 : index
    %get3A_133 = arith.constant 0 : index
    %get3A_134 = vector.load %arg1[%get3A_131, %get3A_132, %get3A_133] : memref<3x512x80xf32, #tpu.memory_space<vmem>>, vector<1x512x80xf32>
    %get3A_135 = vector.shape_cast %get3A_134 : vector<1x512x80xf32> to vector<512x80xf32>
    %get3A_136 = arith.constant 2 : index
    %get3A_137 = arith.constant 0 : index
    %get3A_138 = arith.constant 0 : index
    %get3A_139 = vector.load %arg0[%get3A_136, %get3A_137, %get3A_138] : memref<4x80x66xf32, #tpu.memory_space<vmem>>, vector<1x80x66xf32>
    %get3A_140 = vector.shape_cast %get3A_139 : vector<1x80x66xf32> to vector<80x66xf32>
    %dot_general3A_141 = arith.constant dense<0.000000e+00> : vector<512x66xf32>
    %dot_general3A_142 = tpu.matmul %get3A_135, %get3A_140, %dot_general3A_141 {dimension_numbers = #tpu.dot_dimension_numbers<[1], [0], [0], [1], [0, 0, 1, 1], [], []>, transpose_lhs_hint = false} : vector<512x80xf32>, vector<80x66xf32>, vector<512x66xf32> -> vector<512x66xf32>
    %dot_general3A_143 = arith.constant dense<0.000000e+00> : vector<512x64xf32>
    %dot_general3A_144 = tpu.matmul %dot_general3A_142, %convert_element_type3A_11, %dot_general3A_143 {dimension_numbers = #tpu.dot_dimension_numbers<[1], [0], [0], [1], [0, 0, 1, 1], [], []>, transpose_lhs_hint = false} : vector<512x66xf32>, vector<66x64xf32>, vector<512x64xf32> -> vector<512x64xf32>
    %add3A_145 = arith.addf %dot_general3A_130, %dot_general3A_144 : vector<512x64xf32>
    %get3A_146 = arith.constant 2 : index
    %get3A_147 = arith.constant 0 : index
    %get3A_148 = arith.constant 0 : index
    %get3A_149 = vector.load %arg1[%get3A_146, %get3A_147, %get3A_148] : memref<3x512x80xf32, #tpu.memory_space<vmem>>, vector<1x512x80xf32>
    %get3A_150 = vector.shape_cast %get3A_149 : vector<1x512x80xf32> to vector<512x80xf32>
    %get3A_151 = arith.constant 2 : index
    %get3A_152 = arith.constant 0 : index
    %get3A_153 = arith.constant 0 : index
    %get3A_154 = vector.load %arg0[%get3A_151, %get3A_152, %get3A_153] : memref<4x80x66xf32, #tpu.memory_space<vmem>>, vector<1x80x66xf32>
    %get3A_155 = vector.shape_cast %get3A_154 : vector<1x80x66xf32> to vector<80x66xf32>
    %dot_general3A_156 = arith.constant dense<0.000000e+00> : vector<512x66xf32>
    %dot_general3A_157 = tpu.matmul %get3A_150, %get3A_155, %dot_general3A_156 {dimension_numbers = #tpu.dot_dimension_numbers<[1], [0], [0], [1], [0, 0, 1, 1], [], []>, transpose_lhs_hint = false} : vector<512x80xf32>, vector<80x66xf32>, vector<512x66xf32> -> vector<512x66xf32>
    %dot_general3A_158 = arith.constant dense<0.000000e+00> : vector<512x64xf32>
    %dot_general3A_159 = tpu.matmul %dot_general3A_157, %convert_element_type3A_19, %dot_general3A_158 {dimension_numbers = #tpu.dot_dimension_numbers<[1], [0], [0], [1], [0, 0, 1, 1], [], []>, transpose_lhs_hint = false} : vector<512x66xf32>, vector<66x64xf32>, vector<512x64xf32> -> vector<512x64xf32>
    %add3A_160 = arith.addf %add3A_145, %dot_general3A_159 : vector<512x64xf32>
    %swap3A_161 = arith.constant 2 : index
    %swap3A_162 = arith.constant 0 : index
    %swap3A_163 = arith.constant 0 : index
    %swap3A_164 = vector.load %arg23[%swap3A_161, %swap3A_162, %swap3A_163] : memref<4x512x64xf32, #tpu.memory_space<vmem>>, vector<1x512x64xf32>
    %swap3A_165 = vector.shape_cast %swap3A_164 : vector<1x512x64xf32> to vector<512x64xf32>
    %swap3A_166 = vector.shape_cast %add3A_160 : vector<512x64xf32> to vector<1x512x64xf32>
    tpu.vector_store %arg23[%swap3A_161, %swap3A_162, %swap3A_163], %swap3A_166 {strides = array<i32>} : memref<4x512x64xf32, #tpu.memory_space<vmem>>, vector<1x512x64xf32>,
    %get3A_167 = arith.constant 0 : index
    %get3A_168 = arith.constant 0 : index
    %get3A_169 = arith.constant 0 : index
    %get3A_170 = vector.load %arg1[%get3A_167, %get3A_168, %get3A_169] : memref<3x512x80xf32, #tpu.memory_space<vmem>>, vector<1x512x80xf32>
    %get3A_171 = vector.shape_cast %get3A_170 : vector<1x512x80xf32> to vector<512x80xf32>
    %get3A_172 = arith.constant 3 : index
    %get3A_173 = arith.constant 0 : index
    %get3A_174 = arith.constant 0 : index
    %get3A_175 = vector.load %arg0[%get3A_172, %get3A_173, %get3A_174] : memref<4x80x66xf32, #tpu.memory_space<vmem>>, vector<1x80x66xf32>
    %get3A_176 = vector.shape_cast %get3A_175 : vector<1x80x66xf32> to vector<80x66xf32>
    %dot_general3A_177 = arith.constant dense<0.000000e+00> : vector<512x66xf32>
    %dot_general3A_178 = tpu.matmul %get3A_171, %get3A_176, %dot_general3A_177 {dimension_numbers = #tpu.dot_dimension_numbers<[1], [0], [0], [1], [0, 0, 1, 1], [], []>, transpose_lhs_hint = false} : vector<512x80xf32>, vector<80x66xf32>, vector<512x66xf32> -> vector<512x66xf32>
    %dot_general3A_179 = arith.constant dense<0.000000e+00> : vector<512x64xf32>
    %dot_general3A_180 = tpu.matmul %dot_general3A_178, %convert_element_type3A_3, %dot_general3A_179 {dimension_numbers = #tpu.dot_dimension_numbers<[1], [0], [0], [1], [0, 0, 1, 1], [], []>, transpose_lhs_hint = false} : vector<512x66xf32>, vector<66x64xf32>, vector<512x64xf32> -> vector<512x64xf32>
    %get3A_181 = arith.constant 1 : index
    %get3A_182 = arith.constant 0 : index
    %get3A_183 = arith.constant 0 : index
    %get3A_184 = vector.load %arg1[%get3A_181, %get3A_182, %get3A_183] : memref<3x512x80xf32, #tpu.memory_space<vmem>>, vector<1x512x80xf32>
    %get3A_185 = vector.shape_cast %get3A_184 : vector<1x512x80xf32> to vector<512x80xf32>
    %get3A_186 = arith.constant 3 : index
    %get3A_187 = arith.constant 0 : index
    %get3A_188 = arith.constant 0 : index
    %get3A_189 = vector.load %arg0[%get3A_186, %get3A_187, %get3A_188] : memref<4x80x66xf32, #tpu.memory_space<vmem>>, vector<1x80x66xf32>
    %get3A_190 = vector.shape_cast %get3A_189 : vector<1x80x66xf32> to vector<80x66xf32>
    %dot_general3A_191 = arith.constant dense<0.000000e+00> : vector<512x66xf32>
    %dot_general3A_192 = tpu.matmul %get3A_185, %get3A_190, %dot_general3A_191 {dimension_numbers = #tpu.dot_dimension_numbers<[1], [0], [0], [1], [0, 0, 1, 1], [], []>, transpose_lhs_hint = false} : vector<512x80xf32>, vector<80x66xf32>, vector<512x66xf32> -> vector<512x66xf32>
    %dot_general3A_193 = arith.constant dense<0.000000e+00> : vector<512x64xf32>
    %dot_general3A_194 = tpu.matmul %dot_general3A_192, %convert_element_type3A_11, %dot_general3A_193 {dimension_numbers = #tpu.dot_dimension_numbers<[1], [0], [0], [1], [0, 0, 1, 1], [], []>, transpose_lhs_hint = false} : vector<512x66xf32>, vector<66x64xf32>, vector<512x64xf32> -> vector<512x64xf32>
    %add3A_195 = arith.addf %dot_general3A_180, %dot_general3A_194 : vector<512x64xf32>
    %get3A_196 = arith.constant 2 : index
    %get3A_197 = arith.constant 0 : index
    %get3A_198 = arith.constant 0 : index
    %get3A_199 = vector.load %arg1[%get3A_196, %get3A_197, %get3A_198] : memref<3x512x80xf32, #tpu.memory_space<vmem>>, vector<1x512x80xf32>
    %get3A_200 = vector.shape_cast %get3A_199 : vector<1x512x80xf32> to vector<512x80xf32>
    %get3A_201 = arith.constant 3 : index
    %get3A_202 = arith.constant 0 : index
    %get3A_203 = arith.constant 0 : index
    %get3A_204 = vector.load %arg0[%get3A_201, %get3A_202, %get3A_203] : memref<4x80x66xf32, #tpu.memory_space<vmem>>, vector<1x80x66xf32>
    %get3A_205 = vector.shape_cast %get3A_204 : vector<1x80x66xf32> to vector<80x66xf32>
    %dot_general3A_206 = arith.constant dense<0.000000e+00> : vector<512x66xf32>
    %dot_general3A_207 = tpu.matmul %get3A_200, %get3A_205, %dot_general3A_206 {dimension_numbers = #tpu.dot_dimension_numbers<[1], [0], [0], [1], [0, 0, 1, 1], [], []>, transpose_lhs_hint = false} : vector<512x80xf32>, vector<80x66xf32>, vector<512x66xf32> -> vector<512x66xf32>
    %dot_general3A_208 = arith.constant dense<0.000000e+00> : vector<512x64xf32>
    %dot_general3A_209 = tpu.matmul %dot_general3A_207, %convert_element_type3A_19, %dot_general3A_208 {dimension_numbers = #tpu.dot_dimension_numbers<[1], [0], [0], [1], [0, 0, 1, 1], [], []>, transpose_lhs_hint = false} : vector<512x66xf32>, vector<66x64xf32>, vector<512x64xf32> -> vector<512x64xf32>
    %add3A_210 = arith.addf %add3A_195, %dot_general3A_209 : vector<512x64xf32>
    %swap3A_211 = arith.constant 3 : index
    %swap3A_212 = arith.constant 0 : index
    %swap3A_213 = arith.constant 0 : index
    %swap3A_214 = vector.load %arg23[%swap3A_211, %swap3A_212, %swap3A_213] : memref<4x512x64xf32, #tpu.memory_space<vmem>>, vector<1x512x64xf32>
    %swap3A_215 = vector.shape_cast %swap3A_214 : vector<1x512x64xf32> to vector<512x64xf32>
    %swap3A_216 = vector.shape_cast %add3A_210 : vector<512x64xf32> to vector<1x512x64xf32>
    tpu.vector_store %arg23[%swap3A_211, %swap3A_212, %swap3A_213], %swap3A_216 {strides = array<i32>} : memref<4x512x64xf32, #tpu.memory_space<vmem>>, vector<1x512x64xf32>,
    %get3A_217 = arith.constant 0 : index
    %get3A_218 = arith.constant 0 : index
    %get3A_219 = arith.constant 0 : index
    %get3A_220 = vector.load %arg23[%get3A_217, %get3A_218, %get3A_219] : memref<4x512x64xf32, #tpu.memory_space<vmem>>, vector<1x512x64xf32>
    %get3A_221 = vector.shape_cast %get3A_220 : vector<1x512x64xf32> to vector<512x64xf32>
    %get3A_222 = arith.constant 1 : index
    %get3A_223 = arith.constant 0 : index
    %get3A_224 = arith.constant 0 : index
    %get3A_225 = vector.load %arg23[%get3A_222, %get3A_223, %get3A_224] : memref<4x512x64xf32, #tpu.memory_space<vmem>>, vector<1x512x64xf32>
    %get3A_226 = vector.shape_cast %get3A_225 : vector<1x512x64xf32> to vector<512x64xf32>
    %add3A_227 = arith.addf %get3A_221, %get3A_226 : vector<512x64xf32>
    %get3A_228 = arith.constant 2 : index
    %get3A_229 = arith.constant 0 : index
    %get3A_230 = arith.constant 0 : index
    %get3A_231 = vector.load %arg23[%get3A_228, %get3A_229, %get3A_230] : memref<4x512x64xf32, #tpu.memory_space<vmem>>, vector<1x512x64xf32>
    %get3A_232 = vector.shape_cast %get3A_231 : vector<1x512x64xf32> to vector<512x64xf32>
    %add3A_233 = arith.addf %add3A_227, %get3A_232 : vector<512x64xf32>
    %get3A_234 = arith.constant 3 : index
    %get3A_235 = arith.constant 0 : index
    %get3A_236 = arith.constant 0 : index
    %get3A_237 = vector.load %arg23[%get3A_234, %get3A_235, %get3A_236] : memref<4x512x64xf32, #tpu.memory_space<vmem>>, vector<1x512x64xf32>
    %get3A_238 = vector.shape_cast %get3A_237 : vector<1x512x64xf32> to vector<512x64xf32>
    %add3A_239 = arith.addf %add3A_233, %get3A_238 : vector<512x64xf32>
    %reduce_sum3A = arith.constant dense<0.000000e+00> : vector<512xf32>
    %reduce_sum3A_240 = vector.multi_reduction <add>, %add3A_239, %reduce_sum3A [1] : vector<512x64xf32> to vector<512xf32>
    %broadcast_in_dim3A = vector.shape_cast %reduce_sum3A_240 : vector<512xf32> to vector<512x1xf32>
    %div3A = arith.constant 2.560000e+02 : f32
    %div3A_241 = vector.broadcast %div3A : f32 to vector<512x1xf32>
    %div3A_242 = arith.divf %broadcast_in_dim3A, %div3A_241 : vector<512x1xf32>
    %get3A_243 = arith.constant 0 : index
    %get3A_244 = arith.constant 0 : index
    %get3A_245 = arith.constant 0 : index
    %get3A_246 = vector.load %arg23[%get3A_243, %get3A_244, %get3A_245] : memref<4x512x64xf32, #tpu.memory_space<vmem>>, vector<1x512x64xf32>
    %get3A_247 = vector.shape_cast %get3A_246 : vector<1x512x64xf32> to vector<512x64xf32>
    %integer_pow3A = arith.mulf %get3A_247, %get3A_247 : vector<512x64xf32>
    %get3A_248 = arith.constant 1 : index
    %get3A_249 = arith.constant 0 : index
    %get3A_250 = arith.constant 0 : index
    %get3A_251 = vector.load %arg23[%get3A_248, %get3A_249, %get3A_250] : memref<4x512x64xf32, #tpu.memory_space<vmem>>, vector<1x512x64xf32>
    %get3A_252 = vector.shape_cast %get3A_251 : vector<1x512x64xf32> to vector<512x64xf32>
    %integer_pow3A_253 = arith.mulf %get3A_252, %get3A_252 : vector<512x64xf32>
    %add3A_254 = arith.addf %integer_pow3A, %integer_pow3A_253 : vector<512x64xf32>
    %get3A_255 = arith.constant 2 : index
    %get3A_256 = arith.constant 0 : index
    %get3A_257 = arith.constant 0 : index
    %get3A_258 = vector.load %arg23[%get3A_255, %get3A_256, %get3A_257] : memref<4x512x64xf32, #tpu.memory_space<vmem>>, vector<1x512x64xf32>
    %get3A_259 = vector.shape_cast %get3A_258 : vector<1x512x64xf32> to vector<512x64xf32>
    %integer_pow3A_260 = arith.mulf %get3A_259, %get3A_259 : vector<512x64xf32>
    %add3A_261 = arith.addf %add3A_254, %integer_pow3A_260 : vector<512x64xf32>
    %get3A_262 = arith.constant 3 : index
    %get3A_263 = arith.constant 0 : index
    %get3A_264 = arith.constant 0 : index
    %get3A_265 = vector.load %arg23[%get3A_262, %get3A_263, %get3A_264] : memref<4x512x64xf32, #tpu.memory_space<vmem>>, vector<1x512x64xf32>
    %get3A_266 = vector.shape_cast %get3A_265 : vector<1x512x64xf32> to vector<512x64xf32>
    %integer_pow3A_267 = arith.mulf %get3A_266, %get3A_266 : vector<512x64xf32>
    %add3A_268 = arith.addf %add3A_261, %integer_pow3A_267 : vector<512x64xf32>
    %reduce_sum3A_269 = arith.constant dense<0.000000e+00> : vector<512xf32>
    %reduce_sum3A_270 = vector.multi_reduction <add>, %add3A_268, %reduce_sum3A_269 [1] : vector<512x64xf32> to vector<512xf32>
    %broadcast_in_dim3A_271 = vector.shape_cast %reduce_sum3A_270 : vector<512xf32> to vector<512x1xf32>
    %div3A_272 = arith.constant 2.560000e+02 : f32
    %div3A_273 = vector.broadcast %div3A_272 : f32 to vector<512x1xf32>
    %div3A_274 = arith.divf %broadcast_in_dim3A_271, %div3A_273 : vector<512x1xf32>
    %integer_pow3A_275 = arith.mulf %div3A_242, %div3A_242 : vector<512x1xf32>
    %sub3A = arith.subf %div3A_274, %integer_pow3A_275 : vector<512x1xf32>
    %get3A_276 = arith.constant 0 : index
    %get3A_277 = arith.constant 0 : index
    %get3A_278 = vector.load %arg8[%get3A_276, %get3A_277] : memref<512x1xf32, #tpu.memory_space<vmem>>, vector<512x1xf32>
    %add3A_279 = arith.constant 9.99999974E-6 : f32
    %add3A_280 = vector.broadcast %add3A_279 : f32 to vector<512x1xf32>
    %add3A_281 = arith.addf %sub3A, %add3A_280 : vector<512x1xf32>
    %sqrt3A = math.sqrt %add3A_281 : vector<512x1xf32>
    %div3A_282 = arith.divf %get3A_278, %sqrt3A : vector<512x1xf32>
    %get3A_283 = arith.constant 0 : index
    %get3A_284 = arith.constant 0 : index
    %get3A_285 = vector.load %arg9[%get3A_283, %get3A_284] : memref<512x1xf32, #tpu.memory_space<vmem>>, vector<512x1xf32>
    %mul3A = arith.mulf %div3A_282, %div3A_242 : vector<512x1xf32>
    %sub3A_286 = arith.subf %get3A_285, %mul3A : vector<512x1xf32>
    %get3A_287 = arith.constant 0 : index
    %get3A_288 = arith.constant 0 : index
    %get3A_289 = arith.constant 0 : index
    %get3A_290 = vector.load %arg23[%get3A_287, %get3A_288, %get3A_289] : memref<4x512x64xf32, #tpu.memory_space<vmem>>, vector<1x512x64xf32>
    %get3A_291 = vector.shape_cast %get3A_290 : vector<1x512x64xf32> to vector<512x64xf32>
    %mul3A_292 = vector.broadcast %div3A_282 : vector<512x1xf32> to vector<512x64xf32>
    %mul3A_293 = arith.mulf %get3A_291, %mul3A_292 : vector<512x64xf32>
    %add3A_294 = vector.broadcast %sub3A_286 : vector<512x1xf32> to vector<512x64xf32>
    %add3A_295 = arith.addf %mul3A_293, %add3A_294 : vector<512x64xf32>
    %max3A = arith.constant 0.000000e+00 : f32
    %max3A_296 = vector.broadcast %max3A : f32 to vector<512x64xf32>
    %max3A_297 = arith.maximumf %add3A_295, %max3A_296 : vector<512x64xf32>
    %swap3A_298 = arith.constant 0 : index
    %swap3A_299 = arith.constant 0 : index
    %swap3A_300 = arith.constant 0 : index
    %swap3A_301 = vector.load %arg23[%swap3A_298, %swap3A_299, %swap3A_300] : memref<4x512x64xf32, #tpu.memory_space<vmem>>, vector<1x512x64xf32>
    %swap3A_302 = vector.shape_cast %swap3A_301 : vector<1x512x64xf32> to vector<512x64xf32>
    %swap3A_303 = vector.shape_cast %max3A_297 : vector<512x64xf32> to vector<1x512x64xf32>
    tpu.vector_store %arg23[%swap3A_298, %swap3A_299, %swap3A_300], %swap3A_303 {strides = array<i32>} : memref<4x512x64xf32, #tpu.memory_space<vmem>>, vector<1x512x64xf32>,
    %get3A_304 = arith.constant 1 : index
    %get3A_305 = arith.constant 0 : index
    %get3A_306 = arith.constant 0 : index
    %get3A_307 = vector.load %arg23[%get3A_304, %get3A_305, %get3A_306] : memref<4x512x64xf32, #tpu.memory_space<vmem>>, vector<1x512x64xf32>
    %get3A_308 = vector.shape_cast %get3A_307 : vector<1x512x64xf32> to vector<512x64xf32>
    %mul3A_309 = vector.broadcast %div3A_282 : vector<512x1xf32> to vector<512x64xf32>
    %mul3A_310 = arith.mulf %get3A_308, %mul3A_309 : vector<512x64xf32>
    %add3A_311 = vector.broadcast %sub3A_286 : vector<512x1xf32> to vector<512x64xf32>
    %add3A_312 = arith.addf %mul3A_310, %add3A_311 : vector<512x64xf32>
    %max3A_313 = arith.constant 0.000000e+00 : f32
    %max3A_314 = vector.broadcast %max3A_313 : f32 to vector<512x64xf32>
    %max3A_315 = arith.maximumf %add3A_312, %max3A_314 : vector<512x64xf32>
    %swap3A_316 = arith.constant 1 : index
    %swap3A_317 = arith.constant 0 : index
    %swap3A_318 = arith.constant 0 : index
    %swap3A_319 = vector.load %arg23[%swap3A_316, %swap3A_317, %swap3A_318] : memref<4x512x64xf32, #tpu.memory_space<vmem>>, vector<1x512x64xf32>
    %swap3A_320 = vector.shape_cast %swap3A_319 : vector<1x512x64xf32> to vector<512x64xf32>
    %swap3A_321 = vector.shape_cast %max3A_315 : vector<512x64xf32> to vector<1x512x64xf32>
    tpu.vector_store %arg23[%swap3A_316, %swap3A_317, %swap3A_318], %swap3A_321 {strides = array<i32>} : memref<4x512x64xf32, #tpu.memory_space<vmem>>, vector<1x512x64xf32>,
    %get3A_322 = arith.constant 2 : index
    %get3A_323 = arith.constant 0 : index
    %get3A_324 = arith.constant 0 : index
    %get3A_325 = vector.load %arg23[%get3A_322, %get3A_323, %get3A_324] : memref<4x512x64xf32, #tpu.memory_space<vmem>>, vector<1x512x64xf32>
    %get3A_326 = vector.shape_cast %get3A_325 : vector<1x512x64xf32> to vector<512x64xf32>
    %mul3A_327 = vector.broadcast %div3A_282 : vector<512x1xf32> to vector<512x64xf32>
    %mul3A_328 = arith.mulf %get3A_326, %mul3A_327 : vector<512x64xf32>
    %add3A_329 = vector.broadcast %sub3A_286 : vector<512x1xf32> to vector<512x64xf32>
    %add3A_330 = arith.addf %mul3A_328, %add3A_329 : vector<512x64xf32>
    %max3A_331 = arith.constant 0.000000e+00 : f32
    %max3A_332 = vector.broadcast %max3A_331 : f32 to vector<512x64xf32>
    %max3A_333 = arith.maximumf %add3A_330, %max3A_332 : vector<512x64xf32>
    %swap3A_334 = arith.constant 2 : index
    %swap3A_335 = arith.constant 0 : index
    %swap3A_336 = arith.constant 0 : index
    %swap3A_337 = vector.load %arg23[%swap3A_334, %swap3A_335, %swap3A_336] : memref<4x512x64xf32, #tpu.memory_space<vmem>>, vector<1x512x64xf32>
    %swap3A_338 = vector.shape_cast %swap3A_337 : vector<1x512x64xf32> to vector<512x64xf32>
    %swap3A_339 = vector.shape_cast %max3A_333 : vector<512x64xf32> to vector<1x512x64xf32>
    tpu.vector_store %arg23[%swap3A_334, %swap3A_335, %swap3A_336], %swap3A_339 {strides = array<i32>} : memref<4x512x64xf32, #tpu.memory_space<vmem>>, vector<1x512x64xf32>,
    %get3A_340 = arith.constant 3 : index
    %get3A_341 = arith.constant 0 : index
    %get3A_342 = arith.constant 0 : index
    %get3A_343 = vector.load %arg23[%get3A_340, %get3A_341, %get3A_342] : memref<4x512x64xf32, #tpu.memory_space<vmem>>, vector<1x512x64xf32>
    %get3A_344 = vector.shape_cast %get3A_343 : vector<1x512x64xf32> to vector<512x64xf32>
    %mul3A_345 = vector.broadcast %div3A_282 : vector<512x1xf32> to vector<512x64xf32>
    %mul3A_346 = arith.mulf %get3A_344, %mul3A_345 : vector<512x64xf32>
    %add3A_347 = vector.broadcast %sub3A_286 : vector<512x1xf32> to vector<512x64xf32>
    %add3A_348 = arith.addf %mul3A_346, %add3A_347 : vector<512x64xf32>
    %max3A_349 = arith.constant 0.000000e+00 : f32
    %max3A_350 = vector.broadcast %max3A_349 : f32 to vector<512x64xf32>
    %max3A_351 = arith.maximumf %add3A_348, %max3A_350 : vector<512x64xf32>
    %swap3A_352 = arith.constant 3 : index
    %swap3A_353 = arith.constant 0 : index
    %swap3A_354 = arith.constant 0 : index
    %swap3A_355 = vector.load %arg23[%swap3A_352, %swap3A_353, %swap3A_354] : memref<4x512x64xf32, #tpu.memory_space<vmem>>, vector<1x512x64xf32>
    %swap3A_356 = vector.shape_cast %swap3A_355 : vector<1x512x64xf32> to vector<512x64xf32>
    %swap3A_357 = vector.shape_cast %max3A_351 : vector<512x64xf32> to vector<1x512x64xf32>
    tpu.vector_store %arg23[%swap3A_352, %swap3A_353, %swap3A_354], %swap3A_357 {strides = array<i32>} : memref<4x512x64xf32, #tpu.memory_space<vmem>>, vector<1x512x64xf32>,
    %iota3A_358 = tpu.iota {dimensions = array<i32: 0>} : vector<64x64xi32>
    %iota3A_359 = tpu.iota {dimensions = array<i32: 1>} : vector<64x64xi32>
    %add3A_360 = arith.constant -1 : i32
    %add3A_361 = vector.broadcast %add3A_360 : i32 to vector<64x64xi32>
    %add3A_362 = arith.addi %iota3A_359, %add3A_361 : vector<64x64xi32>
    %eq3A_363 = arith.cmpi eq, %iota3A_358, %add3A_362 : vector<64x64xi32>
    %convert_element_type3A_364 = arith.extui %eq3A_363 : vector<64x64xi1> to vector<64x64xi32>
    %convert_element_type3A_365 = arith.sitofp %convert_element_type3A_364 : vector<64x64xi32> to vector<64x64xf32>
    %iota3A_366 = tpu.iota {dimensions = array<i32: 0>} : vector<64x64xi32>
    %iota3A_367 = tpu.iota {dimensions = array<i32: 1>} : vector<64x64xi32>
    %add3A_368 = arith.constant 1 : i32
    %add3A_369 = vector.broadcast %add3A_368 : i32 to vector<64x64xi32>
    %add3A_370 = arith.addi %iota3A_367, %add3A_369 : vector<64x64xi32>
    %eq3A_371 = arith.cmpi eq, %iota3A_366, %add3A_370 : vector<64x64xi32>
    %convert_element_type3A_372 = arith.extui %eq3A_371 : vector<64x64xi1> to vector<64x64xi32>
    %convert_element_type3A_373 = arith.sitofp %convert_element_type3A_372 : vector<64x64xi32> to vector<64x64xf32>
    %get3A_374 = arith.constant 0 : index
    %get3A_375 = arith.constant 0 : index
    %get3A_376 = arith.constant 0 : index
    %get3A_377 = vector.load %arg2[%get3A_374, %get3A_375, %get3A_376] : memref<3x512x512xf32, #tpu.memory_space<vmem>>, vector<1x512x512xf32>
    %get3A_378 = vector.shape_cast %get3A_377 : vector<1x512x512xf32> to vector<512x512xf32>
    %get3A_379 = arith.constant 0 : index
    %get3A_380 = arith.constant 0 : index
    %get3A_381 = arith.constant 0 : index
    %get3A_382 = vector.load %arg23[%get3A_379, %get3A_380, %get3A_381] : memref<4x512x64xf32, #tpu.memory_space<vmem>>, vector<1x512x64xf32>
    %get3A_383 = vector.shape_cast %get3A_382 : vector<1x512x64xf32> to vector<512x64xf32>
    %dot_general3A_384 = arith.constant dense<0.000000e+00> : vector<512x64xf32>
    %dot_general3A_385 = tpu.matmul %get3A_378, %get3A_383, %dot_general3A_384 {dimension_numbers = #tpu.dot_dimension_numbers<[1], [0], [0], [1], [0, 0, 1, 1], [], []>, transpose_lhs_hint = false} : vector<512x512xf32>, vector<512x64xf32>, vector<512x64xf32> -> vector<512x64xf32>
    %dot_general3A_386 = arith.constant dense<0.000000e+00> : vector<512x64xf32>
    %dot_general3A_387 = tpu.matmul %dot_general3A_385, %convert_element_type3A_365, %dot_general3A_386 {dimension_numbers = #tpu.dot_dimension_numbers<[1], [0], [0], [1], [0, 0, 1, 1], [], []>, transpose_lhs_hint = false} : vector<512x64xf32>, vector<64x64xf32>, vector<512x64xf32> -> vector<512x64xf32>
    %get3A_388 = arith.constant 1 : index
    %get3A_389 = arith.constant 0 : index
    %get3A_390 = arith.constant 0 : index
    %get3A_391 = vector.load %arg2[%get3A_388, %get3A_389, %get3A_390] : memref<3x512x512xf32, #tpu.memory_space<vmem>>, vector<1x512x512xf32>
    %get3A_392 = vector.shape_cast %get3A_391 : vector<1x512x512xf32> to vector<512x512xf32>
    %get3A_393 = arith.constant 0 : index
    %get3A_394 = arith.constant 0 : index
    %get3A_395 = arith.constant 0 : index
    %get3A_396 = vector.load %arg23[%get3A_393, %get3A_394, %get3A_395] : memref<4x512x64xf32, #tpu.memory_space<vmem>>, vector<1x512x64xf32>
    %get3A_397 = vector.shape_cast %get3A_396 : vector<1x512x64xf32> to vector<512x64xf32>
    %dot_general3A_398 = arith.constant dense<0.000000e+00> : vector<512x64xf32>
    %dot_general3A_399 = tpu.matmul %get3A_392, %get3A_397, %dot_general3A_398 {dimension_numbers = #tpu.dot_dimension_numbers<[1], [0], [0], [1], [0, 0, 1, 1], [], []>, transpose_lhs_hint = false} : vector<512x512xf32>, vector<512x64xf32>, vector<512x64xf32> -> vector<512x64xf32>
    %add3A_400 = arith.addf %dot_general3A_387, %dot_general3A_399 : vector<512x64xf32>
    %get3A_401 = arith.constant 2 : index
    %get3A_402 = arith.constant 0 : index
    %get3A_403 = arith.constant 0 : index
    %get3A_404 = vector.load %arg2[%get3A_401, %get3A_402, %get3A_403] : memref<3x512x512xf32, #tpu.memory_space<vmem>>, vector<1x512x512xf32>
    %get3A_405 = vector.shape_cast %get3A_404 : vector<1x512x512xf32> to vector<512x512xf32>
    %get3A_406 = arith.constant 0 : index
    %get3A_407 = arith.constant 0 : index
    %get3A_408 = arith.constant 0 : index
    %get3A_409 = vector.load %arg23[%get3A_406, %get3A_407, %get3A_408] : memref<4x512x64xf32, #tpu.memory_space<vmem>>, vector<1x512x64xf32>
    %get3A_410 = vector.shape_cast %get3A_409 : vector<1x512x64xf32> to vector<512x64xf32>
    %dot_general3A_411 = arith.constant dense<0.000000e+00> : vector<512x64xf32>
    %dot_general3A_412 = tpu.matmul %get3A_405, %get3A_410, %dot_general3A_411 {dimension_numbers = #tpu.dot_dimension_numbers<[1], [0], [0], [1], [0, 0, 1, 1], [], []>, transpose_lhs_hint = false} : vector<512x512xf32>, vector<512x64xf32>, vector<512x64xf32> -> vector<512x64xf32>
    %dot_general3A_413 = arith.constant dense<0.000000e+00> : vector<512x64xf32>
    %dot_general3A_414 = tpu.matmul %dot_general3A_412, %convert_element_type3A_373, %dot_general3A_413 {dimension_numbers = #tpu.dot_dimension_numbers<[1], [0], [0], [1], [0, 0, 1, 1], [], []>, transpose_lhs_hint = false} : vector<512x64xf32>, vector<64x64xf32>, vector<512x64xf32> -> vector<512x64xf32>
    %add3A_415 = arith.addf %add3A_400, %dot_general3A_414 : vector<512x64xf32>
    %swap3A_416 = arith.constant 0 : index
    %swap3A_417 = arith.constant 0 : index
    %swap3A_418 = arith.constant 0 : index
    %swap3A_419 = vector.load %arg24[%swap3A_416, %swap3A_417, %swap3A_418] : memref<4x512x64xf32, #tpu.memory_space<vmem>>, vector<1x512x64xf32>
    %swap3A_420 = vector.shape_cast %swap3A_419 : vector<1x512x64xf32> to vector<512x64xf32>
    %swap3A_421 = vector.shape_cast %add3A_415 : vector<512x64xf32> to vector<1x512x64xf32>
    tpu.vector_store %arg24[%swap3A_416, %swap3A_417, %swap3A_418], %swap3A_421 {strides = array<i32>} : memref<4x512x64xf32, #tpu.memory_space<vmem>>, vector<1x512x64xf32>,
    %get3A_422 = arith.constant 0 : index
    %get3A_423 = arith.constant 0 : index
    %get3A_424 = arith.constant 0 : index
    %get3A_425 = vector.load %arg2[%get3A_422, %get3A_423, %get3A_424] : memref<3x512x512xf32, #tpu.memory_space<vmem>>, vector<1x512x512xf32>
    %get3A_426 = vector.shape_cast %get3A_425 : vector<1x512x512xf32> to vector<512x512xf32>
    %get3A_427 = arith.constant 1 : index
    %get3A_428 = arith.constant 0 : index
    %get3A_429 = arith.constant 0 : index
    %get3A_430 = vector.load %arg23[%get3A_427, %get3A_428, %get3A_429] : memref<4x512x64xf32, #tpu.memory_space<vmem>>, vector<1x512x64xf32>
    %get3A_431 = vector.shape_cast %get3A_430 : vector<1x512x64xf32> to vector<512x64xf32>
    %dot_general3A_432 = arith.constant dense<0.000000e+00> : vector<512x64xf32>
    %dot_general3A_433 = tpu.matmul %get3A_426, %get3A_431, %dot_general3A_432 {dimension_numbers = #tpu.dot_dimension_numbers<[1], [0], [0], [1], [0, 0, 1, 1], [], []>, transpose_lhs_hint = false} : vector<512x512xf32>, vector<512x64xf32>, vector<512x64xf32> -> vector<512x64xf32>
    %dot_general3A_434 = arith.constant dense<0.000000e+00> : vector<512x64xf32>
    %dot_general3A_435 = tpu.matmul %dot_general3A_433, %convert_element_type3A_365, %dot_general3A_434 {dimension_numbers = #tpu.dot_dimension_numbers<[1], [0], [0], [1], [0, 0, 1, 1], [], []>, transpose_lhs_hint = false} : vector<512x64xf32>, vector<64x64xf32>, vector<512x64xf32> -> vector<512x64xf32>
    %get3A_436 = arith.constant 1 : index
    %get3A_437 = arith.constant 0 : index
    %get3A_438 = arith.constant 0 : index
    %get3A_439 = vector.load %arg2[%get3A_436, %get3A_437, %get3A_438] : memref<3x512x512xf32, #tpu.memory_space<vmem>>, vector<1x512x512xf32>
    %get3A_440 = vector.shape_cast %get3A_439 : vector<1x512x512xf32> to vector<512x512xf32>
    %get3A_441 = arith.constant 1 : index
    %get3A_442 = arith.constant 0 : index
    %get3A_443 = arith.constant 0 : index
    %get3A_444 = vector.load %arg23[%get3A_441, %get3A_442, %get3A_443] : memref<4x512x64xf32, #tpu.memory_space<vmem>>, vector<1x512x64xf32>
    %get3A_445 = vector.shape_cast %get3A_444 : vector<1x512x64xf32> to vector<512x64xf32>
    %dot_general3A_446 = arith.constant dense<0.000000e+00> : vector<512x64xf32>
    %dot_general3A_447 = tpu.matmul %get3A_440, %get3A_445, %dot_general3A_446 {dimension_numbers = #tpu.dot_dimension_numbers<[1], [0], [0], [1], [0, 0, 1, 1], [], []>, transpose_lhs_hint = false} : vector<512x512xf32>, vector<512x64xf32>, vector<512x64xf32> -> vector<512x64xf32>
    %add3A_448 = arith.addf %dot_general3A_435, %dot_general3A_447 : vector<512x64xf32>
    %get3A_449 = arith.constant 2 : index
    %get3A_450 = arith.constant 0 : index
    %get3A_451 = arith.constant 0 : index
    %get3A_452 = vector.load %arg2[%get3A_449, %get3A_450, %get3A_451] : memref<3x512x512xf32, #tpu.memory_space<vmem>>, vector<1x512x512xf32>
    %get3A_453 = vector.shape_cast %get3A_452 : vector<1x512x512xf32> to vector<512x512xf32>
    %get3A_454 = arith.constant 1 : index
    %get3A_455 = arith.constant 0 : index
    %get3A_456 = arith.constant 0 : index
    %get3A_457 = vector.load %arg23[%get3A_454, %get3A_455, %get3A_456] : memref<4x512x64xf32, #tpu.memory_space<vmem>>, vector<1x512x64xf32>
    %get3A_458 = vector.shape_cast %get3A_457 : vector<1x512x64xf32> to vector<512x64xf32>
    %dot_general3A_459 = arith.constant dense<0.000000e+00> : vector<512x64xf32>
    %dot_general3A_460 = tpu.matmul %get3A_453, %get3A_458, %dot_general3A_459 {dimension_numbers = #tpu.dot_dimension_numbers<[1], [0], [0], [1], [0, 0, 1, 1], [], []>, transpose_lhs_hint = false} : vector<512x512xf32>, vector<512x64xf32>, vector<512x64xf32> -> vector<512x64xf32>
    %dot_general3A_461 = arith.constant dense<0.000000e+00> : vector<512x64xf32>
    %dot_general3A_462 = tpu.matmul %dot_general3A_460, %convert_element_type3A_373, %dot_general3A_461 {dimension_numbers = #tpu.dot_dimension_numbers<[1], [0], [0], [1], [0, 0, 1, 1], [], []>, transpose_lhs_hint = false} : vector<512x64xf32>, vector<64x64xf32>, vector<512x64xf32> -> vector<512x64xf32>
    %add3A_463 = arith.addf %add3A_448, %dot_general3A_462 : vector<512x64xf32>
    %swap3A_464 = arith.constant 1 : index
    %swap3A_465 = arith.constant 0 : index
    %swap3A_466 = arith.constant 0 : index
    %swap3A_467 = vector.load %arg24[%swap3A_464, %swap3A_465, %swap3A_466] : memref<4x512x64xf32, #tpu.memory_space<vmem>>, vector<1x512x64xf32>
    %swap3A_468 = vector.shape_cast %swap3A_467 : vector<1x512x64xf32> to vector<512x64xf32>
    %swap3A_469 = vector.shape_cast %add3A_463 : vector<512x64xf32> to vector<1x512x64xf32>
    tpu.vector_store %arg24[%swap3A_464, %swap3A_465, %swap3A_466], %swap3A_469 {strides = array<i32>} : memref<4x512x64xf32, #tpu.memory_space<vmem>>, vector<1x512x64xf32>,
    %get3A_470 = arith.constant 0 : index
    %get3A_471 = arith.constant 0 : index
    %get3A_472 = arith.constant 0 : index
    %get3A_473 = vector.load %arg2[%get3A_470, %get3A_471, %get3A_472] : memref<3x512x512xf32, #tpu.memory_space<vmem>>, vector<1x512x512xf32>
    %get3A_474 = vector.shape_cast %get3A_473 : vector<1x512x512xf32> to vector<512x512xf32>
    %get3A_475 = arith.constant 2 : index
    %get3A_476 = arith.constant 0 : index
    %get3A_477 = arith.constant 0 : index
    %get3A_478 = vector.load %arg23[%get3A_475, %get3A_476, %get3A_477] : memref<4x512x64xf32, #tpu.memory_space<vmem>>, vector<1x512x64xf32>
    %get3A_479 = vector.shape_cast %get3A_478 : vector<1x512x64xf32> to vector<512x64xf32>
    %dot_general3A_480 = arith.constant dense<0.000000e+00> : vector<512x64xf32>
    %dot_general3A_481 = tpu.matmul %get3A_474, %get3A_479, %dot_general3A_480 {dimension_numbers = #tpu.dot_dimension_numbers<[1], [0], [0], [1], [0, 0, 1, 1], [], []>, transpose_lhs_hint = false} : vector<512x512xf32>, vector<512x64xf32>, vector<512x64xf32> -> vector<512x64xf32>
    %dot_general3A_482 = arith.constant dense<0.000000e+00> : vector<512x64xf32>
    %dot_general3A_483 = tpu.matmul %dot_general3A_481, %convert_element_type3A_365, %dot_general3A_482 {dimension_numbers = #tpu.dot_dimension_numbers<[1], [0], [0], [1], [0, 0, 1, 1], [], []>, transpose_lhs_hint = false} : vector<512x64xf32>, vector<64x64xf32>, vector<512x64xf32> -> vector<512x64xf32>
    %get3A_484 = arith.constant 1 : index
    %get3A_485 = arith.constant 0 : index
    %get3A_486 = arith.constant 0 : index
    %get3A_487 = vector.load %arg2[%get3A_484, %get3A_485, %get3A_486] : memref<3x512x512xf32, #tpu.memory_space<vmem>>, vector<1x512x512xf32>
    %get3A_488 = vector.shape_cast %get3A_487 : vector<1x512x512xf32> to vector<512x512xf32>
    %get3A_489 = arith.constant 2 : index
    %get3A_490 = arith.constant 0 : index
    %get3A_491 = arith.constant 0 : index
    %get3A_492 = vector.load %arg23[%get3A_489, %get3A_490, %get3A_491] : memref<4x512x64xf32, #tpu.memory_space<vmem>>, vector<1x512x64xf32>
    %get3A_493 = vector.shape_cast %get3A_492 : vector<1x512x64xf32> to vector<512x64xf32>
    %dot_general3A_494 = arith.constant dense<0.000000e+00> : vector<512x64xf32>
    %dot_general3A_495 = tpu.matmul %get3A_488, %get3A_493, %dot_general3A_494 {dimension_numbers = #tpu.dot_dimension_numbers<[1], [0], [0], [1], [0, 0, 1, 1], [], []>, transpose_lhs_hint = false} : vector<512x512xf32>, vector<512x64xf32>, vector<512x64xf32> -> vector<512x64xf32>
    %add3A_496 = arith.addf %dot_general3A_483, %dot_general3A_495 : vector<512x64xf32>
    %get3A_497 = arith.constant 2 : index
    %get3A_498 = arith.constant 0 : index
    %get3A_499 = arith.constant 0 : index
    %get3A_500 = vector.load %arg2[%get3A_497, %get3A_498, %get3A_499] : memref<3x512x512xf32, #tpu.memory_space<vmem>>, vector<1x512x512xf32>
    %get3A_501 = vector.shape_cast %get3A_500 : vector<1x512x512xf32> to vector<512x512xf32>
    %get3A_502 = arith.constant 2 : index
    %get3A_503 = arith.constant 0 : index
    %get3A_504 = arith.constant 0 : index
    %get3A_505 = vector.load %arg23[%get3A_502, %get3A_503, %get3A_504] : memref<4x512x64xf32, #tpu.memory_space<vmem>>, vector<1x512x64xf32>
    %get3A_506 = vector.shape_cast %get3A_505 : vector<1x512x64xf32> to vector<512x64xf32>
    %dot_general3A_507 = arith.constant dense<0.000000e+00> : vector<512x64xf32>
    %dot_general3A_508 = tpu.matmul %get3A_501, %get3A_506, %dot_general3A_507 {dimension_numbers = #tpu.dot_dimension_numbers<[1], [0], [0], [1], [0, 0, 1, 1], [], []>, transpose_lhs_hint = false} : vector<512x512xf32>, vector<512x64xf32>, vector<512x64xf32> -> vector<512x64xf32>
    %dot_general3A_509 = arith.constant dense<0.000000e+00> : vector<512x64xf32>
    %dot_general3A_510 = tpu.matmul %dot_general3A_508, %convert_element_type3A_373, %dot_general3A_509 {dimension_numbers = #tpu.dot_dimension_numbers<[1], [0], [0], [1], [0, 0, 1, 1], [], []>, transpose_lhs_hint = false} : vector<512x64xf32>, vector<64x64xf32>, vector<512x64xf32> -> vector<512x64xf32>
    %add3A_511 = arith.addf %add3A_496, %dot_general3A_510 : vector<512x64xf32>
    %swap3A_512 = arith.constant 2 : index
    %swap3A_513 = arith.constant 0 : index
    %swap3A_514 = arith.constant 0 : index
    %swap3A_515 = vector.load %arg24[%swap3A_512, %swap3A_513, %swap3A_514] : memref<4x512x64xf32, #tpu.memory_space<vmem>>, vector<1x512x64xf32>
    %swap3A_516 = vector.shape_cast %swap3A_515 : vector<1x512x64xf32> to vector<512x64xf32>
    %swap3A_517 = vector.shape_cast %add3A_511 : vector<512x64xf32> to vector<1x512x64xf32>
    tpu.vector_store %arg24[%swap3A_512, %swap3A_513, %swap3A_514], %swap3A_517 {strides = array<i32>} : memref<4x512x64xf32, #tpu.memory_space<vmem>>, vector<1x512x64xf32>,
    %get3A_518 = arith.constant 0 : index
    %get3A_519 = arith.constant 0 : index
    %get3A_520 = arith.constant 0 : index
    %get3A_521 = vector.load %arg2[%get3A_518, %get3A_519, %get3A_520] : memref<3x512x512xf32, #tpu.memory_space<vmem>>, vector<1x512x512xf32>
    %get3A_522 = vector.shape_cast %get3A_521 : vector<1x512x512xf32> to vector<512x512xf32>
    %get3A_523 = arith.constant 3 : index
    %get3A_524 = arith.constant 0 : index
    %get3A_525 = arith.constant 0 : index
    %get3A_526 = vector.load %arg23[%get3A_523, %get3A_524, %get3A_525] : memref<4x512x64xf32, #tpu.memory_space<vmem>>, vector<1x512x64xf32>
    %get3A_527 = vector.shape_cast %get3A_526 : vector<1x512x64xf32> to vector<512x64xf32>
    %dot_general3A_528 = arith.constant dense<0.000000e+00> : vector<512x64xf32>
    %dot_general3A_529 = tpu.matmul %get3A_522, %get3A_527, %dot_general3A_528 {dimension_numbers = #tpu.dot_dimension_numbers<[1], [0], [0], [1], [0, 0, 1, 1], [], []>, transpose_lhs_hint = false} : vector<512x512xf32>, vector<512x64xf32>, vector<512x64xf32> -> vector<512x64xf32>
    %dot_general3A_530 = arith.constant dense<0.000000e+00> : vector<512x64xf32>
    %dot_general3A_531 = tpu.matmul %dot_general3A_529, %convert_element_type3A_365, %dot_general3A_530 {dimension_numbers = #tpu.dot_dimension_numbers<[1], [0], [0], [1], [0, 0, 1, 1], [], []>, transpose_lhs_hint = false} : vector<512x64xf32>, vector<64x64xf32>, vector<512x64xf32> -> vector<512x64xf32>
    %get3A_532 = arith.constant 1 : index
    %get3A_533 = arith.constant 0 : index
    %get3A_534 = arith.constant 0 : index
    %get3A_535 = vector.load %arg2[%get3A_532, %get3A_533, %get3A_534] : memref<3x512x512xf32, #tpu.memory_space<vmem>>, vector<1x512x512xf32>
    %get3A_536 = vector.shape_cast %get3A_535 : vector<1x512x512xf32> to vector<512x512xf32>
    %get3A_537 = arith.constant 3 : index
    %get3A_538 = arith.constant 0 : index
    %get3A_539 = arith.constant 0 : index
    %get3A_540 = vector.load %arg23[%get3A_537, %get3A_538, %get3A_539] : memref<4x512x64xf32, #tpu.memory_space<vmem>>, vector<1x512x64xf32>
    %get3A_541 = vector.shape_cast %get3A_540 : vector<1x512x64xf32> to vector<512x64xf32>
    %dot_general3A_542 = arith.constant dense<0.000000e+00> : vector<512x64xf32>
    %dot_general3A_543 = tpu.matmul %get3A_536, %get3A_541, %dot_general3A_542 {dimension_numbers = #tpu.dot_dimension_numbers<[1], [0], [0], [1], [0, 0, 1, 1], [], []>, transpose_lhs_hint = false} : vector<512x512xf32>, vector<512x64xf32>, vector<512x64xf32> -> vector<512x64xf32>
    %add3A_544 = arith.addf %dot_general3A_531, %dot_general3A_543 : vector<512x64xf32>
    %get3A_545 = arith.constant 2 : index
    %get3A_546 = arith.constant 0 : index
    %get3A_547 = arith.constant 0 : index
    %get3A_548 = vector.load %arg2[%get3A_545, %get3A_546, %get3A_547] : memref<3x512x512xf32, #tpu.memory_space<vmem>>, vector<1x512x512xf32>
    %get3A_549 = vector.shape_cast %get3A_548 : vector<1x512x512xf32> to vector<512x512xf32>
    %get3A_550 = arith.constant 3 : index
    %get3A_551 = arith.constant 0 : index
    %get3A_552 = arith.constant 0 : index
    %get3A_553 = vector.load %arg23[%get3A_550, %get3A_551, %get3A_552] : memref<4x512x64xf32, #tpu.memory_space<vmem>>, vector<1x512x64xf32>
    %get3A_554 = vector.shape_cast %get3A_553 : vector<1x512x64xf32> to vector<512x64xf32>
    %dot_general3A_555 = arith.constant dense<0.000000e+00> : vector<512x64xf32>
    %dot_general3A_556 = tpu.matmul %get3A_549, %get3A_554, %dot_general3A_555 {dimension_numbers = #tpu.dot_dimension_numbers<[1], [0], [0], [1], [0, 0, 1, 1], [], []>, transpose_lhs_hint = false} : vector<512x512xf32>, vector<512x64xf32>, vector<512x64xf32> -> vector<512x64xf32>
    %dot_general3A_557 = arith.constant dense<0.000000e+00> : vector<512x64xf32>
    %dot_general3A_558 = tpu.matmul %dot_general3A_556, %convert_element_type3A_373, %dot_general3A_557 {dimension_numbers = #tpu.dot_dimension_numbers<[1], [0], [0], [1], [0, 0, 1, 1], [], []>, transpose_lhs_hint = false} : vector<512x64xf32>, vector<64x64xf32>, vector<512x64xf32> -> vector<512x64xf32>
    %add3A_559 = arith.addf %add3A_544, %dot_general3A_558 : vector<512x64xf32>
    %swap3A_560 = arith.constant 3 : index
    %swap3A_561 = arith.constant 0 : index
    %swap3A_562 = arith.constant 0 : index
    %swap3A_563 = vector.load %arg24[%swap3A_560, %swap3A_561, %swap3A_562] : memref<4x512x64xf32, #tpu.memory_space<vmem>>, vector<1x512x64xf32>
    %swap3A_564 = vector.shape_cast %swap3A_563 : vector<1x512x64xf32> to vector<512x64xf32>
    %swap3A_565 = vector.shape_cast %add3A_559 : vector<512x64xf32> to vector<1x512x64xf32>
    tpu.vector_store %arg24[%swap3A_560, %swap3A_561, %swap3A_562], %swap3A_565 {strides = array<i32>} : memref<4x512x64xf32, #tpu.memory_space<vmem>>, vector<1x512x64xf32>,
    %get3A_566 = arith.constant 0 : index
    %get3A_567 = arith.constant 0 : index
    %get3A_568 = arith.constant 0 : index
    %get3A_569 = vector.load %arg24[%get3A_566, %get3A_567, %get3A_568] : memref<4x512x64xf32, #tpu.memory_space<vmem>>, vector<1x512x64xf32>
    %get3A_570 = vector.shape_cast %get3A_569 : vector<1x512x64xf32> to vector<512x64xf32>
    %get3A_571 = arith.constant 1 : index
    %get3A_572 = arith.constant 0 : index
    %get3A_573 = arith.constant 0 : index
    %get3A_574 = vector.load %arg24[%get3A_571, %get3A_572, %get3A_573] : memref<4x512x64xf32, #tpu.memory_space<vmem>>, vector<1x512x64xf32>
    %get3A_575 = vector.shape_cast %get3A_574 : vector<1x512x64xf32> to vector<512x64xf32>
    %add3A_576 = arith.addf %get3A_570, %get3A_575 : vector<512x64xf32>
    %get3A_577 = arith.constant 2 : index
    %get3A_578 = arith.constant 0 : index
    %get3A_579 = arith.constant 0 : index
    %get3A_580 = vector.load %arg24[%get3A_577, %get3A_578, %get3A_579] : memref<4x512x64xf32, #tpu.memory_space<vmem>>, vector<1x512x64xf32>
    %get3A_581 = vector.shape_cast %get3A_580 : vector<1x512x64xf32> to vector<512x64xf32>
    %add3A_582 = arith.addf %add3A_576, %get3A_581 : vector<512x64xf32>
    %get3A_583 = arith.constant 3 : index
    %get3A_584 = arith.constant 0 : index
    %get3A_585 = arith.constant 0 : index
    %get3A_586 = vector.load %arg24[%get3A_583, %get3A_584, %get3A_585] : memref<4x512x64xf32, #tpu.memory_space<vmem>>, vector<1x512x64xf32>
    %get3A_587 = vector.shape_cast %get3A_586 : vector<1x512x64xf32> to vector<512x64xf32>
    %add3A_588 = arith.addf %add3A_582, %get3A_587 : vector<512x64xf32>
    %reduce_sum3A_589 = arith.constant dense<0.000000e+00> : vector<512xf32>
    %reduce_sum3A_590 = vector.multi_reduction <add>, %add3A_588, %reduce_sum3A_589 [1] : vector<512x64xf32> to vector<512xf32>
    %broadcast_in_dim3A_591 = vector.shape_cast %reduce_sum3A_590 : vector<512xf32> to vector<512x1xf32>
    %div3A_592 = arith.constant 2.560000e+02 : f32
    %div3A_593 = vector.broadcast %div3A_592 : f32 to vector<512x1xf32>
    %div3A_594 = arith.divf %broadcast_in_dim3A_591, %div3A_593 : vector<512x1xf32>
    %get3A_595 = arith.constant 0 : index
    %get3A_596 = arith.constant 0 : index
    %get3A_597 = arith.constant 0 : index
    %get3A_598 = vector.load %arg24[%get3A_595, %get3A_596, %get3A_597] : memref<4x512x64xf32, #tpu.memory_space<vmem>>, vector<1x512x64xf32>
    %get3A_599 = vector.shape_cast %get3A_598 : vector<1x512x64xf32> to vector<512x64xf32>
    %integer_pow3A_600 = arith.mulf %get3A_599, %get3A_599 : vector<512x64xf32>
    %get3A_601 = arith.constant 1 : index
    %get3A_602 = arith.constant 0 : index
    %get3A_603 = arith.constant 0 : index
    %get3A_604 = vector.load %arg24[%get3A_601, %get3A_602, %get3A_603] : memref<4x512x64xf32, #tpu.memory_space<vmem>>, vector<1x512x64xf32>
    %get3A_605 = vector.shape_cast %get3A_604 : vector<1x512x64xf32> to vector<512x64xf32>
    %integer_pow3A_606 = arith.mulf %get3A_605, %get3A_605 : vector<512x64xf32>
    %add3A_607 = arith.addf %integer_pow3A_600, %integer_pow3A_606 : vector<512x64xf32>
    %get3A_608 = arith.constant 2 : index
    %get3A_609 = arith.constant 0 : index
    %get3A_610 = arith.constant 0 : index
    %get3A_611 = vector.load %arg24[%get3A_608, %get3A_609, %get3A_610] : memref<4x512x64xf32, #tpu.memory_space<vmem>>, vector<1x512x64xf32>
    %get3A_612 = vector.shape_cast %get3A_611 : vector<1x512x64xf32> to vector<512x64xf32>
    %integer_pow3A_613 = arith.mulf %get3A_612, %get3A_612 : vector<512x64xf32>
    %add3A_614 = arith.addf %add3A_607, %integer_pow3A_613 : vector<512x64xf32>
    %get3A_615 = arith.constant 3 : index
    %get3A_616 = arith.constant 0 : index
    %get3A_617 = arith.constant 0 : index
    %get3A_618 = vector.load %arg24[%get3A_615, %get3A_616, %get3A_617] : memref<4x512x64xf32, #tpu.memory_space<vmem>>, vector<1x512x64xf32>
    %get3A_619 = vector.shape_cast %get3A_618 : vector<1x512x64xf32> to vector<512x64xf32>
    %integer_pow3A_620 = arith.mulf %get3A_619, %get3A_619 : vector<512x64xf32>
    %add3A_621 = arith.addf %add3A_614, %integer_pow3A_620 : vector<512x64xf32>
    %reduce_sum3A_622 = arith.constant dense<0.000000e+00> : vector<512xf32>
    %reduce_sum3A_623 = vector.multi_reduction <add>, %add3A_621, %reduce_sum3A_622 [1] : vector<512x64xf32> to vector<512xf32>
    %broadcast_in_dim3A_624 = vector.shape_cast %reduce_sum3A_623 : vector<512xf32> to vector<512x1xf32>
    %div3A_625 = arith.constant 2.560000e+02 : f32
    %div3A_626 = vector.broadcast %div3A_625 : f32 to vector<512x1xf32>
    %div3A_627 = arith.divf %broadcast_in_dim3A_624, %div3A_626 : vector<512x1xf32>
    %integer_pow3A_628 = arith.mulf %div3A_594, %div3A_594 : vector<512x1xf32>
    %sub3A_629 = arith.subf %div3A_627, %integer_pow3A_628 : vector<512x1xf32>
    %get3A_630 = arith.constant 0 : index
    %get3A_631 = arith.constant 0 : index
    %get3A_632 = vector.load %arg10[%get3A_630, %get3A_631] : memref<512x1xf32, #tpu.memory_space<vmem>>, vector<512x1xf32>
    %add3A_633 = arith.constant 9.99999974E-6 : f32
    %add3A_634 = vector.broadcast %add3A_633 : f32 to vector<512x1xf32>
    %add3A_635 = arith.addf %sub3A_629, %add3A_634 : vector<512x1xf32>
    %sqrt3A_636 = math.sqrt %add3A_635 : vector<512x1xf32>
    %div3A_637 = arith.divf %get3A_632, %sqrt3A_636 : vector<512x1xf32>
    %get3A_638 = arith.constant 0 : index
    %get3A_639 = arith.constant 0 : index
    %get3A_640 = vector.load %arg11[%get3A_638, %get3A_639] : memref<512x1xf32, #tpu.memory_space<vmem>>, vector<512x1xf32>
    %mul3A_641 = arith.mulf %div3A_637, %div3A_594 : vector<512x1xf32>
    %sub3A_642 = arith.subf %get3A_640, %mul3A_641 : vector<512x1xf32>
    %get3A_643 = arith.constant 0 : index
    %get3A_644 = arith.constant 0 : index
    %get3A_645 = arith.constant 0 : index
    %get3A_646 = vector.load %arg24[%get3A_643, %get3A_644, %get3A_645] : memref<4x512x64xf32, #tpu.memory_space<vmem>>, vector<1x512x64xf32>
    %get3A_647 = vector.shape_cast %get3A_646 : vector<1x512x64xf32> to vector<512x64xf32>
    %mul3A_648 = vector.broadcast %div3A_637 : vector<512x1xf32> to vector<512x64xf32>
    %mul3A_649 = arith.mulf %get3A_647, %mul3A_648 : vector<512x64xf32>
    %add3A_650 = vector.broadcast %sub3A_642 : vector<512x1xf32> to vector<512x64xf32>
    %add3A_651 = arith.addf %mul3A_649, %add3A_650 : vector<512x64xf32>
    %max3A_652 = arith.constant 0.000000e+00 : f32
    %max3A_653 = vector.broadcast %max3A_652 : f32 to vector<512x64xf32>
    %max3A_654 = arith.maximumf %add3A_651, %max3A_653 : vector<512x64xf32>
    %swap3A_655 = arith.constant 0 : index
    %swap3A_656 = arith.constant 0 : index
    %swap3A_657 = arith.constant 0 : index
    %swap3A_658 = vector.load %arg24[%swap3A_655, %swap3A_656, %swap3A_657] : memref<4x512x64xf32, #tpu.memory_space<vmem>>, vector<1x512x64xf32>
    %swap3A_659 = vector.shape_cast %swap3A_658 : vector<1x512x64xf32> to vector<512x64xf32>
    %swap3A_660 = vector.shape_cast %max3A_654 : vector<512x64xf32> to vector<1x512x64xf32>
    tpu.vector_store %arg24[%swap3A_655, %swap3A_656, %swap3A_657], %swap3A_660 {strides = array<i32>} : memref<4x512x64xf32, #tpu.memory_space<vmem>>, vector<1x512x64xf32>,
    %get3A_661 = arith.constant 1 : index
    %get3A_662 = arith.constant 0 : index
    %get3A_663 = arith.constant 0 : index
    %get3A_664 = vector.load %arg24[%get3A_661, %get3A_662, %get3A_663] : memref<4x512x64xf32, #tpu.memory_space<vmem>>, vector<1x512x64xf32>
    %get3A_665 = vector.shape_cast %get3A_664 : vector<1x512x64xf32> to vector<512x64xf32>
    %mul3A_666 = vector.broadcast %div3A_637 : vector<512x1xf32> to vector<512x64xf32>
    %mul3A_667 = arith.mulf %get3A_665, %mul3A_666 : vector<512x64xf32>
    %add3A_668 = vector.broadcast %sub3A_642 : vector<512x1xf32> to vector<512x64xf32>
    %add3A_669 = arith.addf %mul3A_667, %add3A_668 : vector<512x64xf32>
    %max3A_670 = arith.constant 0.000000e+00 : f32
    %max3A_671 = vector.broadcast %max3A_670 : f32 to vector<512x64xf32>
    %max3A_672 = arith.maximumf %add3A_669, %max3A_671 : vector<512x64xf32>
    %swap3A_673 = arith.constant 1 : index
    %swap3A_674 = arith.constant 0 : index
    %swap3A_675 = arith.constant 0 : index
    %swap3A_676 = vector.load %arg24[%swap3A_673, %swap3A_674, %swap3A_675] : memref<4x512x64xf32, #tpu.memory_space<vmem>>, vector<1x512x64xf32>
    %swap3A_677 = vector.shape_cast %swap3A_676 : vector<1x512x64xf32> to vector<512x64xf32>
    %swap3A_678 = vector.shape_cast %max3A_672 : vector<512x64xf32> to vector<1x512x64xf32>
    tpu.vector_store %arg24[%swap3A_673, %swap3A_674, %swap3A_675], %swap3A_678 {strides = array<i32>} : memref<4x512x64xf32, #tpu.memory_space<vmem>>, vector<1x512x64xf32>,
    %get3A_679 = arith.constant 2 : index
    %get3A_680 = arith.constant 0 : index
    %get3A_681 = arith.constant 0 : index
    %get3A_682 = vector.load %arg24[%get3A_679, %get3A_680, %get3A_681] : memref<4x512x64xf32, #tpu.memory_space<vmem>>, vector<1x512x64xf32>
    %get3A_683 = vector.shape_cast %get3A_682 : vector<1x512x64xf32> to vector<512x64xf32>
    %mul3A_684 = vector.broadcast %div3A_637 : vector<512x1xf32> to vector<512x64xf32>
    %mul3A_685 = arith.mulf %get3A_683, %mul3A_684 : vector<512x64xf32>
    %add3A_686 = vector.broadcast %sub3A_642 : vector<512x1xf32> to vector<512x64xf32>
    %add3A_687 = arith.addf %mul3A_685, %add3A_686 : vector<512x64xf32>
    %max3A_688 = arith.constant 0.000000e+00 : f32
    %max3A_689 = vector.broadcast %max3A_688 : f32 to vector<512x64xf32>
    %max3A_690 = arith.maximumf %add3A_687, %max3A_689 : vector<512x64xf32>
    %swap3A_691 = arith.constant 2 : index
    %swap3A_692 = arith.constant 0 : index
    %swap3A_693 = arith.constant 0 : index
    %swap3A_694 = vector.load %arg24[%swap3A_691, %swap3A_692, %swap3A_693] : memref<4x512x64xf32, #tpu.memory_space<vmem>>, vector<1x512x64xf32>
    %swap3A_695 = vector.shape_cast %swap3A_694 : vector<1x512x64xf32> to vector<512x64xf32>
    %swap3A_696 = vector.shape_cast %max3A_690 : vector<512x64xf32> to vector<1x512x64xf32>
    tpu.vector_store %arg24[%swap3A_691, %swap3A_692, %swap3A_693], %swap3A_696 {strides = array<i32>} : memref<4x512x64xf32, #tpu.memory_space<vmem>>, vector<1x512x64xf32>,
    %get3A_697 = arith.constant 3 : index
    %get3A_698 = arith.constant 0 : index
    %get3A_699 = arith.constant 0 : index
    %get3A_700 = vector.load %arg24[%get3A_697, %get3A_698, %get3A_699] : memref<4x512x64xf32, #tpu.memory_space<vmem>>, vector<1x512x64xf32>
    %get3A_701 = vector.shape_cast %get3A_700 : vector<1x512x64xf32> to vector<512x64xf32>
    %mul3A_702 = vector.broadcast %div3A_637 : vector<512x1xf32> to vector<512x64xf32>
    %mul3A_703 = arith.mulf %get3A_701, %mul3A_702 : vector<512x64xf32>
    %add3A_704 = vector.broadcast %sub3A_642 : vector<512x1xf32> to vector<512x64xf32>
    %add3A_705 = arith.addf %mul3A_703, %add3A_704 : vector<512x64xf32>
    %max3A_706 = arith.constant 0.000000e+00 : f32
    %max3A_707 = vector.broadcast %max3A_706 : f32 to vector<512x64xf32>
    %max3A_708 = arith.maximumf %add3A_705, %max3A_707 : vector<512x64xf32>
    %swap3A_709 = arith.constant 3 : index
    %swap3A_710 = arith.constant 0 : index
    %swap3A_711 = arith.constant 0 : index
    %swap3A_712 = vector.load %arg24[%swap3A_709, %swap3A_710, %swap3A_711] : memref<4x512x64xf32, #tpu.memory_space<vmem>>, vector<1x512x64xf32>
    %swap3A_713 = vector.shape_cast %swap3A_712 : vector<1x512x64xf32> to vector<512x64xf32>
    %swap3A_714 = vector.shape_cast %max3A_708 : vector<512x64xf32> to vector<1x512x64xf32>
    tpu.vector_store %arg24[%swap3A_709, %swap3A_710, %swap3A_711], %swap3A_714 {strides = array<i32>} : memref<4x512x64xf32, #tpu.memory_space<vmem>>, vector<1x512x64xf32>,
    %iota3A_715 = tpu.iota {dimensions = array<i32: 0>} : vector<64x32xi32>
    %iota3A_716 = tpu.iota {dimensions = array<i32: 1>} : vector<64x32xi32>
    %mul3A_717 = arith.constant 2 : i32
    %mul3A_718 = vector.broadcast %mul3A_717 : i32 to vector<64x32xi32>
    %mul3A_719 = arith.muli %mul3A_718, %iota3A_716 : vector<64x32xi32>
    %add3A_720 = arith.constant -1 : i32
    %add3A_721 = vector.broadcast %add3A_720 : i32 to vector<64x32xi32>
    %add3A_722 = arith.addi %mul3A_719, %add3A_721 : vector<64x32xi32>
    %eq3A_723 = arith.cmpi eq, %iota3A_715, %add3A_722 : vector<64x32xi32>
    %convert_element_type3A_724 = arith.extui %eq3A_723 : vector<64x32xi1> to vector<64x32xi32>
    %convert_element_type3A_725 = arith.sitofp %convert_element_type3A_724 : vector<64x32xi32> to vector<64x32xf32>
    %iota3A_726 = tpu.iota {dimensions = array<i32: 0>} : vector<64x32xi32>
    %iota3A_727 = tpu.iota {dimensions = array<i32: 1>} : vector<64x32xi32>
    %mul3A_728 = arith.constant 2 : i32
    %mul3A_729 = vector.broadcast %mul3A_728 : i32 to vector<64x32xi32>
    %mul3A_730 = arith.muli %mul3A_729, %iota3A_727 : vector<64x32xi32>
    %add3A_731 = arith.constant 0 : i32
    %add3A_732 = vector.broadcast %add3A_731 : i32 to vector<64x32xi32>
    %add3A_733 = arith.addi %mul3A_730, %add3A_732 : vector<64x32xi32>
    %eq3A_734 = arith.cmpi eq, %iota3A_726, %add3A_733 : vector<64x32xi32>
    %convert_element_type3A_735 = arith.extui %eq3A_734 : vector<64x32xi1> to vector<64x32xi32>
    %convert_element_type3A_736 = arith.sitofp %convert_element_type3A_735 : vector<64x32xi32> to vector<64x32xf32>
    %iota3A_737 = tpu.iota {dimensions = array<i32: 0>} : vector<64x32xi32>
    %iota3A_738 = tpu.iota {dimensions = array<i32: 1>} : vector<64x32xi32>
    %mul3A_739 = arith.constant 2 : i32
    %mul3A_740 = vector.broadcast %mul3A_739 : i32 to vector<64x32xi32>
    %mul3A_741 = arith.muli %mul3A_740, %iota3A_738 : vector<64x32xi32>
    %add3A_742 = arith.constant 1 : i32
    %add3A_743 = vector.broadcast %add3A_742 : i32 to vector<64x32xi32>
    %add3A_744 = arith.addi %mul3A_741, %add3A_743 : vector<64x32xi32>
    %eq3A_745 = arith.cmpi eq, %iota3A_737, %add3A_744 : vector<64x32xi32>
    %convert_element_type3A_746 = arith.extui %eq3A_745 : vector<64x32xi1> to vector<64x32xi32>
    %convert_element_type3A_747 = arith.sitofp %convert_element_type3A_746 : vector<64x32xi32> to vector<64x32xf32>
    %iota3A_748 = tpu.iota {dimensions = array<i32: 0>} : vector<64x32xi32>
    %iota3A_749 = tpu.iota {dimensions = array<i32: 1>} : vector<64x32xi32>
    %mul3A_750 = arith.constant 2 : i32
    %mul3A_751 = vector.broadcast %mul3A_750 : i32 to vector<64x32xi32>
    %mul3A_752 = arith.muli %mul3A_751, %iota3A_749 : vector<64x32xi32>
    %add3A_753 = arith.constant 2 : i32
    %add3A_754 = vector.broadcast %add3A_753 : i32 to vector<64x32xi32>
    %add3A_755 = arith.addi %mul3A_752, %add3A_754 : vector<64x32xi32>
    %eq3A_756 = arith.cmpi eq, %iota3A_748, %add3A_755 : vector<64x32xi32>
    %convert_element_type3A_757 = arith.extui %eq3A_756 : vector<64x32xi1> to vector<64x32xi32>
    %convert_element_type3A_758 = arith.sitofp %convert_element_type3A_757 : vector<64x32xi32> to vector<64x32xf32>
    %get3A_759 = arith.constant 0 : index
    %get3A_760 = arith.constant 0 : index
    %get3A_761 = arith.constant 0 : index
    %get3A_762 = vector.load %arg3[%get3A_759, %get3A_760, %get3A_761] : memref<4x512x512xf32, #tpu.memory_space<vmem>>, vector<1x512x512xf32>
    %get3A_763 = vector.shape_cast %get3A_762 : vector<1x512x512xf32> to vector<512x512xf32>
    %get3A_764 = arith.constant 0 : index
    %get3A_765 = arith.constant 0 : index
    %get3A_766 = arith.constant 0 : index
    %get3A_767 = vector.load %arg24[%get3A_764, %get3A_765, %get3A_766] : memref<4x512x64xf32, #tpu.memory_space<vmem>>, vector<1x512x64xf32>
    %get3A_768 = vector.shape_cast %get3A_767 : vector<1x512x64xf32> to vector<512x64xf32>
    %dot_general3A_769 = arith.constant dense<0.000000e+00> : vector<512x64xf32>
    %dot_general3A_770 = tpu.matmul %get3A_763, %get3A_768, %dot_general3A_769 {dimension_numbers = #tpu.dot_dimension_numbers<[1], [0], [0], [1], [0, 0, 1, 1], [], []>, transpose_lhs_hint = false} : vector<512x512xf32>, vector<512x64xf32>, vector<512x64xf32> -> vector<512x64xf32>
    %dot_general3A_771 = arith.constant dense<0.000000e+00> : vector<512x32xf32>
    %dot_general3A_772 = tpu.matmul %dot_general3A_770, %convert_element_type3A_725, %dot_general3A_771 {dimension_numbers = #tpu.dot_dimension_numbers<[1], [0], [0], [1], [0, 0, 1, 1], [], []>, transpose_lhs_hint = false} : vector<512x64xf32>, vector<64x32xf32>, vector<512x32xf32> -> vector<512x32xf32>
    %get3A_773 = arith.constant 1 : index
    %get3A_774 = arith.constant 0 : index
    %get3A_775 = arith.constant 0 : index
    %get3A_776 = vector.load %arg3[%get3A_773, %get3A_774, %get3A_775] : memref<4x512x512xf32, #tpu.memory_space<vmem>>, vector<1x512x512xf32>
    %get3A_777 = vector.shape_cast %get3A_776 : vector<1x512x512xf32> to vector<512x512xf32>
    %get3A_778 = arith.constant 0 : index
    %get3A_779 = arith.constant 0 : index
    %get3A_780 = arith.constant 0 : index
    %get3A_781 = vector.load %arg24[%get3A_778, %get3A_779, %get3A_780] : memref<4x512x64xf32, #tpu.memory_space<vmem>>, vector<1x512x64xf32>
    %get3A_782 = vector.shape_cast %get3A_781 : vector<1x512x64xf32> to vector<512x64xf32>
    %dot_general3A_783 = arith.constant dense<0.000000e+00> : vector<512x64xf32>
    %dot_general3A_784 = tpu.matmul %get3A_777, %get3A_782, %dot_general3A_783 {dimension_numbers = #tpu.dot_dimension_numbers<[1], [0], [0], [1], [0, 0, 1, 1], [], []>, transpose_lhs_hint = false} : vector<512x512xf32>, vector<512x64xf32>, vector<512x64xf32> -> vector<512x64xf32>
    %dot_general3A_785 = arith.constant dense<0.000000e+00> : vector<512x32xf32>
    %dot_general3A_786 = tpu.matmul %dot_general3A_784, %convert_element_type3A_736, %dot_general3A_785 {dimension_numbers = #tpu.dot_dimension_numbers<[1], [0], [0], [1], [0, 0, 1, 1], [], []>, transpose_lhs_hint = false} : vector<512x64xf32>, vector<64x32xf32>, vector<512x32xf32> -> vector<512x32xf32>
    %add3A_787 = arith.addf %dot_general3A_772, %dot_general3A_786 : vector<512x32xf32>
    %get3A_788 = arith.constant 2 : index
    %get3A_789 = arith.constant 0 : index
    %get3A_790 = arith.constant 0 : index
    %get3A_791 = vector.load %arg3[%get3A_788, %get3A_789, %get3A_790] : memref<4x512x512xf32, #tpu.memory_space<vmem>>, vector<1x512x512xf32>
    %get3A_792 = vector.shape_cast %get3A_791 : vector<1x512x512xf32> to vector<512x512xf32>
    %get3A_793 = arith.constant 0 : index
    %get3A_794 = arith.constant 0 : index
    %get3A_795 = arith.constant 0 : index
    %get3A_796 = vector.load %arg24[%get3A_793, %get3A_794, %get3A_795] : memref<4x512x64xf32, #tpu.memory_space<vmem>>, vector<1x512x64xf32>
    %get3A_797 = vector.shape_cast %get3A_796 : vector<1x512x64xf32> to vector<512x64xf32>
    %dot_general3A_798 = arith.constant dense<0.000000e+00> : vector<512x64xf32>
    %dot_general3A_799 = tpu.matmul %get3A_792, %get3A_797, %dot_general3A_798 {dimension_numbers = #tpu.dot_dimension_numbers<[1], [0], [0], [1], [0, 0, 1, 1], [], []>, transpose_lhs_hint = false} : vector<512x512xf32>, vector<512x64xf32>, vector<512x64xf32> -> vector<512x64xf32>
    %dot_general3A_800 = arith.constant dense<0.000000e+00> : vector<512x32xf32>
    %dot_general3A_801 = tpu.matmul %dot_general3A_799, %convert_element_type3A_747, %dot_general3A_800 {dimension_numbers = #tpu.dot_dimension_numbers<[1], [0], [0], [1], [0, 0, 1, 1], [], []>, transpose_lhs_hint = false} : vector<512x64xf32>, vector<64x32xf32>, vector<512x32xf32> -> vector<512x32xf32>
    %add3A_802 = arith.addf %add3A_787, %dot_general3A_801 : vector<512x32xf32>
    %get3A_803 = arith.constant 3 : index
    %get3A_804 = arith.constant 0 : index
    %get3A_805 = arith.constant 0 : index
    %get3A_806 = vector.load %arg3[%get3A_803, %get3A_804, %get3A_805] : memref<4x512x512xf32, #tpu.memory_space<vmem>>, vector<1x512x512xf32>
    %get3A_807 = vector.shape_cast %get3A_806 : vector<1x512x512xf32> to vector<512x512xf32>
    %get3A_808 = arith.constant 0 : index
    %get3A_809 = arith.constant 0 : index
    %get3A_810 = arith.constant 0 : index
    %get3A_811 = vector.load %arg24[%get3A_808, %get3A_809, %get3A_810] : memref<4x512x64xf32, #tpu.memory_space<vmem>>, vector<1x512x64xf32>
    %get3A_812 = vector.shape_cast %get3A_811 : vector<1x512x64xf32> to vector<512x64xf32>
    %dot_general3A_813 = arith.constant dense<0.000000e+00> : vector<512x64xf32>
    %dot_general3A_814 = tpu.matmul %get3A_807, %get3A_812, %dot_general3A_813 {dimension_numbers = #tpu.dot_dimension_numbers<[1], [0], [0], [1], [0, 0, 1, 1], [], []>, transpose_lhs_hint = false} : vector<512x512xf32>, vector<512x64xf32>, vector<512x64xf32> -> vector<512x64xf32>
    %dot_general3A_815 = arith.constant dense<0.000000e+00> : vector<512x32xf32>
    %dot_general3A_816 = tpu.matmul %dot_general3A_814, %convert_element_type3A_758, %dot_general3A_815 {dimension_numbers = #tpu.dot_dimension_numbers<[1], [0], [0], [1], [0, 0, 1, 1], [], []>, transpose_lhs_hint = false} : vector<512x64xf32>, vector<64x32xf32>, vector<512x32xf32> -> vector<512x32xf32>
    %add3A_817 = arith.addf %add3A_802, %dot_general3A_816 : vector<512x32xf32>
    %swap3A_818 = arith.constant 0 : index
    %swap3A_819 = arith.constant 0 : index
    %swap3A_820 = arith.constant 0 : index
    %swap3A_821 = vector.load %arg25[%swap3A_818, %swap3A_819, %swap3A_820] : memref<4x512x32xf32, #tpu.memory_space<vmem>>, vector<1x512x32xf32>
    %swap3A_822 = vector.shape_cast %swap3A_821 : vector<1x512x32xf32> to vector<512x32xf32>
    %swap3A_823 = vector.shape_cast %add3A_817 : vector<512x32xf32> to vector<1x512x32xf32>
    tpu.vector_store %arg25[%swap3A_818, %swap3A_819, %swap3A_820], %swap3A_823 {strides = array<i32>} : memref<4x512x32xf32, #tpu.memory_space<vmem>>, vector<1x512x32xf32>,
    %get3A_824 = arith.constant 0 : index
    %get3A_825 = arith.constant 0 : index
    %get3A_826 = arith.constant 0 : index
    %get3A_827 = vector.load %arg3[%get3A_824, %get3A_825, %get3A_826] : memref<4x512x512xf32, #tpu.memory_space<vmem>>, vector<1x512x512xf32>
    %get3A_828 = vector.shape_cast %get3A_827 : vector<1x512x512xf32> to vector<512x512xf32>
    %get3A_829 = arith.constant 1 : index
    %get3A_830 = arith.constant 0 : index
    %get3A_831 = arith.constant 0 : index
    %get3A_832 = vector.load %arg24[%get3A_829, %get3A_830, %get3A_831] : memref<4x512x64xf32, #tpu.memory_space<vmem>>, vector<1x512x64xf32>
    %get3A_833 = vector.shape_cast %get3A_832 : vector<1x512x64xf32> to vector<512x64xf32>
    %dot_general3A_834 = arith.constant dense<0.000000e+00> : vector<512x64xf32>
    %dot_general3A_835 = tpu.matmul %get3A_828, %get3A_833, %dot_general3A_834 {dimension_numbers = #tpu.dot_dimension_numbers<[1], [0], [0], [1], [0, 0, 1, 1], [], []>, transpose_lhs_hint = false} : vector<512x512xf32>, vector<512x64xf32>, vector<512x64xf32> -> vector<512x64xf32>
    %dot_general3A_836 = arith.constant dense<0.000000e+00> : vector<512x32xf32>
    %dot_general3A_837 = tpu.matmul %dot_general3A_835, %convert_element_type3A_725, %dot_general3A_836 {dimension_numbers = #tpu.dot_dimension_numbers<[1], [0], [0], [1], [0, 0, 1, 1], [], []>, transpose_lhs_hint = false} : vector<512x64xf32>, vector<64x32xf32>, vector<512x32xf32> -> vector<512x32xf32>
    %get3A_838 = arith.constant 1 : index
    %get3A_839 = arith.constant 0 : index
    %get3A_840 = arith.constant 0 : index
    %get3A_841 = vector.load %arg3[%get3A_838, %get3A_839, %get3A_840] : memref<4x512x512xf32, #tpu.memory_space<vmem>>, vector<1x512x512xf32>
    %get3A_842 = vector.shape_cast %get3A_841 : vector<1x512x512xf32> to vector<512x512xf32>
    %get3A_843 = arith.constant 1 : index
    %get3A_844 = arith.constant 0 : index
    %get3A_845 = arith.constant 0 : index
    %get3A_846 = vector.load %arg24[%get3A_843, %get3A_844, %get3A_845] : memref<4x512x64xf32, #tpu.memory_space<vmem>>, vector<1x512x64xf32>
    %get3A_847 = vector.shape_cast %get3A_846 : vector<1x512x64xf32> to vector<512x64xf32>
    %dot_general3A_848 = arith.constant dense<0.000000e+00> : vector<512x64xf32>
    %dot_general3A_849 = tpu.matmul %get3A_842, %get3A_847, %dot_general3A_848 {dimension_numbers = #tpu.dot_dimension_numbers<[1], [0], [0], [1], [0, 0, 1, 1], [], []>, transpose_lhs_hint = false} : vector<512x512xf32>, vector<512x64xf32>, vector<512x64xf32> -> vector<512x64xf32>
    %dot_general3A_850 = arith.constant dense<0.000000e+00> : vector<512x32xf32>
    %dot_general3A_851 = tpu.matmul %dot_general3A_849, %convert_element_type3A_736, %dot_general3A_850 {dimension_numbers = #tpu.dot_dimension_numbers<[1], [0], [0], [1], [0, 0, 1, 1], [], []>, transpose_lhs_hint = false} : vector<512x64xf32>, vector<64x32xf32>, vector<512x32xf32> -> vector<512x32xf32>
    %add3A_852 = arith.addf %dot_general3A_837, %dot_general3A_851 : vector<512x32xf32>
    %get3A_853 = arith.constant 2 : index
    %get3A_854 = arith.constant 0 : index
    %get3A_855 = arith.constant 0 : index
    %get3A_856 = vector.load %arg3[%get3A_853, %get3A_854, %get3A_855] : memref<4x512x512xf32, #tpu.memory_space<vmem>>, vector<1x512x512xf32>
    %get3A_857 = vector.shape_cast %get3A_856 : vector<1x512x512xf32> to vector<512x512xf32>
    %get3A_858 = arith.constant 1 : index
    %get3A_859 = arith.constant 0 : index
    %get3A_860 = arith.constant 0 : index
    %get3A_861 = vector.load %arg24[%get3A_858, %get3A_859, %get3A_860] : memref<4x512x64xf32, #tpu.memory_space<vmem>>, vector<1x512x64xf32>
    %get3A_862 = vector.shape_cast %get3A_861 : vector<1x512x64xf32> to vector<512x64xf32>
    %dot_general3A_863 = arith.constant dense<0.000000e+00> : vector<512x64xf32>
    %dot_general3A_864 = tpu.matmul %get3A_857, %get3A_862, %dot_general3A_863 {dimension_numbers = #tpu.dot_dimension_numbers<[1], [0], [0], [1], [0, 0, 1, 1], [], []>, transpose_lhs_hint = false} : vector<512x512xf32>, vector<512x64xf32>, vector<512x64xf32> -> vector<512x64xf32>
    %dot_general3A_865 = arith.constant dense<0.000000e+00> : vector<512x32xf32>
    %dot_general3A_866 = tpu.matmul %dot_general3A_864, %convert_element_type3A_747, %dot_general3A_865 {dimension_numbers = #tpu.dot_dimension_numbers<[1], [0], [0], [1], [0, 0, 1, 1], [], []>, transpose_lhs_hint = false} : vector<512x64xf32>, vector<64x32xf32>, vector<512x32xf32> -> vector<512x32xf32>
    %add3A_867 = arith.addf %add3A_852, %dot_general3A_866 : vector<512x32xf32>
    %get3A_868 = arith.constant 3 : index
    %get3A_869 = arith.constant 0 : index
    %get3A_870 = arith.constant 0 : index
    %get3A_871 = vector.load %arg3[%get3A_868, %get3A_869, %get3A_870] : memref<4x512x512xf32, #tpu.memory_space<vmem>>, vector<1x512x512xf32>
    %get3A_872 = vector.shape_cast %get3A_871 : vector<1x512x512xf32> to vector<512x512xf32>
    %get3A_873 = arith.constant 1 : index
    %get3A_874 = arith.constant 0 : index
    %get3A_875 = arith.constant 0 : index
    %get3A_876 = vector.load %arg24[%get3A_873, %get3A_874, %get3A_875] : memref<4x512x64xf32, #tpu.memory_space<vmem>>, vector<1x512x64xf32>
    %get3A_877 = vector.shape_cast %get3A_876 : vector<1x512x64xf32> to vector<512x64xf32>
    %dot_general3A_878 = arith.constant dense<0.000000e+00> : vector<512x64xf32>
    %dot_general3A_879 = tpu.matmul %get3A_872, %get3A_877, %dot_general3A_878 {dimension_numbers = #tpu.dot_dimension_numbers<[1], [0], [0], [1], [0, 0, 1, 1], [], []>, transpose_lhs_hint = false} : vector<512x512xf32>, vector<512x64xf32>, vector<512x64xf32> -> vector<512x64xf32>
    %dot_general3A_880 = arith.constant dense<0.000000e+00> : vector<512x32xf32>
    %dot_general3A_881 = tpu.matmul %dot_general3A_879, %convert_element_type3A_758, %dot_general3A_880 {dimension_numbers = #tpu.dot_dimension_numbers<[1], [0], [0], [1], [0, 0, 1, 1], [], []>, transpose_lhs_hint = false} : vector<512x64xf32>, vector<64x32xf32>, vector<512x32xf32> -> vector<512x32xf32>
    %add3A_882 = arith.addf %add3A_867, %dot_general3A_881 : vector<512x32xf32>
    %swap3A_883 = arith.constant 1 : index
    %swap3A_884 = arith.constant 0 : index
    %swap3A_885 = arith.constant 0 : index
    %swap3A_886 = vector.load %arg25[%swap3A_883, %swap3A_884, %swap3A_885] : memref<4x512x32xf32, #tpu.memory_space<vmem>>, vector<1x512x32xf32>
    %swap3A_887 = vector.shape_cast %swap3A_886 : vector<1x512x32xf32> to vector<512x32xf32>
    %swap3A_888 = vector.shape_cast %add3A_882 : vector<512x32xf32> to vector<1x512x32xf32>
    tpu.vector_store %arg25[%swap3A_883, %swap3A_884, %swap3A_885], %swap3A_888 {strides = array<i32>} : memref<4x512x32xf32, #tpu.memory_space<vmem>>, vector<1x512x32xf32>,
    %get3A_889 = arith.constant 0 : index
    %get3A_890 = arith.constant 0 : index
    %get3A_891 = arith.constant 0 : index
    %get3A_892 = vector.load %arg3[%get3A_889, %get3A_890, %get3A_891] : memref<4x512x512xf32, #tpu.memory_space<vmem>>, vector<1x512x512xf32>
    %get3A_893 = vector.shape_cast %get3A_892 : vector<1x512x512xf32> to vector<512x512xf32>
    %get3A_894 = arith.constant 2 : index
    %get3A_895 = arith.constant 0 : index
    %get3A_896 = arith.constant 0 : index
    %get3A_897 = vector.load %arg24[%get3A_894, %get3A_895, %get3A_896] : memref<4x512x64xf32, #tpu.memory_space<vmem>>, vector<1x512x64xf32>
    %get3A_898 = vector.shape_cast %get3A_897 : vector<1x512x64xf32> to vector<512x64xf32>
    %dot_general3A_899 = arith.constant dense<0.000000e+00> : vector<512x64xf32>
    %dot_general3A_900 = tpu.matmul %get3A_893, %get3A_898, %dot_general3A_899 {dimension_numbers = #tpu.dot_dimension_numbers<[1], [0], [0], [1], [0, 0, 1, 1], [], []>, transpose_lhs_hint = false} : vector<512x512xf32>, vector<512x64xf32>, vector<512x64xf32> -> vector<512x64xf32>
    %dot_general3A_901 = arith.constant dense<0.000000e+00> : vector<512x32xf32>
    %dot_general3A_902 = tpu.matmul %dot_general3A_900, %convert_element_type3A_725, %dot_general3A_901 {dimension_numbers = #tpu.dot_dimension_numbers<[1], [0], [0], [1], [0, 0, 1, 1], [], []>, transpose_lhs_hint = false} : vector<512x64xf32>, vector<64x32xf32>, vector<512x32xf32> -> vector<512x32xf32>
    %get3A_903 = arith.constant 1 : index
    %get3A_904 = arith.constant 0 : index
    %get3A_905 = arith.constant 0 : index
    %get3A_906 = vector.load %arg3[%get3A_903, %get3A_904, %get3A_905] : memref<4x512x512xf32, #tpu.memory_space<vmem>>, vector<1x512x512xf32>
    %get3A_907 = vector.shape_cast %get3A_906 : vector<1x512x512xf32> to vector<512x512xf32>
    %get3A_908 = arith.constant 2 : index
    %get3A_909 = arith.constant 0 : index
    %get3A_910 = arith.constant 0 : index
    %get3A_911 = vector.load %arg24[%get3A_908, %get3A_909, %get3A_910] : memref<4x512x64xf32, #tpu.memory_space<vmem>>, vector<1x512x64xf32>
    %get3A_912 = vector.shape_cast %get3A_911 : vector<1x512x64xf32> to vector<512x64xf32>
    %dot_general3A_913 = arith.constant dense<0.000000e+00> : vector<512x64xf32>
    %dot_general3A_914 = tpu.matmul %get3A_907, %get3A_912, %dot_general3A_913 {dimension_numbers = #tpu.dot_dimension_numbers<[1], [0], [0], [1], [0, 0, 1, 1], [], []>, transpose_lhs_hint = false} : vector<512x512xf32>, vector<512x64xf32>, vector<512x64xf32> -> vector<512x64xf32>
    %dot_general3A_915 = arith.constant dense<0.000000e+00> : vector<512x32xf32>
    %dot_general3A_916 = tpu.matmul %dot_general3A_914, %convert_element_type3A_736, %dot_general3A_915 {dimension_numbers = #tpu.dot_dimension_numbers<[1], [0], [0], [1], [0, 0, 1, 1], [], []>, transpose_lhs_hint = false} : vector<512x64xf32>, vector<64x32xf32>, vector<512x32xf32> -> vector<512x32xf32>
    %add3A_917 = arith.addf %dot_general3A_902, %dot_general3A_916 : vector<512x32xf32>
    %get3A_918 = arith.constant 2 : index
    %get3A_919 = arith.constant 0 : index
    %get3A_920 = arith.constant 0 : index
    %get3A_921 = vector.load %arg3[%get3A_918, %get3A_919, %get3A_920] : memref<4x512x512xf32, #tpu.memory_space<vmem>>, vector<1x512x512xf32>
    %get3A_922 = vector.shape_cast %get3A_921 : vector<1x512x512xf32> to vector<512x512xf32>
    %get3A_923 = arith.constant 2 : index
    %get3A_924 = arith.constant 0 : index
    %get3A_925 = arith.constant 0 : index
    %get3A_926 = vector.load %arg24[%get3A_923, %get3A_924, %get3A_925] : memref<4x512x64xf32, #tpu.memory_space<vmem>>, vector<1x512x64xf32>
    %get3A_927 = vector.shape_cast %get3A_926 : vector<1x512x64xf32> to vector<512x64xf32>
    %dot_general3A_928 = arith.constant dense<0.000000e+00> : vector<512x64xf32>
    %dot_general3A_929 = tpu.matmul %get3A_922, %get3A_927, %dot_general3A_928 {dimension_numbers = #tpu.dot_dimension_numbers<[1], [0], [0], [1], [0, 0, 1, 1], [], []>, transpose_lhs_hint = false} : vector<512x512xf32>, vector<512x64xf32>, vector<512x64xf32> -> vector<512x64xf32>
    %dot_general3A_930 = arith.constant dense<0.000000e+00> : vector<512x32xf32>
    %dot_general3A_931 = tpu.matmul %dot_general3A_929, %convert_element_type3A_747, %dot_general3A_930 {dimension_numbers = #tpu.dot_dimension_numbers<[1], [0], [0], [1], [0, 0, 1, 1], [], []>, transpose_lhs_hint = false} : vector<512x64xf32>, vector<64x32xf32>, vector<512x32xf32> -> vector<512x32xf32>
    %add3A_932 = arith.addf %add3A_917, %dot_general3A_931 : vector<512x32xf32>
    %get3A_933 = arith.constant 3 : index
    %get3A_934 = arith.constant 0 : index
    %get3A_935 = arith.constant 0 : index
    %get3A_936 = vector.load %arg3[%get3A_933, %get3A_934, %get3A_935] : memref<4x512x512xf32, #tpu.memory_space<vmem>>, vector<1x512x512xf32>
    %get3A_937 = vector.shape_cast %get3A_936 : vector<1x512x512xf32> to vector<512x512xf32>
    %get3A_938 = arith.constant 2 : index
    %get3A_939 = arith.constant 0 : index
    %get3A_940 = arith.constant 0 : index
    %get3A_941 = vector.load %arg24[%get3A_938, %get3A_939, %get3A_940] : memref<4x512x64xf32, #tpu.memory_space<vmem>>, vector<1x512x64xf32>
    %get3A_942 = vector.shape_cast %get3A_941 : vector<1x512x64xf32> to vector<512x64xf32>
    %dot_general3A_943 = arith.constant dense<0.000000e+00> : vector<512x64xf32>
    %dot_general3A_944 = tpu.matmul %get3A_937, %get3A_942, %dot_general3A_943 {dimension_numbers = #tpu.dot_dimension_numbers<[1], [0], [0], [1], [0, 0, 1, 1], [], []>, transpose_lhs_hint = false} : vector<512x512xf32>, vector<512x64xf32>, vector<512x64xf32> -> vector<512x64xf32>
    %dot_general3A_945 = arith.constant dense<0.000000e+00> : vector<512x32xf32>
    %dot_general3A_946 = tpu.matmul %dot_general3A_944, %convert_element_type3A_758, %dot_general3A_945 {dimension_numbers = #tpu.dot_dimension_numbers<[1], [0], [0], [1], [0, 0, 1, 1], [], []>, transpose_lhs_hint = false} : vector<512x64xf32>, vector<64x32xf32>, vector<512x32xf32> -> vector<512x32xf32>
    %add3A_947 = arith.addf %add3A_932, %dot_general3A_946 : vector<512x32xf32>
    %swap3A_948 = arith.constant 2 : index
    %swap3A_949 = arith.constant 0 : index
    %swap3A_950 = arith.constant 0 : index
    %swap3A_951 = vector.load %arg25[%swap3A_948, %swap3A_949, %swap3A_950] : memref<4x512x32xf32, #tpu.memory_space<vmem>>, vector<1x512x32xf32>
    %swap3A_952 = vector.shape_cast %swap3A_951 : vector<1x512x32xf32> to vector<512x32xf32>
    %swap3A_953 = vector.shape_cast %add3A_947 : vector<512x32xf32> to vector<1x512x32xf32>
    tpu.vector_store %arg25[%swap3A_948, %swap3A_949, %swap3A_950], %swap3A_953 {strides = array<i32>} : memref<4x512x32xf32, #tpu.memory_space<vmem>>, vector<1x512x32xf32>,
    %get3A_954 = arith.constant 0 : index
    %get3A_955 = arith.constant 0 : index
    %get3A_956 = arith.constant 0 : index
    %get3A_957 = vector.load %arg3[%get3A_954, %get3A_955, %get3A_956] : memref<4x512x512xf32, #tpu.memory_space<vmem>>, vector<1x512x512xf32>
    %get3A_958 = vector.shape_cast %get3A_957 : vector<1x512x512xf32> to vector<512x512xf32>
    %get3A_959 = arith.constant 3 : index
    %get3A_960 = arith.constant 0 : index
    %get3A_961 = arith.constant 0 : index
    %get3A_962 = vector.load %arg24[%get3A_959, %get3A_960, %get3A_961] : memref<4x512x64xf32, #tpu.memory_space<vmem>>, vector<1x512x64xf32>
    %get3A_963 = vector.shape_cast %get3A_962 : vector<1x512x64xf32> to vector<512x64xf32>
    %dot_general3A_964 = arith.constant dense<0.000000e+00> : vector<512x64xf32>
    %dot_general3A_965 = tpu.matmul %get3A_958, %get3A_963, %dot_general3A_964 {dimension_numbers = #tpu.dot_dimension_numbers<[1], [0], [0], [1], [0, 0, 1, 1], [], []>, transpose_lhs_hint = false} : vector<512x512xf32>, vector<512x64xf32>, vector<512x64xf32> -> vector<512x64xf32>
    %dot_general3A_966 = arith.constant dense<0.000000e+00> : vector<512x32xf32>
    %dot_general3A_967 = tpu.matmul %dot_general3A_965, %convert_element_type3A_725, %dot_general3A_966 {dimension_numbers = #tpu.dot_dimension_numbers<[1], [0], [0], [1], [0, 0, 1, 1], [], []>, transpose_lhs_hint = false} : vector<512x64xf32>, vector<64x32xf32>, vector<512x32xf32> -> vector<512x32xf32>
    %get3A_968 = arith.constant 1 : index
    %get3A_969 = arith.constant 0 : index
    %get3A_970 = arith.constant 0 : index
    %get3A_971 = vector.load %arg3[%get3A_968, %get3A_969, %get3A_970] : memref<4x512x512xf32, #tpu.memory_space<vmem>>, vector<1x512x512xf32>
    %get3A_972 = vector.shape_cast %get3A_971 : vector<1x512x512xf32> to vector<512x512xf32>
    %get3A_973 = arith.constant 3 : index
    %get3A_974 = arith.constant 0 : index
    %get3A_975 = arith.constant 0 : index
    %get3A_976 = vector.load %arg24[%get3A_973, %get3A_974, %get3A_975] : memref<4x512x64xf32, #tpu.memory_space<vmem>>, vector<1x512x64xf32>
    %get3A_977 = vector.shape_cast %get3A_976 : vector<1x512x64xf32> to vector<512x64xf32>
    %dot_general3A_978 = arith.constant dense<0.000000e+00> : vector<512x64xf32>
    %dot_general3A_979 = tpu.matmul %get3A_972, %get3A_977, %dot_general3A_978 {dimension_numbers = #tpu.dot_dimension_numbers<[1], [0], [0], [1], [0, 0, 1, 1], [], []>, transpose_lhs_hint = false} : vector<512x512xf32>, vector<512x64xf32>, vector<512x64xf32> -> vector<512x64xf32>
    %dot_general3A_980 = arith.constant dense<0.000000e+00> : vector<512x32xf32>
    %dot_general3A_981 = tpu.matmul %dot_general3A_979, %convert_element_type3A_736, %dot_general3A_980 {dimension_numbers = #tpu.dot_dimension_numbers<[1], [0], [0], [1], [0, 0, 1, 1], [], []>, transpose_lhs_hint = false} : vector<512x64xf32>, vector<64x32xf32>, vector<512x32xf32> -> vector<512x32xf32>
    %add3A_982 = arith.addf %dot_general3A_967, %dot_general3A_981 : vector<512x32xf32>
    %get3A_983 = arith.constant 2 : index
    %get3A_984 = arith.constant 0 : index
    %get3A_985 = arith.constant 0 : index
    %get3A_986 = vector.load %arg3[%get3A_983, %get3A_984, %get3A_985] : memref<4x512x512xf32, #tpu.memory_space<vmem>>, vector<1x512x512xf32>
    %get3A_987 = vector.shape_cast %get3A_986 : vector<1x512x512xf32> to vector<512x512xf32>
    %get3A_988 = arith.constant 3 : index
    %get3A_989 = arith.constant 0 : index
    %get3A_990 = arith.constant 0 : index
    %get3A_991 = vector.load %arg24[%get3A_988, %get3A_989, %get3A_990] : memref<4x512x64xf32, #tpu.memory_space<vmem>>, vector<1x512x64xf32>
    %get3A_992 = vector.shape_cast %get3A_991 : vector<1x512x64xf32> to vector<512x64xf32>
    %dot_general3A_993 = arith.constant dense<0.000000e+00> : vector<512x64xf32>
    %dot_general3A_994 = tpu.matmul %get3A_987, %get3A_992, %dot_general3A_993 {dimension_numbers = #tpu.dot_dimension_numbers<[1], [0], [0], [1], [0, 0, 1, 1], [], []>, transpose_lhs_hint = false} : vector<512x512xf32>, vector<512x64xf32>, vector<512x64xf32> -> vector<512x64xf32>
    %dot_general3A_995 = arith.constant dense<0.000000e+00> : vector<512x32xf32>
    %dot_general3A_996 = tpu.matmul %dot_general3A_994, %convert_element_type3A_747, %dot_general3A_995 {dimension_numbers = #tpu.dot_dimension_numbers<[1], [0], [0], [1], [0, 0, 1, 1], [], []>, transpose_lhs_hint = false} : vector<512x64xf32>, vector<64x32xf32>, vector<512x32xf32> -> vector<512x32xf32>
    %add3A_997 = arith.addf %add3A_982, %dot_general3A_996 : vector<512x32xf32>
    %get3A_998 = arith.constant 3 : index
    %get3A_999 = arith.constant 0 : index
    %get3A_1000 = arith.constant 0 : index
    %get3A_1001 = vector.load %arg3[%get3A_998, %get3A_999, %get3A_1000] : memref<4x512x512xf32, #tpu.memory_space<vmem>>, vector<1x512x512xf32>
    %get3A_1002 = vector.shape_cast %get3A_1001 : vector<1x512x512xf32> to vector<512x512xf32>
    %get3A_1003 = arith.constant 3 : index
    %get3A_1004 = arith.constant 0 : index
    %get3A_1005 = arith.constant 0 : index
    %get3A_1006 = vector.load %arg24[%get3A_1003, %get3A_1004, %get3A_1005] : memref<4x512x64xf32, #tpu.memory_space<vmem>>, vector<1x512x64xf32>
    %get3A_1007 = vector.shape_cast %get3A_1006 : vector<1x512x64xf32> to vector<512x64xf32>
    %dot_general3A_1008 = arith.constant dense<0.000000e+00> : vector<512x64xf32>
    %dot_general3A_1009 = tpu.matmul %get3A_1002, %get3A_1007, %dot_general3A_1008 {dimension_numbers = #tpu.dot_dimension_numbers<[1], [0], [0], [1], [0, 0, 1, 1], [], []>, transpose_lhs_hint = false} : vector<512x512xf32>, vector<512x64xf32>, vector<512x64xf32> -> vector<512x64xf32>
    %dot_general3A_1010 = arith.constant dense<0.000000e+00> : vector<512x32xf32>
    %dot_general3A_1011 = tpu.matmul %dot_general3A_1009, %convert_element_type3A_758, %dot_general3A_1010 {dimension_numbers = #tpu.dot_dimension_numbers<[1], [0], [0], [1], [0, 0, 1, 1], [], []>, transpose_lhs_hint = false} : vector<512x64xf32>, vector<64x32xf32>, vector<512x32xf32> -> vector<512x32xf32>
    %add3A_1012 = arith.addf %add3A_997, %dot_general3A_1011 : vector<512x32xf32>
    %swap3A_1013 = arith.constant 3 : index
    %swap3A_1014 = arith.constant 0 : index
    %swap3A_1015 = arith.constant 0 : index
    %swap3A_1016 = vector.load %arg25[%swap3A_1013, %swap3A_1014, %swap3A_1015] : memref<4x512x32xf32, #tpu.memory_space<vmem>>, vector<1x512x32xf32>
    %swap3A_1017 = vector.shape_cast %swap3A_1016 : vector<1x512x32xf32> to vector<512x32xf32>
    %swap3A_1018 = vector.shape_cast %add3A_1012 : vector<512x32xf32> to vector<1x512x32xf32>
    tpu.vector_store %arg25[%swap3A_1013, %swap3A_1014, %swap3A_1015], %swap3A_1018 {strides = array<i32>} : memref<4x512x32xf32, #tpu.memory_space<vmem>>, vector<1x512x32xf32>,
    %get3A_1019 = arith.constant 0 : index
    %get3A_1020 = arith.constant 0 : index
    %get3A_1021 = arith.constant 0 : index
    %get3A_1022 = vector.load %arg25[%get3A_1019, %get3A_1020, %get3A_1021] : memref<4x512x32xf32, #tpu.memory_space<vmem>>, vector<1x512x32xf32>
    %get3A_1023 = vector.shape_cast %get3A_1022 : vector<1x512x32xf32> to vector<512x32xf32>
    %get3A_1024 = arith.constant 1 : index
    %get3A_1025 = arith.constant 0 : index
    %get3A_1026 = arith.constant 0 : index
    %get3A_1027 = vector.load %arg25[%get3A_1024, %get3A_1025, %get3A_1026] : memref<4x512x32xf32, #tpu.memory_space<vmem>>, vector<1x512x32xf32>
    %get3A_1028 = vector.shape_cast %get3A_1027 : vector<1x512x32xf32> to vector<512x32xf32>
    %add3A_1029 = arith.addf %get3A_1023, %get3A_1028 : vector<512x32xf32>
    %get3A_1030 = arith.constant 2 : index
    %get3A_1031 = arith.constant 0 : index
    %get3A_1032 = arith.constant 0 : index
    %get3A_1033 = vector.load %arg25[%get3A_1030, %get3A_1031, %get3A_1032] : memref<4x512x32xf32, #tpu.memory_space<vmem>>, vector<1x512x32xf32>
    %get3A_1034 = vector.shape_cast %get3A_1033 : vector<1x512x32xf32> to vector<512x32xf32>
    %add3A_1035 = arith.addf %add3A_1029, %get3A_1034 : vector<512x32xf32>
    %get3A_1036 = arith.constant 3 : index
    %get3A_1037 = arith.constant 0 : index
    %get3A_1038 = arith.constant 0 : index
    %get3A_1039 = vector.load %arg25[%get3A_1036, %get3A_1037, %get3A_1038] : memref<4x512x32xf32, #tpu.memory_space<vmem>>, vector<1x512x32xf32>
    %get3A_1040 = vector.shape_cast %get3A_1039 : vector<1x512x32xf32> to vector<512x32xf32>
    %add3A_1041 = arith.addf %add3A_1035, %get3A_1040 : vector<512x32xf32>
    %reduce_sum3A_1042 = arith.constant dense<0.000000e+00> : vector<512xf32>
    %reduce_sum3A_1043 = vector.multi_reduction <add>, %add3A_1041, %reduce_sum3A_1042 [1] : vector<512x32xf32> to vector<512xf32>
    %broadcast_in_dim3A_1044 = vector.shape_cast %reduce_sum3A_1043 : vector<512xf32> to vector<512x1xf32>
    %div3A_1045 = arith.constant 1.280000e+02 : f32
    %div3A_1046 = vector.broadcast %div3A_1045 : f32 to vector<512x1xf32>
    %div3A_1047 = arith.divf %broadcast_in_dim3A_1044, %div3A_1046 : vector<512x1xf32>
    %get3A_1048 = arith.constant 0 : index
    %get3A_1049 = arith.constant 0 : index
    %get3A_1050 = arith.constant 0 : index
    %get3A_1051 = vector.load %arg25[%get3A_1048, %get3A_1049, %get3A_1050] : memref<4x512x32xf32, #tpu.memory_space<vmem>>, vector<1x512x32xf32>
    %get3A_1052 = vector.shape_cast %get3A_1051 : vector<1x512x32xf32> to vector<512x32xf32>
    %integer_pow3A_1053 = arith.mulf %get3A_1052, %get3A_1052 : vector<512x32xf32>
    %get3A_1054 = arith.constant 1 : index
    %get3A_1055 = arith.constant 0 : index
    %get3A_1056 = arith.constant 0 : index
    %get3A_1057 = vector.load %arg25[%get3A_1054, %get3A_1055, %get3A_1056] : memref<4x512x32xf32, #tpu.memory_space<vmem>>, vector<1x512x32xf32>
    %get3A_1058 = vector.shape_cast %get3A_1057 : vector<1x512x32xf32> to vector<512x32xf32>
    %integer_pow3A_1059 = arith.mulf %get3A_1058, %get3A_1058 : vector<512x32xf32>
    %add3A_1060 = arith.addf %integer_pow3A_1053, %integer_pow3A_1059 : vector<512x32xf32>
    %get3A_1061 = arith.constant 2 : index
    %get3A_1062 = arith.constant 0 : index
    %get3A_1063 = arith.constant 0 : index
    %get3A_1064 = vector.load %arg25[%get3A_1061, %get3A_1062, %get3A_1063] : memref<4x512x32xf32, #tpu.memory_space<vmem>>, vector<1x512x32xf32>
    %get3A_1065 = vector.shape_cast %get3A_1064 : vector<1x512x32xf32> to vector<512x32xf32>
    %integer_pow3A_1066 = arith.mulf %get3A_1065, %get3A_1065 : vector<512x32xf32>
    %add3A_1067 = arith.addf %add3A_1060, %integer_pow3A_1066 : vector<512x32xf32>
    %get3A_1068 = arith.constant 3 : index
    %get3A_1069 = arith.constant 0 : index
    %get3A_1070 = arith.constant 0 : index
    %get3A_1071 = vector.load %arg25[%get3A_1068, %get3A_1069, %get3A_1070] : memref<4x512x32xf32, #tpu.memory_space<vmem>>, vector<1x512x32xf32>
    %get3A_1072 = vector.shape_cast %get3A_1071 : vector<1x512x32xf32> to vector<512x32xf32>
    %integer_pow3A_1073 = arith.mulf %get3A_1072, %get3A_1072 : vector<512x32xf32>
    %add3A_1074 = arith.addf %add3A_1067, %integer_pow3A_1073 : vector<512x32xf32>
    %reduce_sum3A_1075 = arith.constant dense<0.000000e+00> : vector<512xf32>
    %reduce_sum3A_1076 = vector.multi_reduction <add>, %add3A_1074, %reduce_sum3A_1075 [1] : vector<512x32xf32> to vector<512xf32>
    %broadcast_in_dim3A_1077 = vector.shape_cast %reduce_sum3A_1076 : vector<512xf32> to vector<512x1xf32>
    %div3A_1078 = arith.constant 1.280000e+02 : f32
    %div3A_1079 = vector.broadcast %div3A_1078 : f32 to vector<512x1xf32>
    %div3A_1080 = arith.divf %broadcast_in_dim3A_1077, %div3A_1079 : vector<512x1xf32>
    %integer_pow3A_1081 = arith.mulf %div3A_1047, %div3A_1047 : vector<512x1xf32>
    %sub3A_1082 = arith.subf %div3A_1080, %integer_pow3A_1081 : vector<512x1xf32>
    %get3A_1083 = arith.constant 0 : index
    %get3A_1084 = arith.constant 0 : index
    %get3A_1085 = vector.load %arg12[%get3A_1083, %get3A_1084] : memref<512x1xf32, #tpu.memory_space<vmem>>, vector<512x1xf32>
    %add3A_1086 = arith.constant 9.99999974E-6 : f32
    %add3A_1087 = vector.broadcast %add3A_1086 : f32 to vector<512x1xf32>
    %add3A_1088 = arith.addf %sub3A_1082, %add3A_1087 : vector<512x1xf32>
    %sqrt3A_1089 = math.sqrt %add3A_1088 : vector<512x1xf32>
    %div3A_1090 = arith.divf %get3A_1085, %sqrt3A_1089 : vector<512x1xf32>
    %get3A_1091 = arith.constant 0 : index
    %get3A_1092 = arith.constant 0 : index
    %get3A_1093 = vector.load %arg13[%get3A_1091, %get3A_1092] : memref<512x1xf32, #tpu.memory_space<vmem>>, vector<512x1xf32>
    %mul3A_1094 = arith.mulf %div3A_1090, %div3A_1047 : vector<512x1xf32>
    %sub3A_1095 = arith.subf %get3A_1093, %mul3A_1094 : vector<512x1xf32>
    %get3A_1096 = arith.constant 0 : index
    %get3A_1097 = arith.constant 0 : index
    %get3A_1098 = arith.constant 0 : index
    %get3A_1099 = vector.load %arg25[%get3A_1096, %get3A_1097, %get3A_1098] : memref<4x512x32xf32, #tpu.memory_space<vmem>>, vector<1x512x32xf32>
    %get3A_1100 = vector.shape_cast %get3A_1099 : vector<1x512x32xf32> to vector<512x32xf32>
    %mul3A_1101 = vector.broadcast %div3A_1090 : vector<512x1xf32> to vector<512x32xf32>
    %mul3A_1102 = arith.mulf %get3A_1100, %mul3A_1101 : vector<512x32xf32>
    %add3A_1103 = vector.broadcast %sub3A_1095 : vector<512x1xf32> to vector<512x32xf32>
    %add3A_1104 = arith.addf %mul3A_1102, %add3A_1103 : vector<512x32xf32>
    %max3A_1105 = arith.constant 0.000000e+00 : f32
    %max3A_1106 = vector.broadcast %max3A_1105 : f32 to vector<512x32xf32>
    %max3A_1107 = arith.maximumf %add3A_1104, %max3A_1106 : vector<512x32xf32>
    %swap3A_1108 = arith.constant 0 : index
    %swap3A_1109 = arith.constant 0 : index
    %swap3A_1110 = arith.constant 0 : index
    %swap3A_1111 = vector.load %arg25[%swap3A_1108, %swap3A_1109, %swap3A_1110] : memref<4x512x32xf32, #tpu.memory_space<vmem>>, vector<1x512x32xf32>
    %swap3A_1112 = vector.shape_cast %swap3A_1111 : vector<1x512x32xf32> to vector<512x32xf32>
    %swap3A_1113 = vector.shape_cast %max3A_1107 : vector<512x32xf32> to vector<1x512x32xf32>
    tpu.vector_store %arg25[%swap3A_1108, %swap3A_1109, %swap3A_1110], %swap3A_1113 {strides = array<i32>} : memref<4x512x32xf32, #tpu.memory_space<vmem>>, vector<1x512x32xf32>,
    %get3A_1114 = arith.constant 1 : index
    %get3A_1115 = arith.constant 0 : index
    %get3A_1116 = arith.constant 0 : index
    %get3A_1117 = vector.load %arg25[%get3A_1114, %get3A_1115, %get3A_1116] : memref<4x512x32xf32, #tpu.memory_space<vmem>>, vector<1x512x32xf32>
    %get3A_1118 = vector.shape_cast %get3A_1117 : vector<1x512x32xf32> to vector<512x32xf32>
    %mul3A_1119 = vector.broadcast %div3A_1090 : vector<512x1xf32> to vector<512x32xf32>
    %mul3A_1120 = arith.mulf %get3A_1118, %mul3A_1119 : vector<512x32xf32>
    %add3A_1121 = vector.broadcast %sub3A_1095 : vector<512x1xf32> to vector<512x32xf32>
    %add3A_1122 = arith.addf %mul3A_1120, %add3A_1121 : vector<512x32xf32>
    %max3A_1123 = arith.constant 0.000000e+00 : f32
    %max3A_1124 = vector.broadcast %max3A_1123 : f32 to vector<512x32xf32>
    %max3A_1125 = arith.maximumf %add3A_1122, %max3A_1124 : vector<512x32xf32>
    %swap3A_1126 = arith.constant 1 : index
    %swap3A_1127 = arith.constant 0 : index
    %swap3A_1128 = arith.constant 0 : index
    %swap3A_1129 = vector.load %arg25[%swap3A_1126, %swap3A_1127, %swap3A_1128] : memref<4x512x32xf32, #tpu.memory_space<vmem>>, vector<1x512x32xf32>
    %swap3A_1130 = vector.shape_cast %swap3A_1129 : vector<1x512x32xf32> to vector<512x32xf32>
    %swap3A_1131 = vector.shape_cast %max3A_1125 : vector<512x32xf32> to vector<1x512x32xf32>
    tpu.vector_store %arg25[%swap3A_1126, %swap3A_1127, %swap3A_1128], %swap3A_1131 {strides = array<i32>} : memref<4x512x32xf32, #tpu.memory_space<vmem>>, vector<1x512x32xf32>,
    %get3A_1132 = arith.constant 2 : index
    %get3A_1133 = arith.constant 0 : index
    %get3A_1134 = arith.constant 0 : index
    %get3A_1135 = vector.load %arg25[%get3A_1132, %get3A_1133, %get3A_1134] : memref<4x512x32xf32, #tpu.memory_space<vmem>>, vector<1x512x32xf32>
    %get3A_1136 = vector.shape_cast %get3A_1135 : vector<1x512x32xf32> to vector<512x32xf32>
    %mul3A_1137 = vector.broadcast %div3A_1090 : vector<512x1xf32> to vector<512x32xf32>
    %mul3A_1138 = arith.mulf %get3A_1136, %mul3A_1137 : vector<512x32xf32>
    %add3A_1139 = vector.broadcast %sub3A_1095 : vector<512x1xf32> to vector<512x32xf32>
    %add3A_1140 = arith.addf %mul3A_1138, %add3A_1139 : vector<512x32xf32>
    %max3A_1141 = arith.constant 0.000000e+00 : f32
    %max3A_1142 = vector.broadcast %max3A_1141 : f32 to vector<512x32xf32>
    %max3A_1143 = arith.maximumf %add3A_1140, %max3A_1142 : vector<512x32xf32>
    %swap3A_1144 = arith.constant 2 : index
    %swap3A_1145 = arith.constant 0 : index
    %swap3A_1146 = arith.constant 0 : index
    %swap3A_1147 = vector.load %arg25[%swap3A_1144, %swap3A_1145, %swap3A_1146] : memref<4x512x32xf32, #tpu.memory_space<vmem>>, vector<1x512x32xf32>
    %swap3A_1148 = vector.shape_cast %swap3A_1147 : vector<1x512x32xf32> to vector<512x32xf32>
    %swap3A_1149 = vector.shape_cast %max3A_1143 : vector<512x32xf32> to vector<1x512x32xf32>
    tpu.vector_store %arg25[%swap3A_1144, %swap3A_1145, %swap3A_1146], %swap3A_1149 {strides = array<i32>} : memref<4x512x32xf32, #tpu.memory_space<vmem>>, vector<1x512x32xf32>,
    %get3A_1150 = arith.constant 3 : index
    %get3A_1151 = arith.constant 0 : index
    %get3A_1152 = arith.constant 0 : index
    %get3A_1153 = vector.load %arg25[%get3A_1150, %get3A_1151, %get3A_1152] : memref<4x512x32xf32, #tpu.memory_space<vmem>>, vector<1x512x32xf32>
    %get3A_1154 = vector.shape_cast %get3A_1153 : vector<1x512x32xf32> to vector<512x32xf32>
    %mul3A_1155 = vector.broadcast %div3A_1090 : vector<512x1xf32> to vector<512x32xf32>
    %mul3A_1156 = arith.mulf %get3A_1154, %mul3A_1155 : vector<512x32xf32>
    %add3A_1157 = vector.broadcast %sub3A_1095 : vector<512x1xf32> to vector<512x32xf32>
    %add3A_1158 = arith.addf %mul3A_1156, %add3A_1157 : vector<512x32xf32>
    %max3A_1159 = arith.constant 0.000000e+00 : f32
    %max3A_1160 = vector.broadcast %max3A_1159 : f32 to vector<512x32xf32>
    %max3A_1161 = arith.maximumf %add3A_1158, %max3A_1160 : vector<512x32xf32>
    %swap3A_1162 = arith.constant 3 : index
    %swap3A_1163 = arith.constant 0 : index
    %swap3A_1164 = arith.constant 0 : index
    %swap3A_1165 = vector.load %arg25[%swap3A_1162, %swap3A_1163, %swap3A_1164] : memref<4x512x32xf32, #tpu.memory_space<vmem>>, vector<1x512x32xf32>
    %swap3A_1166 = vector.shape_cast %swap3A_1165 : vector<1x512x32xf32> to vector<512x32xf32>
    %swap3A_1167 = vector.shape_cast %max3A_1161 : vector<512x32xf32> to vector<1x512x32xf32>
    tpu.vector_store %arg25[%swap3A_1162, %swap3A_1163, %swap3A_1164], %swap3A_1167 {strides = array<i32>} : memref<4x512x32xf32, #tpu.memory_space<vmem>>, vector<1x512x32xf32>,
    %iota3A_1168 = tpu.iota {dimensions = array<i32: 0>} : vector<32x32xi32>
    %iota3A_1169 = tpu.iota {dimensions = array<i32: 1>} : vector<32x32xi32>
    %add3A_1170 = arith.constant -1 : i32
    %add3A_1171 = vector.broadcast %add3A_1170 : i32 to vector<32x32xi32>
    %add3A_1172 = arith.addi %iota3A_1169, %add3A_1171 : vector<32x32xi32>
    %eq3A_1173 = arith.cmpi eq, %iota3A_1168, %add3A_1172 : vector<32x32xi32>
    %convert_element_type3A_1174 = arith.extui %eq3A_1173 : vector<32x32xi1> to vector<32x32xi32>
    %convert_element_type3A_1175 = arith.sitofp %convert_element_type3A_1174 : vector<32x32xi32> to vector<32x32xf32>
    %iota3A_1176 = tpu.iota {dimensions = array<i32: 0>} : vector<32x32xi32>
    %iota3A_1177 = tpu.iota {dimensions = array<i32: 1>} : vector<32x32xi32>
    %add3A_1178 = arith.constant 1 : i32
    %add3A_1179 = vector.broadcast %add3A_1178 : i32 to vector<32x32xi32>
    %add3A_1180 = arith.addi %iota3A_1177, %add3A_1179 : vector<32x32xi32>
    %eq3A_1181 = arith.cmpi eq, %iota3A_1176, %add3A_1180 : vector<32x32xi32>
    %convert_element_type3A_1182 = arith.extui %eq3A_1181 : vector<32x32xi1> to vector<32x32xi32>
    %convert_element_type3A_1183 = arith.sitofp %convert_element_type3A_1182 : vector<32x32xi32> to vector<32x32xf32>
    %get3A_1184 = arith.constant 0 : index
    %get3A_1185 = arith.constant 0 : index
    %get3A_1186 = arith.constant 0 : index
    %get3A_1187 = vector.load %arg4[%get3A_1184, %get3A_1185, %get3A_1186] : memref<3x512x512xf32, #tpu.memory_space<vmem>>, vector<1x512x512xf32>
    %get3A_1188 = vector.shape_cast %get3A_1187 : vector<1x512x512xf32> to vector<512x512xf32>
    %get3A_1189 = arith.constant 0 : index
    %get3A_1190 = arith.constant 0 : index
    %get3A_1191 = arith.constant 0 : index
    %get3A_1192 = vector.load %arg25[%get3A_1189, %get3A_1190, %get3A_1191] : memref<4x512x32xf32, #tpu.memory_space<vmem>>, vector<1x512x32xf32>
    %get3A_1193 = vector.shape_cast %get3A_1192 : vector<1x512x32xf32> to vector<512x32xf32>
    %dot_general3A_1194 = arith.constant dense<0.000000e+00> : vector<512x32xf32>
    %dot_general3A_1195 = tpu.matmul %get3A_1188, %get3A_1193, %dot_general3A_1194 {dimension_numbers = #tpu.dot_dimension_numbers<[1], [0], [0], [1], [0, 0, 1, 1], [], []>, transpose_lhs_hint = false} : vector<512x512xf32>, vector<512x32xf32>, vector<512x32xf32> -> vector<512x32xf32>
    %dot_general3A_1196 = arith.constant dense<0.000000e+00> : vector<512x32xf32>
    %dot_general3A_1197 = tpu.matmul %dot_general3A_1195, %convert_element_type3A_1175, %dot_general3A_1196 {dimension_numbers = #tpu.dot_dimension_numbers<[1], [0], [0], [1], [0, 0, 1, 1], [], []>, transpose_lhs_hint = false} : vector<512x32xf32>, vector<32x32xf32>, vector<512x32xf32> -> vector<512x32xf32>
    %get3A_1198 = arith.constant 1 : index
    %get3A_1199 = arith.constant 0 : index
    %get3A_1200 = arith.constant 0 : index
    %get3A_1201 = vector.load %arg4[%get3A_1198, %get3A_1199, %get3A_1200] : memref<3x512x512xf32, #tpu.memory_space<vmem>>, vector<1x512x512xf32>
    %get3A_1202 = vector.shape_cast %get3A_1201 : vector<1x512x512xf32> to vector<512x512xf32>
    %get3A_1203 = arith.constant 0 : index
    %get3A_1204 = arith.constant 0 : index
    %get3A_1205 = arith.constant 0 : index
    %get3A_1206 = vector.load %arg25[%get3A_1203, %get3A_1204, %get3A_1205] : memref<4x512x32xf32, #tpu.memory_space<vmem>>, vector<1x512x32xf32>
    %get3A_1207 = vector.shape_cast %get3A_1206 : vector<1x512x32xf32> to vector<512x32xf32>
    %dot_general3A_1208 = arith.constant dense<0.000000e+00> : vector<512x32xf32>
    %dot_general3A_1209 = tpu.matmul %get3A_1202, %get3A_1207, %dot_general3A_1208 {dimension_numbers = #tpu.dot_dimension_numbers<[1], [0], [0], [1], [0, 0, 1, 1], [], []>, transpose_lhs_hint = false} : vector<512x512xf32>, vector<512x32xf32>, vector<512x32xf32> -> vector<512x32xf32>
    %add3A_1210 = arith.addf %dot_general3A_1197, %dot_general3A_1209 : vector<512x32xf32>
    %get3A_1211 = arith.constant 2 : index
    %get3A_1212 = arith.constant 0 : index
    %get3A_1213 = arith.constant 0 : index
    %get3A_1214 = vector.load %arg4[%get3A_1211, %get3A_1212, %get3A_1213] : memref<3x512x512xf32, #tpu.memory_space<vmem>>, vector<1x512x512xf32>
    %get3A_1215 = vector.shape_cast %get3A_1214 : vector<1x512x512xf32> to vector<512x512xf32>
    %get3A_1216 = arith.constant 0 : index
    %get3A_1217 = arith.constant 0 : index
    %get3A_1218 = arith.constant 0 : index
    %get3A_1219 = vector.load %arg25[%get3A_1216, %get3A_1217, %get3A_1218] : memref<4x512x32xf32, #tpu.memory_space<vmem>>, vector<1x512x32xf32>
    %get3A_1220 = vector.shape_cast %get3A_1219 : vector<1x512x32xf32> to vector<512x32xf32>
    %dot_general3A_1221 = arith.constant dense<0.000000e+00> : vector<512x32xf32>
    %dot_general3A_1222 = tpu.matmul %get3A_1215, %get3A_1220, %dot_general3A_1221 {dimension_numbers = #tpu.dot_dimension_numbers<[1], [0], [0], [1], [0, 0, 1, 1], [], []>, transpose_lhs_hint = false} : vector<512x512xf32>, vector<512x32xf32>, vector<512x32xf32> -> vector<512x32xf32>
    %dot_general3A_1223 = arith.constant dense<0.000000e+00> : vector<512x32xf32>
    %dot_general3A_1224 = tpu.matmul %dot_general3A_1222, %convert_element_type3A_1183, %dot_general3A_1223 {dimension_numbers = #tpu.dot_dimension_numbers<[1], [0], [0], [1], [0, 0, 1, 1], [], []>, transpose_lhs_hint = false} : vector<512x32xf32>, vector<32x32xf32>, vector<512x32xf32> -> vector<512x32xf32>
    %add3A_1225 = arith.addf %add3A_1210, %dot_general3A_1224 : vector<512x32xf32>
    %swap3A_1226 = arith.constant 0 : index
    %swap3A_1227 = arith.constant 0 : index
    %swap3A_1228 = arith.constant 0 : index
    %swap3A_1229 = vector.load %arg26[%swap3A_1226, %swap3A_1227, %swap3A_1228] : memref<4x512x32xf32, #tpu.memory_space<vmem>>, vector<1x512x32xf32>
    %swap3A_1230 = vector.shape_cast %swap3A_1229 : vector<1x512x32xf32> to vector<512x32xf32>
    %swap3A_1231 = vector.shape_cast %add3A_1225 : vector<512x32xf32> to vector<1x512x32xf32>
    tpu.vector_store %arg26[%swap3A_1226, %swap3A_1227, %swap3A_1228], %swap3A_1231 {strides = array<i32>} : memref<4x512x32xf32, #tpu.memory_space<vmem>>, vector<1x512x32xf32>,
    %get3A_1232 = arith.constant 0 : index
    %get3A_1233 = arith.constant 0 : index
    %get3A_1234 = arith.constant 0 : index
    %get3A_1235 = vector.load %arg4[%get3A_1232, %get3A_1233, %get3A_1234] : memref<3x512x512xf32, #tpu.memory_space<vmem>>, vector<1x512x512xf32>
    %get3A_1236 = vector.shape_cast %get3A_1235 : vector<1x512x512xf32> to vector<512x512xf32>
    %get3A_1237 = arith.constant 1 : index
    %get3A_1238 = arith.constant 0 : index
    %get3A_1239 = arith.constant 0 : index
    %get3A_1240 = vector.load %arg25[%get3A_1237, %get3A_1238, %get3A_1239] : memref<4x512x32xf32, #tpu.memory_space<vmem>>, vector<1x512x32xf32>
    %get3A_1241 = vector.shape_cast %get3A_1240 : vector<1x512x32xf32> to vector<512x32xf32>
    %dot_general3A_1242 = arith.constant dense<0.000000e+00> : vector<512x32xf32>
    %dot_general3A_1243 = tpu.matmul %get3A_1236, %get3A_1241, %dot_general3A_1242 {dimension_numbers = #tpu.dot_dimension_numbers<[1], [0], [0], [1], [0, 0, 1, 1], [], []>, transpose_lhs_hint = false} : vector<512x512xf32>, vector<512x32xf32>, vector<512x32xf32> -> vector<512x32xf32>
    %dot_general3A_1244 = arith.constant dense<0.000000e+00> : vector<512x32xf32>
    %dot_general3A_1245 = tpu.matmul %dot_general3A_1243, %convert_element_type3A_1175, %dot_general3A_1244 {dimension_numbers = #tpu.dot_dimension_numbers<[1], [0], [0], [1], [0, 0, 1, 1], [], []>, transpose_lhs_hint = false} : vector<512x32xf32>, vector<32x32xf32>, vector<512x32xf32> -> vector<512x32xf32>
    %get3A_1246 = arith.constant 1 : index
    %get3A_1247 = arith.constant 0 : index
    %get3A_1248 = arith.constant 0 : index
    %get3A_1249 = vector.load %arg4[%get3A_1246, %get3A_1247, %get3A_1248] : memref<3x512x512xf32, #tpu.memory_space<vmem>>, vector<1x512x512xf32>
    %get3A_1250 = vector.shape_cast %get3A_1249 : vector<1x512x512xf32> to vector<512x512xf32>
    %get3A_1251 = arith.constant 1 : index
    %get3A_1252 = arith.constant 0 : index
    %get3A_1253 = arith.constant 0 : index
    %get3A_1254 = vector.load %arg25[%get3A_1251, %get3A_1252, %get3A_1253] : memref<4x512x32xf32, #tpu.memory_space<vmem>>, vector<1x512x32xf32>
    %get3A_1255 = vector.shape_cast %get3A_1254 : vector<1x512x32xf32> to vector<512x32xf32>
    %dot_general3A_1256 = arith.constant dense<0.000000e+00> : vector<512x32xf32>
    %dot_general3A_1257 = tpu.matmul %get3A_1250, %get3A_1255, %dot_general3A_1256 {dimension_numbers = #tpu.dot_dimension_numbers<[1], [0], [0], [1], [0, 0, 1, 1], [], []>, transpose_lhs_hint = false} : vector<512x512xf32>, vector<512x32xf32>, vector<512x32xf32> -> vector<512x32xf32>
    %add3A_1258 = arith.addf %dot_general3A_1245, %dot_general3A_1257 : vector<512x32xf32>
    %get3A_1259 = arith.constant 2 : index
    %get3A_1260 = arith.constant 0 : index
    %get3A_1261 = arith.constant 0 : index
    %get3A_1262 = vector.load %arg4[%get3A_1259, %get3A_1260, %get3A_1261] : memref<3x512x512xf32, #tpu.memory_space<vmem>>, vector<1x512x512xf32>
    %get3A_1263 = vector.shape_cast %get3A_1262 : vector<1x512x512xf32> to vector<512x512xf32>
    %get3A_1264 = arith.constant 1 : index
    %get3A_1265 = arith.constant 0 : index
    %get3A_1266 = arith.constant 0 : index
    %get3A_1267 = vector.load %arg25[%get3A_1264, %get3A_1265, %get3A_1266] : memref<4x512x32xf32, #tpu.memory_space<vmem>>, vector<1x512x32xf32>
    %get3A_1268 = vector.shape_cast %get3A_1267 : vector<1x512x32xf32> to vector<512x32xf32>
    %dot_general3A_1269 = arith.constant dense<0.000000e+00> : vector<512x32xf32>
    %dot_general3A_1270 = tpu.matmul %get3A_1263, %get3A_1268, %dot_general3A_1269 {dimension_numbers = #tpu.dot_dimension_numbers<[1], [0], [0], [1], [0, 0, 1, 1], [], []>, transpose_lhs_hint = false} : vector<512x512xf32>, vector<512x32xf32>, vector<512x32xf32> -> vector<512x32xf32>
    %dot_general3A_1271 = arith.constant dense<0.000000e+00> : vector<512x32xf32>
    %dot_general3A_1272 = tpu.matmul %dot_general3A_1270, %convert_element_type3A_1183, %dot_general3A_1271 {dimension_numbers = #tpu.dot_dimension_numbers<[1], [0], [0], [1], [0, 0, 1, 1], [], []>, transpose_lhs_hint = false} : vector<512x32xf32>, vector<32x32xf32>, vector<512x32xf32> -> vector<512x32xf32>
    %add3A_1273 = arith.addf %add3A_1258, %dot_general3A_1272 : vector<512x32xf32>
    %swap3A_1274 = arith.constant 1 : index
    %swap3A_1275 = arith.constant 0 : index
    %swap3A_1276 = arith.constant 0 : index
    %swap3A_1277 = vector.load %arg26[%swap3A_1274, %swap3A_1275, %swap3A_1276] : memref<4x512x32xf32, #tpu.memory_space<vmem>>, vector<1x512x32xf32>
    %swap3A_1278 = vector.shape_cast %swap3A_1277 : vector<1x512x32xf32> to vector<512x32xf32>
    %swap3A_1279 = vector.shape_cast %add3A_1273 : vector<512x32xf32> to vector<1x512x32xf32>
    tpu.vector_store %arg26[%swap3A_1274, %swap3A_1275, %swap3A_1276], %swap3A_1279 {strides = array<i32>} : memref<4x512x32xf32, #tpu.memory_space<vmem>>, vector<1x512x32xf32>,
    %get3A_1280 = arith.constant 0 : index
    %get3A_1281 = arith.constant 0 : index
    %get3A_1282 = arith.constant 0 : index
    %get3A_1283 = vector.load %arg4[%get3A_1280, %get3A_1281, %get3A_1282] : memref<3x512x512xf32, #tpu.memory_space<vmem>>, vector<1x512x512xf32>
    %get3A_1284 = vector.shape_cast %get3A_1283 : vector<1x512x512xf32> to vector<512x512xf32>
    %get3A_1285 = arith.constant 2 : index
    %get3A_1286 = arith.constant 0 : index
    %get3A_1287 = arith.constant 0 : index
    %get3A_1288 = vector.load %arg25[%get3A_1285, %get3A_1286, %get3A_1287] : memref<4x512x32xf32, #tpu.memory_space<vmem>>, vector<1x512x32xf32>
    %get3A_1289 = vector.shape_cast %get3A_1288 : vector<1x512x32xf32> to vector<512x32xf32>
    %dot_general3A_1290 = arith.constant dense<0.000000e+00> : vector<512x32xf32>
    %dot_general3A_1291 = tpu.matmul %get3A_1284, %get3A_1289, %dot_general3A_1290 {dimension_numbers = #tpu.dot_dimension_numbers<[1], [0], [0], [1], [0, 0, 1, 1], [], []>, transpose_lhs_hint = false} : vector<512x512xf32>, vector<512x32xf32>, vector<512x32xf32> -> vector<512x32xf32>
    %dot_general3A_1292 = arith.constant dense<0.000000e+00> : vector<512x32xf32>
    %dot_general3A_1293 = tpu.matmul %dot_general3A_1291, %convert_element_type3A_1175, %dot_general3A_1292 {dimension_numbers = #tpu.dot_dimension_numbers<[1], [0], [0], [1], [0, 0, 1, 1], [], []>, transpose_lhs_hint = false} : vector<512x32xf32>, vector<32x32xf32>, vector<512x32xf32> -> vector<512x32xf32>
    %get3A_1294 = arith.constant 1 : index
    %get3A_1295 = arith.constant 0 : index
    %get3A_1296 = arith.constant 0 : index
    %get3A_1297 = vector.load %arg4[%get3A_1294, %get3A_1295, %get3A_1296] : memref<3x512x512xf32, #tpu.memory_space<vmem>>, vector<1x512x512xf32>
    %get3A_1298 = vector.shape_cast %get3A_1297 : vector<1x512x512xf32> to vector<512x512xf32>
    %get3A_1299 = arith.constant 2 : index
    %get3A_1300 = arith.constant 0 : index
    %get3A_1301 = arith.constant 0 : index
    %get3A_1302 = vector.load %arg25[%get3A_1299, %get3A_1300, %get3A_1301] : memref<4x512x32xf32, #tpu.memory_space<vmem>>, vector<1x512x32xf32>
    %get3A_1303 = vector.shape_cast %get3A_1302 : vector<1x512x32xf32> to vector<512x32xf32>
    %dot_general3A_1304 = arith.constant dense<0.000000e+00> : vector<512x32xf32>
    %dot_general3A_1305 = tpu.matmul %get3A_1298, %get3A_1303, %dot_general3A_1304 {dimension_numbers = #tpu.dot_dimension_numbers<[1], [0], [0], [1], [0, 0, 1, 1], [], []>, transpose_lhs_hint = false} : vector<512x512xf32>, vector<512x32xf32>, vector<512x32xf32> -> vector<512x32xf32>
    %add3A_1306 = arith.addf %dot_general3A_1293, %dot_general3A_1305 : vector<512x32xf32>
    %get3A_1307 = arith.constant 2 : index
    %get3A_1308 = arith.constant 0 : index
    %get3A_1309 = arith.constant 0 : index
    %get3A_1310 = vector.load %arg4[%get3A_1307, %get3A_1308, %get3A_1309] : memref<3x512x512xf32, #tpu.memory_space<vmem>>, vector<1x512x512xf32>
    %get3A_1311 = vector.shape_cast %get3A_1310 : vector<1x512x512xf32> to vector<512x512xf32>
    %get3A_1312 = arith.constant 2 : index
    %get3A_1313 = arith.constant 0 : index
    %get3A_1314 = arith.constant 0 : index
    %get3A_1315 = vector.load %arg25[%get3A_1312, %get3A_1313, %get3A_1314] : memref<4x512x32xf32, #tpu.memory_space<vmem>>, vector<1x512x32xf32>
    %get3A_1316 = vector.shape_cast %get3A_1315 : vector<1x512x32xf32> to vector<512x32xf32>
    %dot_general3A_1317 = arith.constant dense<0.000000e+00> : vector<512x32xf32>
    %dot_general3A_1318 = tpu.matmul %get3A_1311, %get3A_1316, %dot_general3A_1317 {dimension_numbers = #tpu.dot_dimension_numbers<[1], [0], [0], [1], [0, 0, 1, 1], [], []>, transpose_lhs_hint = false} : vector<512x512xf32>, vector<512x32xf32>, vector<512x32xf32> -> vector<512x32xf32>
    %dot_general3A_1319 = arith.constant dense<0.000000e+00> : vector<512x32xf32>
    %dot_general3A_1320 = tpu.matmul %dot_general3A_1318, %convert_element_type3A_1183, %dot_general3A_1319 {dimension_numbers = #tpu.dot_dimension_numbers<[1], [0], [0], [1], [0, 0, 1, 1], [], []>, transpose_lhs_hint = false} : vector<512x32xf32>, vector<32x32xf32>, vector<512x32xf32> -> vector<512x32xf32>
    %add3A_1321 = arith.addf %add3A_1306, %dot_general3A_1320 : vector<512x32xf32>
    %swap3A_1322 = arith.constant 2 : index
    %swap3A_1323 = arith.constant 0 : index
    %swap3A_1324 = arith.constant 0 : index
    %swap3A_1325 = vector.load %arg26[%swap3A_1322, %swap3A_1323, %swap3A_1324] : memref<4x512x32xf32, #tpu.memory_space<vmem>>, vector<1x512x32xf32>
    %swap3A_1326 = vector.shape_cast %swap3A_1325 : vector<1x512x32xf32> to vector<512x32xf32>
    %swap3A_1327 = vector.shape_cast %add3A_1321 : vector<512x32xf32> to vector<1x512x32xf32>
    tpu.vector_store %arg26[%swap3A_1322, %swap3A_1323, %swap3A_1324], %swap3A_1327 {strides = array<i32>} : memref<4x512x32xf32, #tpu.memory_space<vmem>>, vector<1x512x32xf32>,
    %get3A_1328 = arith.constant 0 : index
    %get3A_1329 = arith.constant 0 : index
    %get3A_1330 = arith.constant 0 : index
    %get3A_1331 = vector.load %arg4[%get3A_1328, %get3A_1329, %get3A_1330] : memref<3x512x512xf32, #tpu.memory_space<vmem>>, vector<1x512x512xf32>
    %get3A_1332 = vector.shape_cast %get3A_1331 : vector<1x512x512xf32> to vector<512x512xf32>
    %get3A_1333 = arith.constant 3 : index
    %get3A_1334 = arith.constant 0 : index
    %get3A_1335 = arith.constant 0 : index
    %get3A_1336 = vector.load %arg25[%get3A_1333, %get3A_1334, %get3A_1335] : memref<4x512x32xf32, #tpu.memory_space<vmem>>, vector<1x512x32xf32>
    %get3A_1337 = vector.shape_cast %get3A_1336 : vector<1x512x32xf32> to vector<512x32xf32>
    %dot_general3A_1338 = arith.constant dense<0.000000e+00> : vector<512x32xf32>
    %dot_general3A_1339 = tpu.matmul %get3A_1332, %get3A_1337, %dot_general3A_1338 {dimension_numbers = #tpu.dot_dimension_numbers<[1], [0], [0], [1], [0, 0, 1, 1], [], []>, transpose_lhs_hint = false} : vector<512x512xf32>, vector<512x32xf32>, vector<512x32xf32> -> vector<512x32xf32>
    %dot_general3A_1340 = arith.constant dense<0.000000e+00> : vector<512x32xf32>
    %dot_general3A_1341 = tpu.matmul %dot_general3A_1339, %convert_element_type3A_1175, %dot_general3A_1340 {dimension_numbers = #tpu.dot_dimension_numbers<[1], [0], [0], [1], [0, 0, 1, 1], [], []>, transpose_lhs_hint = false} : vector<512x32xf32>, vector<32x32xf32>, vector<512x32xf32> -> vector<512x32xf32>
    %get3A_1342 = arith.constant 1 : index
    %get3A_1343 = arith.constant 0 : index
    %get3A_1344 = arith.constant 0 : index
    %get3A_1345 = vector.load %arg4[%get3A_1342, %get3A_1343, %get3A_1344] : memref<3x512x512xf32, #tpu.memory_space<vmem>>, vector<1x512x512xf32>
    %get3A_1346 = vector.shape_cast %get3A_1345 : vector<1x512x512xf32> to vector<512x512xf32>
    %get3A_1347 = arith.constant 3 : index
    %get3A_1348 = arith.constant 0 : index
    %get3A_1349 = arith.constant 0 : index
    %get3A_1350 = vector.load %arg25[%get3A_1347, %get3A_1348, %get3A_1349] : memref<4x512x32xf32, #tpu.memory_space<vmem>>, vector<1x512x32xf32>
    %get3A_1351 = vector.shape_cast %get3A_1350 : vector<1x512x32xf32> to vector<512x32xf32>
    %dot_general3A_1352 = arith.constant dense<0.000000e+00> : vector<512x32xf32>
    %dot_general3A_1353 = tpu.matmul %get3A_1346, %get3A_1351, %dot_general3A_1352 {dimension_numbers = #tpu.dot_dimension_numbers<[1], [0], [0], [1], [0, 0, 1, 1], [], []>, transpose_lhs_hint = false} : vector<512x512xf32>, vector<512x32xf32>, vector<512x32xf32> -> vector<512x32xf32>
    %add3A_1354 = arith.addf %dot_general3A_1341, %dot_general3A_1353 : vector<512x32xf32>
    %get3A_1355 = arith.constant 2 : index
    %get3A_1356 = arith.constant 0 : index
    %get3A_1357 = arith.constant 0 : index
    %get3A_1358 = vector.load %arg4[%get3A_1355, %get3A_1356, %get3A_1357] : memref<3x512x512xf32, #tpu.memory_space<vmem>>, vector<1x512x512xf32>
    %get3A_1359 = vector.shape_cast %get3A_1358 : vector<1x512x512xf32> to vector<512x512xf32>
    %get3A_1360 = arith.constant 3 : index
    %get3A_1361 = arith.constant 0 : index
    %get3A_1362 = arith.constant 0 : index
    %get3A_1363 = vector.load %arg25[%get3A_1360, %get3A_1361, %get3A_1362] : memref<4x512x32xf32, #tpu.memory_space<vmem>>, vector<1x512x32xf32>
    %get3A_1364 = vector.shape_cast %get3A_1363 : vector<1x512x32xf32> to vector<512x32xf32>
    %dot_general3A_1365 = arith.constant dense<0.000000e+00> : vector<512x32xf32>
    %dot_general3A_1366 = tpu.matmul %get3A_1359, %get3A_1364, %dot_general3A_1365 {dimension_numbers = #tpu.dot_dimension_numbers<[1], [0], [0], [1], [0, 0, 1, 1], [], []>, transpose_lhs_hint = false} : vector<512x512xf32>, vector<512x32xf32>, vector<512x32xf32> -> vector<512x32xf32>
    %dot_general3A_1367 = arith.constant dense<0.000000e+00> : vector<512x32xf32>
    %dot_general3A_1368 = tpu.matmul %dot_general3A_1366, %convert_element_type3A_1183, %dot_general3A_1367 {dimension_numbers = #tpu.dot_dimension_numbers<[1], [0], [0], [1], [0, 0, 1, 1], [], []>, transpose_lhs_hint = false} : vector<512x32xf32>, vector<32x32xf32>, vector<512x32xf32> -> vector<512x32xf32>
    %add3A_1369 = arith.addf %add3A_1354, %dot_general3A_1368 : vector<512x32xf32>
    %swap3A_1370 = arith.constant 3 : index
    %swap3A_1371 = arith.constant 0 : index
    %swap3A_1372 = arith.constant 0 : index
    %swap3A_1373 = vector.load %arg26[%swap3A_1370, %swap3A_1371, %swap3A_1372] : memref<4x512x32xf32, #tpu.memory_space<vmem>>, vector<1x512x32xf32>
    %swap3A_1374 = vector.shape_cast %swap3A_1373 : vector<1x512x32xf32> to vector<512x32xf32>
    %swap3A_1375 = vector.shape_cast %add3A_1369 : vector<512x32xf32> to vector<1x512x32xf32>
    tpu.vector_store %arg26[%swap3A_1370, %swap3A_1371, %swap3A_1372], %swap3A_1375 {strides = array<i32>} : memref<4x512x32xf32, #tpu.memory_space<vmem>>, vector<1x512x32xf32>,
    %get3A_1376 = arith.constant 0 : index
    %get3A_1377 = arith.constant 0 : index
    %get3A_1378 = arith.constant 0 : index
    %get3A_1379 = vector.load %arg26[%get3A_1376, %get3A_1377, %get3A_1378] : memref<4x512x32xf32, #tpu.memory_space<vmem>>, vector<1x512x32xf32>
    %get3A_1380 = vector.shape_cast %get3A_1379 : vector<1x512x32xf32> to vector<512x32xf32>
    %get3A_1381 = arith.constant 1 : index
    %get3A_1382 = arith.constant 0 : index
    %get3A_1383 = arith.constant 0 : index
    %get3A_1384 = vector.load %arg26[%get3A_1381, %get3A_1382, %get3A_1383] : memref<4x512x32xf32, #tpu.memory_space<vmem>>, vector<1x512x32xf32>
    %get3A_1385 = vector.shape_cast %get3A_1384 : vector<1x512x32xf32> to vector<512x32xf32>
    %add3A_1386 = arith.addf %get3A_1380, %get3A_1385 : vector<512x32xf32>
    %get3A_1387 = arith.constant 2 : index
    %get3A_1388 = arith.constant 0 : index
    %get3A_1389 = arith.constant 0 : index
    %get3A_1390 = vector.load %arg26[%get3A_1387, %get3A_1388, %get3A_1389] : memref<4x512x32xf32, #tpu.memory_space<vmem>>, vector<1x512x32xf32>
    %get3A_1391 = vector.shape_cast %get3A_1390 : vector<1x512x32xf32> to vector<512x32xf32>
    %add3A_1392 = arith.addf %add3A_1386, %get3A_1391 : vector<512x32xf32>
    %get3A_1393 = arith.constant 3 : index
    %get3A_1394 = arith.constant 0 : index
    %get3A_1395 = arith.constant 0 : index
    %get3A_1396 = vector.load %arg26[%get3A_1393, %get3A_1394, %get3A_1395] : memref<4x512x32xf32, #tpu.memory_space<vmem>>, vector<1x512x32xf32>
    %get3A_1397 = vector.shape_cast %get3A_1396 : vector<1x512x32xf32> to vector<512x32xf32>
    %add3A_1398 = arith.addf %add3A_1392, %get3A_1397 : vector<512x32xf32>
    %reduce_sum3A_1399 = arith.constant dense<0.000000e+00> : vector<512xf32>
    %reduce_sum3A_1400 = vector.multi_reduction <add>, %add3A_1398, %reduce_sum3A_1399 [1] : vector<512x32xf32> to vector<512xf32>
    %broadcast_in_dim3A_1401 = vector.shape_cast %reduce_sum3A_1400 : vector<512xf32> to vector<512x1xf32>
    %div3A_1402 = arith.constant 1.280000e+02 : f32
    %div3A_1403 = vector.broadcast %div3A_1402 : f32 to vector<512x1xf32>
    %div3A_1404 = arith.divf %broadcast_in_dim3A_1401, %div3A_1403 : vector<512x1xf32>
    %get3A_1405 = arith.constant 0 : index
    %get3A_1406 = arith.constant 0 : index
    %get3A_1407 = arith.constant 0 : index
    %get3A_1408 = vector.load %arg26[%get3A_1405, %get3A_1406, %get3A_1407] : memref<4x512x32xf32, #tpu.memory_space<vmem>>, vector<1x512x32xf32>
    %get3A_1409 = vector.shape_cast %get3A_1408 : vector<1x512x32xf32> to vector<512x32xf32>
    %integer_pow3A_1410 = arith.mulf %get3A_1409, %get3A_1409 : vector<512x32xf32>
    %get3A_1411 = arith.constant 1 : index
    %get3A_1412 = arith.constant 0 : index
    %get3A_1413 = arith.constant 0 : index
    %get3A_1414 = vector.load %arg26[%get3A_1411, %get3A_1412, %get3A_1413] : memref<4x512x32xf32, #tpu.memory_space<vmem>>, vector<1x512x32xf32>
    %get3A_1415 = vector.shape_cast %get3A_1414 : vector<1x512x32xf32> to vector<512x32xf32>
    %integer_pow3A_1416 = arith.mulf %get3A_1415, %get3A_1415 : vector<512x32xf32>
    %add3A_1417 = arith.addf %integer_pow3A_1410, %integer_pow3A_1416 : vector<512x32xf32>
    %get3A_1418 = arith.constant 2 : index
    %get3A_1419 = arith.constant 0 : index
    %get3A_1420 = arith.constant 0 : index
    %get3A_1421 = vector.load %arg26[%get3A_1418, %get3A_1419, %get3A_1420] : memref<4x512x32xf32, #tpu.memory_space<vmem>>, vector<1x512x32xf32>
    %get3A_1422 = vector.shape_cast %get3A_1421 : vector<1x512x32xf32> to vector<512x32xf32>
    %integer_pow3A_1423 = arith.mulf %get3A_1422, %get3A_1422 : vector<512x32xf32>
    %add3A_1424 = arith.addf %add3A_1417, %integer_pow3A_1423 : vector<512x32xf32>
    %get3A_1425 = arith.constant 3 : index
    %get3A_1426 = arith.constant 0 : index
    %get3A_1427 = arith.constant 0 : index
    %get3A_1428 = vector.load %arg26[%get3A_1425, %get3A_1426, %get3A_1427] : memref<4x512x32xf32, #tpu.memory_space<vmem>>, vector<1x512x32xf32>
    %get3A_1429 = vector.shape_cast %get3A_1428 : vector<1x512x32xf32> to vector<512x32xf32>
    %integer_pow3A_1430 = arith.mulf %get3A_1429, %get3A_1429 : vector<512x32xf32>
    %add3A_1431 = arith.addf %add3A_1424, %integer_pow3A_1430 : vector<512x32xf32>
    %reduce_sum3A_1432 = arith.constant dense<0.000000e+00> : vector<512xf32>
    %reduce_sum3A_1433 = vector.multi_reduction <add>, %add3A_1431, %reduce_sum3A_1432 [1] : vector<512x32xf32> to vector<512xf32>
    %broadcast_in_dim3A_1434 = vector.shape_cast %reduce_sum3A_1433 : vector<512xf32> to vector<512x1xf32>
    %div3A_1435 = arith.constant 1.280000e+02 : f32
    %div3A_1436 = vector.broadcast %div3A_1435 : f32 to vector<512x1xf32>
    %div3A_1437 = arith.divf %broadcast_in_dim3A_1434, %div3A_1436 : vector<512x1xf32>
    %integer_pow3A_1438 = arith.mulf %div3A_1404, %div3A_1404 : vector<512x1xf32>
    %sub3A_1439 = arith.subf %div3A_1437, %integer_pow3A_1438 : vector<512x1xf32>
    %get3A_1440 = arith.constant 0 : index
    %get3A_1441 = arith.constant 0 : index
    %get3A_1442 = vector.load %arg14[%get3A_1440, %get3A_1441] : memref<512x1xf32, #tpu.memory_space<vmem>>, vector<512x1xf32>
    %add3A_1443 = arith.constant 9.99999974E-6 : f32
    %add3A_1444 = vector.broadcast %add3A_1443 : f32 to vector<512x1xf32>
    %add3A_1445 = arith.addf %sub3A_1439, %add3A_1444 : vector<512x1xf32>
    %sqrt3A_1446 = math.sqrt %add3A_1445 : vector<512x1xf32>
    %div3A_1447 = arith.divf %get3A_1442, %sqrt3A_1446 : vector<512x1xf32>
    %get3A_1448 = arith.constant 0 : index
    %get3A_1449 = arith.constant 0 : index
    %get3A_1450 = vector.load %arg15[%get3A_1448, %get3A_1449] : memref<512x1xf32, #tpu.memory_space<vmem>>, vector<512x1xf32>
    %mul3A_1451 = arith.mulf %div3A_1447, %div3A_1404 : vector<512x1xf32>
    %sub3A_1452 = arith.subf %get3A_1450, %mul3A_1451 : vector<512x1xf32>
    %get3A_1453 = arith.constant 0 : index
    %get3A_1454 = arith.constant 0 : index
    %get3A_1455 = arith.constant 0 : index
    %get3A_1456 = vector.load %arg26[%get3A_1453, %get3A_1454, %get3A_1455] : memref<4x512x32xf32, #tpu.memory_space<vmem>>, vector<1x512x32xf32>
    %get3A_1457 = vector.shape_cast %get3A_1456 : vector<1x512x32xf32> to vector<512x32xf32>
    %mul3A_1458 = vector.broadcast %div3A_1447 : vector<512x1xf32> to vector<512x32xf32>
    %mul3A_1459 = arith.mulf %get3A_1457, %mul3A_1458 : vector<512x32xf32>
    %add3A_1460 = vector.broadcast %sub3A_1452 : vector<512x1xf32> to vector<512x32xf32>
    %add3A_1461 = arith.addf %mul3A_1459, %add3A_1460 : vector<512x32xf32>
    %max3A_1462 = arith.constant 0.000000e+00 : f32
    %max3A_1463 = vector.broadcast %max3A_1462 : f32 to vector<512x32xf32>
    %max3A_1464 = arith.maximumf %add3A_1461, %max3A_1463 : vector<512x32xf32>
    %swap3A_1465 = arith.constant 0 : index
    %swap3A_1466 = arith.constant 0 : index
    %swap3A_1467 = arith.constant 0 : index
    %swap3A_1468 = vector.load %arg26[%swap3A_1465, %swap3A_1466, %swap3A_1467] : memref<4x512x32xf32, #tpu.memory_space<vmem>>, vector<1x512x32xf32>
    %swap3A_1469 = vector.shape_cast %swap3A_1468 : vector<1x512x32xf32> to vector<512x32xf32>
    %swap3A_1470 = vector.shape_cast %max3A_1464 : vector<512x32xf32> to vector<1x512x32xf32>
    tpu.vector_store %arg26[%swap3A_1465, %swap3A_1466, %swap3A_1467], %swap3A_1470 {strides = array<i32>} : memref<4x512x32xf32, #tpu.memory_space<vmem>>, vector<1x512x32xf32>,
    %get3A_1471 = arith.constant 1 : index
    %get3A_1472 = arith.constant 0 : index
    %get3A_1473 = arith.constant 0 : index
    %get3A_1474 = vector.load %arg26[%get3A_1471, %get3A_1472, %get3A_1473] : memref<4x512x32xf32, #tpu.memory_space<vmem>>, vector<1x512x32xf32>
    %get3A_1475 = vector.shape_cast %get3A_1474 : vector<1x512x32xf32> to vector<512x32xf32>
    %mul3A_1476 = vector.broadcast %div3A_1447 : vector<512x1xf32> to vector<512x32xf32>
    %mul3A_1477 = arith.mulf %get3A_1475, %mul3A_1476 : vector<512x32xf32>
    %add3A_1478 = vector.broadcast %sub3A_1452 : vector<512x1xf32> to vector<512x32xf32>
    %add3A_1479 = arith.addf %mul3A_1477, %add3A_1478 : vector<512x32xf32>
    %max3A_1480 = arith.constant 0.000000e+00 : f32
    %max3A_1481 = vector.broadcast %max3A_1480 : f32 to vector<512x32xf32>
    %max3A_1482 = arith.maximumf %add3A_1479, %max3A_1481 : vector<512x32xf32>
    %swap3A_1483 = arith.constant 1 : index
    %swap3A_1484 = arith.constant 0 : index
    %swap3A_1485 = arith.constant 0 : index
    %swap3A_1486 = vector.load %arg26[%swap3A_1483, %swap3A_1484, %swap3A_1485] : memref<4x512x32xf32, #tpu.memory_space<vmem>>, vector<1x512x32xf32>
    %swap3A_1487 = vector.shape_cast %swap3A_1486 : vector<1x512x32xf32> to vector<512x32xf32>
    %swap3A_1488 = vector.shape_cast %max3A_1482 : vector<512x32xf32> to vector<1x512x32xf32>
    tpu.vector_store %arg26[%swap3A_1483, %swap3A_1484, %swap3A_1485], %swap3A_1488 {strides = array<i32>} : memref<4x512x32xf32, #tpu.memory_space<vmem>>, vector<1x512x32xf32>,
    %get3A_1489 = arith.constant 2 : index
    %get3A_1490 = arith.constant 0 : index
    %get3A_1491 = arith.constant 0 : index
    %get3A_1492 = vector.load %arg26[%get3A_1489, %get3A_1490, %get3A_1491] : memref<4x512x32xf32, #tpu.memory_space<vmem>>, vector<1x512x32xf32>
    %get3A_1493 = vector.shape_cast %get3A_1492 : vector<1x512x32xf32> to vector<512x32xf32>
    %mul3A_1494 = vector.broadcast %div3A_1447 : vector<512x1xf32> to vector<512x32xf32>
    %mul3A_1495 = arith.mulf %get3A_1493, %mul3A_1494 : vector<512x32xf32>
    %add3A_1496 = vector.broadcast %sub3A_1452 : vector<512x1xf32> to vector<512x32xf32>
    %add3A_1497 = arith.addf %mul3A_1495, %add3A_1496 : vector<512x32xf32>
    %max3A_1498 = arith.constant 0.000000e+00 : f32
    %max3A_1499 = vector.broadcast %max3A_1498 : f32 to vector<512x32xf32>
    %max3A_1500 = arith.maximumf %add3A_1497, %max3A_1499 : vector<512x32xf32>
    %swap3A_1501 = arith.constant 2 : index
    %swap3A_1502 = arith.constant 0 : index
    %swap3A_1503 = arith.constant 0 : index
    %swap3A_1504 = vector.load %arg26[%swap3A_1501, %swap3A_1502, %swap3A_1503] : memref<4x512x32xf32, #tpu.memory_space<vmem>>, vector<1x512x32xf32>
    %swap3A_1505 = vector.shape_cast %swap3A_1504 : vector<1x512x32xf32> to vector<512x32xf32>
    %swap3A_1506 = vector.shape_cast %max3A_1500 : vector<512x32xf32> to vector<1x512x32xf32>
    tpu.vector_store %arg26[%swap3A_1501, %swap3A_1502, %swap3A_1503], %swap3A_1506 {strides = array<i32>} : memref<4x512x32xf32, #tpu.memory_space<vmem>>, vector<1x512x32xf32>,
    %get3A_1507 = arith.constant 3 : index
    %get3A_1508 = arith.constant 0 : index
    %get3A_1509 = arith.constant 0 : index
    %get3A_1510 = vector.load %arg26[%get3A_1507, %get3A_1508, %get3A_1509] : memref<4x512x32xf32, #tpu.memory_space<vmem>>, vector<1x512x32xf32>
    %get3A_1511 = vector.shape_cast %get3A_1510 : vector<1x512x32xf32> to vector<512x32xf32>
    %mul3A_1512 = vector.broadcast %div3A_1447 : vector<512x1xf32> to vector<512x32xf32>
    %mul3A_1513 = arith.mulf %get3A_1511, %mul3A_1512 : vector<512x32xf32>
    %add3A_1514 = vector.broadcast %sub3A_1452 : vector<512x1xf32> to vector<512x32xf32>
    %add3A_1515 = arith.addf %mul3A_1513, %add3A_1514 : vector<512x32xf32>
    %max3A_1516 = arith.constant 0.000000e+00 : f32
    %max3A_1517 = vector.broadcast %max3A_1516 : f32 to vector<512x32xf32>
    %max3A_1518 = arith.maximumf %add3A_1515, %max3A_1517 : vector<512x32xf32>
    %swap3A_1519 = arith.constant 3 : index
    %swap3A_1520 = arith.constant 0 : index
    %swap3A_1521 = arith.constant 0 : index
    %swap3A_1522 = vector.load %arg26[%swap3A_1519, %swap3A_1520, %swap3A_1521] : memref<4x512x32xf32, #tpu.memory_space<vmem>>, vector<1x512x32xf32>
    %swap3A_1523 = vector.shape_cast %swap3A_1522 : vector<1x512x32xf32> to vector<512x32xf32>
    %swap3A_1524 = vector.shape_cast %max3A_1518 : vector<512x32xf32> to vector<1x512x32xf32>
    tpu.vector_store %arg26[%swap3A_1519, %swap3A_1520, %swap3A_1521], %swap3A_1524 {strides = array<i32>} : memref<4x512x32xf32, #tpu.memory_space<vmem>>, vector<1x512x32xf32>,
    %get3A_1525 = arith.constant 0 : index
    %get3A_1526 = arith.constant 0 : index
    %get3A_1527 = arith.constant 0 : index
    %get3A_1528 = vector.load %arg5[%get3A_1525, %get3A_1526, %get3A_1527] : memref<3x512x512xf32, #tpu.memory_space<vmem>>, vector<1x512x512xf32>
    %get3A_1529 = vector.shape_cast %get3A_1528 : vector<1x512x512xf32> to vector<512x512xf32>
    %get3A_1530 = arith.constant 0 : index
    %get3A_1531 = arith.constant 0 : index
    %get3A_1532 = arith.constant 0 : index
    %get3A_1533 = vector.load %arg26[%get3A_1530, %get3A_1531, %get3A_1532] : memref<4x512x32xf32, #tpu.memory_space<vmem>>, vector<1x512x32xf32>
    %get3A_1534 = vector.shape_cast %get3A_1533 : vector<1x512x32xf32> to vector<512x32xf32>
    %dot_general3A_1535 = arith.constant dense<0.000000e+00> : vector<512x32xf32>
    %dot_general3A_1536 = tpu.matmul %get3A_1529, %get3A_1534, %dot_general3A_1535 {dimension_numbers = #tpu.dot_dimension_numbers<[1], [0], [0], [1], [0, 0, 1, 1], [], []>, transpose_lhs_hint = false} : vector<512x512xf32>, vector<512x32xf32>, vector<512x32xf32> -> vector<512x32xf32>
    %dot_general3A_1537 = arith.constant dense<0.000000e+00> : vector<512x32xf32>
    %dot_general3A_1538 = tpu.matmul %dot_general3A_1536, %convert_element_type3A_1175, %dot_general3A_1537 {dimension_numbers = #tpu.dot_dimension_numbers<[1], [0], [0], [1], [0, 0, 1, 1], [], []>, transpose_lhs_hint = false} : vector<512x32xf32>, vector<32x32xf32>, vector<512x32xf32> -> vector<512x32xf32>
    %get3A_1539 = arith.constant 1 : index
    %get3A_1540 = arith.constant 0 : index
    %get3A_1541 = arith.constant 0 : index
    %get3A_1542 = vector.load %arg5[%get3A_1539, %get3A_1540, %get3A_1541] : memref<3x512x512xf32, #tpu.memory_space<vmem>>, vector<1x512x512xf32>
    %get3A_1543 = vector.shape_cast %get3A_1542 : vector<1x512x512xf32> to vector<512x512xf32>
    %get3A_1544 = arith.constant 0 : index
    %get3A_1545 = arith.constant 0 : index
    %get3A_1546 = arith.constant 0 : index
    %get3A_1547 = vector.load %arg26[%get3A_1544, %get3A_1545, %get3A_1546] : memref<4x512x32xf32, #tpu.memory_space<vmem>>, vector<1x512x32xf32>
    %get3A_1548 = vector.shape_cast %get3A_1547 : vector<1x512x32xf32> to vector<512x32xf32>
    %dot_general3A_1549 = arith.constant dense<0.000000e+00> : vector<512x32xf32>
    %dot_general3A_1550 = tpu.matmul %get3A_1543, %get3A_1548, %dot_general3A_1549 {dimension_numbers = #tpu.dot_dimension_numbers<[1], [0], [0], [1], [0, 0, 1, 1], [], []>, transpose_lhs_hint = false} : vector<512x512xf32>, vector<512x32xf32>, vector<512x32xf32> -> vector<512x32xf32>
    %add3A_1551 = arith.addf %dot_general3A_1538, %dot_general3A_1550 : vector<512x32xf32>
    %get3A_1552 = arith.constant 2 : index
    %get3A_1553 = arith.constant 0 : index
    %get3A_1554 = arith.constant 0 : index
    %get3A_1555 = vector.load %arg5[%get3A_1552, %get3A_1553, %get3A_1554] : memref<3x512x512xf32, #tpu.memory_space<vmem>>, vector<1x512x512xf32>
    %get3A_1556 = vector.shape_cast %get3A_1555 : vector<1x512x512xf32> to vector<512x512xf32>
    %get3A_1557 = arith.constant 0 : index
    %get3A_1558 = arith.constant 0 : index
    %get3A_1559 = arith.constant 0 : index
    %get3A_1560 = vector.load %arg26[%get3A_1557, %get3A_1558, %get3A_1559] : memref<4x512x32xf32, #tpu.memory_space<vmem>>, vector<1x512x32xf32>
    %get3A_1561 = vector.shape_cast %get3A_1560 : vector<1x512x32xf32> to vector<512x32xf32>
    %dot_general3A_1562 = arith.constant dense<0.000000e+00> : vector<512x32xf32>
    %dot_general3A_1563 = tpu.matmul %get3A_1556, %get3A_1561, %dot_general3A_1562 {dimension_numbers = #tpu.dot_dimension_numbers<[1], [0], [0], [1], [0, 0, 1, 1], [], []>, transpose_lhs_hint = false} : vector<512x512xf32>, vector<512x32xf32>, vector<512x32xf32> -> vector<512x32xf32>
    %dot_general3A_1564 = arith.constant dense<0.000000e+00> : vector<512x32xf32>
    %dot_general3A_1565 = tpu.matmul %dot_general3A_1563, %convert_element_type3A_1183, %dot_general3A_1564 {dimension_numbers = #tpu.dot_dimension_numbers<[1], [0], [0], [1], [0, 0, 1, 1], [], []>, transpose_lhs_hint = false} : vector<512x32xf32>, vector<32x32xf32>, vector<512x32xf32> -> vector<512x32xf32>
    %add3A_1566 = arith.addf %add3A_1551, %dot_general3A_1565 : vector<512x32xf32>
    %swap3A_1567 = arith.constant 0 : index
    %swap3A_1568 = arith.constant 0 : index
    %swap3A_1569 = arith.constant 0 : index
    %swap3A_1570 = vector.load %arg25[%swap3A_1567, %swap3A_1568, %swap3A_1569] : memref<4x512x32xf32, #tpu.memory_space<vmem>>, vector<1x512x32xf32>
    %swap3A_1571 = vector.shape_cast %swap3A_1570 : vector<1x512x32xf32> to vector<512x32xf32>
    %swap3A_1572 = vector.shape_cast %add3A_1566 : vector<512x32xf32> to vector<1x512x32xf32>
    tpu.vector_store %arg25[%swap3A_1567, %swap3A_1568, %swap3A_1569], %swap3A_1572 {strides = array<i32>} : memref<4x512x32xf32, #tpu.memory_space<vmem>>, vector<1x512x32xf32>,
    %get3A_1573 = arith.constant 0 : index
    %get3A_1574 = arith.constant 0 : index
    %get3A_1575 = arith.constant 0 : index
    %get3A_1576 = vector.load %arg5[%get3A_1573, %get3A_1574, %get3A_1575] : memref<3x512x512xf32, #tpu.memory_space<vmem>>, vector<1x512x512xf32>
    %get3A_1577 = vector.shape_cast %get3A_1576 : vector<1x512x512xf32> to vector<512x512xf32>
    %get3A_1578 = arith.constant 1 : index
    %get3A_1579 = arith.constant 0 : index
    %get3A_1580 = arith.constant 0 : index
    %get3A_1581 = vector.load %arg26[%get3A_1578, %get3A_1579, %get3A_1580] : memref<4x512x32xf32, #tpu.memory_space<vmem>>, vector<1x512x32xf32>
    %get3A_1582 = vector.shape_cast %get3A_1581 : vector<1x512x32xf32> to vector<512x32xf32>
    %dot_general3A_1583 = arith.constant dense<0.000000e+00> : vector<512x32xf32>
    %dot_general3A_1584 = tpu.matmul %get3A_1577, %get3A_1582, %dot_general3A_1583 {dimension_numbers = #tpu.dot_dimension_numbers<[1], [0], [0], [1], [0, 0, 1, 1], [], []>, transpose_lhs_hint = false} : vector<512x512xf32>, vector<512x32xf32>, vector<512x32xf32> -> vector<512x32xf32>
    %dot_general3A_1585 = arith.constant dense<0.000000e+00> : vector<512x32xf32>
    %dot_general3A_1586 = tpu.matmul %dot_general3A_1584, %convert_element_type3A_1175, %dot_general3A_1585 {dimension_numbers = #tpu.dot_dimension_numbers<[1], [0], [0], [1], [0, 0, 1, 1], [], []>, transpose_lhs_hint = false} : vector<512x32xf32>, vector<32x32xf32>, vector<512x32xf32> -> vector<512x32xf32>
    %get3A_1587 = arith.constant 1 : index
    %get3A_1588 = arith.constant 0 : index
    %get3A_1589 = arith.constant 0 : index
    %get3A_1590 = vector.load %arg5[%get3A_1587, %get3A_1588, %get3A_1589] : memref<3x512x512xf32, #tpu.memory_space<vmem>>, vector<1x512x512xf32>
    %get3A_1591 = vector.shape_cast %get3A_1590 : vector<1x512x512xf32> to vector<512x512xf32>
    %get3A_1592 = arith.constant 1 : index
    %get3A_1593 = arith.constant 0 : index
    %get3A_1594 = arith.constant 0 : index
    %get3A_1595 = vector.load %arg26[%get3A_1592, %get3A_1593, %get3A_1594] : memref<4x512x32xf32, #tpu.memory_space<vmem>>, vector<1x512x32xf32>
    %get3A_1596 = vector.shape_cast %get3A_1595 : vector<1x512x32xf32> to vector<512x32xf32>
    %dot_general3A_1597 = arith.constant dense<0.000000e+00> : vector<512x32xf32>
    %dot_general3A_1598 = tpu.matmul %get3A_1591, %get3A_1596, %dot_general3A_1597 {dimension_numbers = #tpu.dot_dimension_numbers<[1], [0], [0], [1], [0, 0, 1, 1], [], []>, transpose_lhs_hint = false} : vector<512x512xf32>, vector<512x32xf32>, vector<512x32xf32> -> vector<512x32xf32>
    %add3A_1599 = arith.addf %dot_general3A_1586, %dot_general3A_1598 : vector<512x32xf32>
    %get3A_1600 = arith.constant 2 : index
    %get3A_1601 = arith.constant 0 : index
    %get3A_1602 = arith.constant 0 : index
    %get3A_1603 = vector.load %arg5[%get3A_1600, %get3A_1601, %get3A_1602] : memref<3x512x512xf32, #tpu.memory_space<vmem>>, vector<1x512x512xf32>
    %get3A_1604 = vector.shape_cast %get3A_1603 : vector<1x512x512xf32> to vector<512x512xf32>
    %get3A_1605 = arith.constant 1 : index
    %get3A_1606 = arith.constant 0 : index
    %get3A_1607 = arith.constant 0 : index
    %get3A_1608 = vector.load %arg26[%get3A_1605, %get3A_1606, %get3A_1607] : memref<4x512x32xf32, #tpu.memory_space<vmem>>, vector<1x512x32xf32>
    %get3A_1609 = vector.shape_cast %get3A_1608 : vector<1x512x32xf32> to vector<512x32xf32>
    %dot_general3A_1610 = arith.constant dense<0.000000e+00> : vector<512x32xf32>
    %dot_general3A_1611 = tpu.matmul %get3A_1604, %get3A_1609, %dot_general3A_1610 {dimension_numbers = #tpu.dot_dimension_numbers<[1], [0], [0], [1], [0, 0, 1, 1], [], []>, transpose_lhs_hint = false} : vector<512x512xf32>, vector<512x32xf32>, vector<512x32xf32> -> vector<512x32xf32>
    %dot_general3A_1612 = arith.constant dense<0.000000e+00> : vector<512x32xf32>
    %dot_general3A_1613 = tpu.matmul %dot_general3A_1611, %convert_element_type3A_1183, %dot_general3A_1612 {dimension_numbers = #tpu.dot_dimension_numbers<[1], [0], [0], [1], [0, 0, 1, 1], [], []>, transpose_lhs_hint = false} : vector<512x32xf32>, vector<32x32xf32>, vector<512x32xf32> -> vector<512x32xf32>
    %add3A_1614 = arith.addf %add3A_1599, %dot_general3A_1613 : vector<512x32xf32>
    %swap3A_1615 = arith.constant 1 : index
    %swap3A_1616 = arith.constant 0 : index
    %swap3A_1617 = arith.constant 0 : index
    %swap3A_1618 = vector.load %arg25[%swap3A_1615, %swap3A_1616, %swap3A_1617] : memref<4x512x32xf32, #tpu.memory_space<vmem>>, vector<1x512x32xf32>
    %swap3A_1619 = vector.shape_cast %swap3A_1618 : vector<1x512x32xf32> to vector<512x32xf32>
    %swap3A_1620 = vector.shape_cast %add3A_1614 : vector<512x32xf32> to vector<1x512x32xf32>
    tpu.vector_store %arg25[%swap3A_1615, %swap3A_1616, %swap3A_1617], %swap3A_1620 {strides = array<i32>} : memref<4x512x32xf32, #tpu.memory_space<vmem>>, vector<1x512x32xf32>,
    %get3A_1621 = arith.constant 0 : index
    %get3A_1622 = arith.constant 0 : index
    %get3A_1623 = arith.constant 0 : index
    %get3A_1624 = vector.load %arg5[%get3A_1621, %get3A_1622, %get3A_1623] : memref<3x512x512xf32, #tpu.memory_space<vmem>>, vector<1x512x512xf32>
    %get3A_1625 = vector.shape_cast %get3A_1624 : vector<1x512x512xf32> to vector<512x512xf32>
    %get3A_1626 = arith.constant 2 : index
    %get3A_1627 = arith.constant 0 : index
    %get3A_1628 = arith.constant 0 : index
    %get3A_1629 = vector.load %arg26[%get3A_1626, %get3A_1627, %get3A_1628] : memref<4x512x32xf32, #tpu.memory_space<vmem>>, vector<1x512x32xf32>
    %get3A_1630 = vector.shape_cast %get3A_1629 : vector<1x512x32xf32> to vector<512x32xf32>
    %dot_general3A_1631 = arith.constant dense<0.000000e+00> : vector<512x32xf32>
    %dot_general3A_1632 = tpu.matmul %get3A_1625, %get3A_1630, %dot_general3A_1631 {dimension_numbers = #tpu.dot_dimension_numbers<[1], [0], [0], [1], [0, 0, 1, 1], [], []>, transpose_lhs_hint = false} : vector<512x512xf32>, vector<512x32xf32>, vector<512x32xf32> -> vector<512x32xf32>
    %dot_general3A_1633 = arith.constant dense<0.000000e+00> : vector<512x32xf32>
    %dot_general3A_1634 = tpu.matmul %dot_general3A_1632, %convert_element_type3A_1175, %dot_general3A_1633 {dimension_numbers = #tpu.dot_dimension_numbers<[1], [0], [0], [1], [0, 0, 1, 1], [], []>, transpose_lhs_hint = false} : vector<512x32xf32>, vector<32x32xf32>, vector<512x32xf32> -> vector<512x32xf32>
    %get3A_1635 = arith.constant 1 : index
    %get3A_1636 = arith.constant 0 : index
    %get3A_1637 = arith.constant 0 : index
    %get3A_1638 = vector.load %arg5[%get3A_1635, %get3A_1636, %get3A_1637] : memref<3x512x512xf32, #tpu.memory_space<vmem>>, vector<1x512x512xf32>
    %get3A_1639 = vector.shape_cast %get3A_1638 : vector<1x512x512xf32> to vector<512x512xf32>
    %get3A_1640 = arith.constant 2 : index
    %get3A_1641 = arith.constant 0 : index
    %get3A_1642 = arith.constant 0 : index
    %get3A_1643 = vector.load %arg26[%get3A_1640, %get3A_1641, %get3A_1642] : memref<4x512x32xf32, #tpu.memory_space<vmem>>, vector<1x512x32xf32>
    %get3A_1644 = vector.shape_cast %get3A_1643 : vector<1x512x32xf32> to vector<512x32xf32>
    %dot_general3A_1645 = arith.constant dense<0.000000e+00> : vector<512x32xf32>
    %dot_general3A_1646 = tpu.matmul %get3A_1639, %get3A_1644, %dot_general3A_1645 {dimension_numbers = #tpu.dot_dimension_numbers<[1], [0], [0], [1], [0, 0, 1, 1], [], []>, transpose_lhs_hint = false} : vector<512x512xf32>, vector<512x32xf32>, vector<512x32xf32> -> vector<512x32xf32>
    %add3A_1647 = arith.addf %dot_general3A_1634, %dot_general3A_1646 : vector<512x32xf32>
    %get3A_1648 = arith.constant 2 : index
    %get3A_1649 = arith.constant 0 : index
    %get3A_1650 = arith.constant 0 : index
    %get3A_1651 = vector.load %arg5[%get3A_1648, %get3A_1649, %get3A_1650] : memref<3x512x512xf32, #tpu.memory_space<vmem>>, vector<1x512x512xf32>
    %get3A_1652 = vector.shape_cast %get3A_1651 : vector<1x512x512xf32> to vector<512x512xf32>
    %get3A_1653 = arith.constant 2 : index
    %get3A_1654 = arith.constant 0 : index
    %get3A_1655 = arith.constant 0 : index
    %get3A_1656 = vector.load %arg26[%get3A_1653, %get3A_1654, %get3A_1655] : memref<4x512x32xf32, #tpu.memory_space<vmem>>, vector<1x512x32xf32>
    %get3A_1657 = vector.shape_cast %get3A_1656 : vector<1x512x32xf32> to vector<512x32xf32>
    %dot_general3A_1658 = arith.constant dense<0.000000e+00> : vector<512x32xf32>
    %dot_general3A_1659 = tpu.matmul %get3A_1652, %get3A_1657, %dot_general3A_1658 {dimension_numbers = #tpu.dot_dimension_numbers<[1], [0], [0], [1], [0, 0, 1, 1], [], []>, transpose_lhs_hint = false} : vector<512x512xf32>, vector<512x32xf32>, vector<512x32xf32> -> vector<512x32xf32>
    %dot_general3A_1660 = arith.constant dense<0.000000e+00> : vector<512x32xf32>
    %dot_general3A_1661 = tpu.matmul %dot_general3A_1659, %convert_element_type3A_1183, %dot_general3A_1660 {dimension_numbers = #tpu.dot_dimension_numbers<[1], [0], [0], [1], [0, 0, 1, 1], [], []>, transpose_lhs_hint = false} : vector<512x32xf32>, vector<32x32xf32>, vector<512x32xf32> -> vector<512x32xf32>
    %add3A_1662 = arith.addf %add3A_1647, %dot_general3A_1661 : vector<512x32xf32>
    %swap3A_1663 = arith.constant 2 : index
    %swap3A_1664 = arith.constant 0 : index
    %swap3A_1665 = arith.constant 0 : index
    %swap3A_1666 = vector.load %arg25[%swap3A_1663, %swap3A_1664, %swap3A_1665] : memref<4x512x32xf32, #tpu.memory_space<vmem>>, vector<1x512x32xf32>
    %swap3A_1667 = vector.shape_cast %swap3A_1666 : vector<1x512x32xf32> to vector<512x32xf32>
    %swap3A_1668 = vector.shape_cast %add3A_1662 : vector<512x32xf32> to vector<1x512x32xf32>
    tpu.vector_store %arg25[%swap3A_1663, %swap3A_1664, %swap3A_1665], %swap3A_1668 {strides = array<i32>} : memref<4x512x32xf32, #tpu.memory_space<vmem>>, vector<1x512x32xf32>,
    %get3A_1669 = arith.constant 0 : index
    %get3A_1670 = arith.constant 0 : index
    %get3A_1671 = arith.constant 0 : index
    %get3A_1672 = vector.load %arg5[%get3A_1669, %get3A_1670, %get3A_1671] : memref<3x512x512xf32, #tpu.memory_space<vmem>>, vector<1x512x512xf32>
    %get3A_1673 = vector.shape_cast %get3A_1672 : vector<1x512x512xf32> to vector<512x512xf32>
    %get3A_1674 = arith.constant 3 : index
    %get3A_1675 = arith.constant 0 : index
    %get3A_1676 = arith.constant 0 : index
    %get3A_1677 = vector.load %arg26[%get3A_1674, %get3A_1675, %get3A_1676] : memref<4x512x32xf32, #tpu.memory_space<vmem>>, vector<1x512x32xf32>
    %get3A_1678 = vector.shape_cast %get3A_1677 : vector<1x512x32xf32> to vector<512x32xf32>
    %dot_general3A_1679 = arith.constant dense<0.000000e+00> : vector<512x32xf32>
    %dot_general3A_1680 = tpu.matmul %get3A_1673, %get3A_1678, %dot_general3A_1679 {dimension_numbers = #tpu.dot_dimension_numbers<[1], [0], [0], [1], [0, 0, 1, 1], [], []>, transpose_lhs_hint = false} : vector<512x512xf32>, vector<512x32xf32>, vector<512x32xf32> -> vector<512x32xf32>
    %dot_general3A_1681 = arith.constant dense<0.000000e+00> : vector<512x32xf32>
    %dot_general3A_1682 = tpu.matmul %dot_general3A_1680, %convert_element_type3A_1175, %dot_general3A_1681 {dimension_numbers = #tpu.dot_dimension_numbers<[1], [0], [0], [1], [0, 0, 1, 1], [], []>, transpose_lhs_hint = false} : vector<512x32xf32>, vector<32x32xf32>, vector<512x32xf32> -> vector<512x32xf32>
    %get3A_1683 = arith.constant 1 : index
    %get3A_1684 = arith.constant 0 : index
    %get3A_1685 = arith.constant 0 : index
    %get3A_1686 = vector.load %arg5[%get3A_1683, %get3A_1684, %get3A_1685] : memref<3x512x512xf32, #tpu.memory_space<vmem>>, vector<1x512x512xf32>
    %get3A_1687 = vector.shape_cast %get3A_1686 : vector<1x512x512xf32> to vector<512x512xf32>
    %get3A_1688 = arith.constant 3 : index
    %get3A_1689 = arith.constant 0 : index
    %get3A_1690 = arith.constant 0 : index
    %get3A_1691 = vector.load %arg26[%get3A_1688, %get3A_1689, %get3A_1690] : memref<4x512x32xf32, #tpu.memory_space<vmem>>, vector<1x512x32xf32>
    %get3A_1692 = vector.shape_cast %get3A_1691 : vector<1x512x32xf32> to vector<512x32xf32>
    %dot_general3A_1693 = arith.constant dense<0.000000e+00> : vector<512x32xf32>
    %dot_general3A_1694 = tpu.matmul %get3A_1687, %get3A_1692, %dot_general3A_1693 {dimension_numbers = #tpu.dot_dimension_numbers<[1], [0], [0], [1], [0, 0, 1, 1], [], []>, transpose_lhs_hint = false} : vector<512x512xf32>, vector<512x32xf32>, vector<512x32xf32> -> vector<512x32xf32>
    %add3A_1695 = arith.addf %dot_general3A_1682, %dot_general3A_1694 : vector<512x32xf32>
    %get3A_1696 = arith.constant 2 : index
    %get3A_1697 = arith.constant 0 : index
    %get3A_1698 = arith.constant 0 : index
    %get3A_1699 = vector.load %arg5[%get3A_1696, %get3A_1697, %get3A_1698] : memref<3x512x512xf32, #tpu.memory_space<vmem>>, vector<1x512x512xf32>
    %get3A_1700 = vector.shape_cast %get3A_1699 : vector<1x512x512xf32> to vector<512x512xf32>
    %get3A_1701 = arith.constant 3 : index
    %get3A_1702 = arith.constant 0 : index
    %get3A_1703 = arith.constant 0 : index
    %get3A_1704 = vector.load %arg26[%get3A_1701, %get3A_1702, %get3A_1703] : memref<4x512x32xf32, #tpu.memory_space<vmem>>, vector<1x512x32xf32>
    %get3A_1705 = vector.shape_cast %get3A_1704 : vector<1x512x32xf32> to vector<512x32xf32>
    %dot_general3A_1706 = arith.constant dense<0.000000e+00> : vector<512x32xf32>
    %dot_general3A_1707 = tpu.matmul %get3A_1700, %get3A_1705, %dot_general3A_1706 {dimension_numbers = #tpu.dot_dimension_numbers<[1], [0], [0], [1], [0, 0, 1, 1], [], []>, transpose_lhs_hint = false} : vector<512x512xf32>, vector<512x32xf32>, vector<512x32xf32> -> vector<512x32xf32>
    %dot_general3A_1708 = arith.constant dense<0.000000e+00> : vector<512x32xf32>
    %dot_general3A_1709 = tpu.matmul %dot_general3A_1707, %convert_element_type3A_1183, %dot_general3A_1708 {dimension_numbers = #tpu.dot_dimension_numbers<[1], [0], [0], [1], [0, 0, 1, 1], [], []>, transpose_lhs_hint = false} : vector<512x32xf32>, vector<32x32xf32>, vector<512x32xf32> -> vector<512x32xf32>
    %add3A_1710 = arith.addf %add3A_1695, %dot_general3A_1709 : vector<512x32xf32>
    %swap3A_1711 = arith.constant 3 : index
    %swap3A_1712 = arith.constant 0 : index
    %swap3A_1713 = arith.constant 0 : index
    %swap3A_1714 = vector.load %arg25[%swap3A_1711, %swap3A_1712, %swap3A_1713] : memref<4x512x32xf32, #tpu.memory_space<vmem>>, vector<1x512x32xf32>
    %swap3A_1715 = vector.shape_cast %swap3A_1714 : vector<1x512x32xf32> to vector<512x32xf32>
    %swap3A_1716 = vector.shape_cast %add3A_1710 : vector<512x32xf32> to vector<1x512x32xf32>
    tpu.vector_store %arg25[%swap3A_1711, %swap3A_1712, %swap3A_1713], %swap3A_1716 {strides = array<i32>} : memref<4x512x32xf32, #tpu.memory_space<vmem>>, vector<1x512x32xf32>,
    %get3A_1717 = arith.constant 0 : index
    %get3A_1718 = arith.constant 0 : index
    %get3A_1719 = arith.constant 0 : index
    %get3A_1720 = vector.load %arg25[%get3A_1717, %get3A_1718, %get3A_1719] : memref<4x512x32xf32, #tpu.memory_space<vmem>>, vector<1x512x32xf32>
    %get3A_1721 = vector.shape_cast %get3A_1720 : vector<1x512x32xf32> to vector<512x32xf32>
    %get3A_1722 = arith.constant 1 : index
    %get3A_1723 = arith.constant 0 : index
    %get3A_1724 = arith.constant 0 : index
    %get3A_1725 = vector.load %arg25[%get3A_1722, %get3A_1723, %get3A_1724] : memref<4x512x32xf32, #tpu.memory_space<vmem>>, vector<1x512x32xf32>
    %get3A_1726 = vector.shape_cast %get3A_1725 : vector<1x512x32xf32> to vector<512x32xf32>
    %add3A_1727 = arith.addf %get3A_1721, %get3A_1726 : vector<512x32xf32>
    %get3A_1728 = arith.constant 2 : index
    %get3A_1729 = arith.constant 0 : index
    %get3A_1730 = arith.constant 0 : index
    %get3A_1731 = vector.load %arg25[%get3A_1728, %get3A_1729, %get3A_1730] : memref<4x512x32xf32, #tpu.memory_space<vmem>>, vector<1x512x32xf32>
    %get3A_1732 = vector.shape_cast %get3A_1731 : vector<1x512x32xf32> to vector<512x32xf32>
    %add3A_1733 = arith.addf %add3A_1727, %get3A_1732 : vector<512x32xf32>
    %get3A_1734 = arith.constant 3 : index
    %get3A_1735 = arith.constant 0 : index
    %get3A_1736 = arith.constant 0 : index
    %get3A_1737 = vector.load %arg25[%get3A_1734, %get3A_1735, %get3A_1736] : memref<4x512x32xf32, #tpu.memory_space<vmem>>, vector<1x512x32xf32>
    %get3A_1738 = vector.shape_cast %get3A_1737 : vector<1x512x32xf32> to vector<512x32xf32>
    %add3A_1739 = arith.addf %add3A_1733, %get3A_1738 : vector<512x32xf32>
    %reduce_sum3A_1740 = arith.constant dense<0.000000e+00> : vector<512xf32>
    %reduce_sum3A_1741 = vector.multi_reduction <add>, %add3A_1739, %reduce_sum3A_1740 [1] : vector<512x32xf32> to vector<512xf32>
    %broadcast_in_dim3A_1742 = vector.shape_cast %reduce_sum3A_1741 : vector<512xf32> to vector<512x1xf32>
    %div3A_1743 = arith.constant 1.280000e+02 : f32
    %div3A_1744 = vector.broadcast %div3A_1743 : f32 to vector<512x1xf32>
    %div3A_1745 = arith.divf %broadcast_in_dim3A_1742, %div3A_1744 : vector<512x1xf32>
    %get3A_1746 = arith.constant 0 : index
    %get3A_1747 = arith.constant 0 : index
    %get3A_1748 = arith.constant 0 : index
    %get3A_1749 = vector.load %arg25[%get3A_1746, %get3A_1747, %get3A_1748] : memref<4x512x32xf32, #tpu.memory_space<vmem>>, vector<1x512x32xf32>
    %get3A_1750 = vector.shape_cast %get3A_1749 : vector<1x512x32xf32> to vector<512x32xf32>
    %integer_pow3A_1751 = arith.mulf %get3A_1750, %get3A_1750 : vector<512x32xf32>
    %get3A_1752 = arith.constant 1 : index
    %get3A_1753 = arith.constant 0 : index
    %get3A_1754 = arith.constant 0 : index
    %get3A_1755 = vector.load %arg25[%get3A_1752, %get3A_1753, %get3A_1754] : memref<4x512x32xf32, #tpu.memory_space<vmem>>, vector<1x512x32xf32>
    %get3A_1756 = vector.shape_cast %get3A_1755 : vector<1x512x32xf32> to vector<512x32xf32>
    %integer_pow3A_1757 = arith.mulf %get3A_1756, %get3A_1756 : vector<512x32xf32>
    %add3A_1758 = arith.addf %integer_pow3A_1751, %integer_pow3A_1757 : vector<512x32xf32>
    %get3A_1759 = arith.constant 2 : index
    %get3A_1760 = arith.constant 0 : index
    %get3A_1761 = arith.constant 0 : index
    %get3A_1762 = vector.load %arg25[%get3A_1759, %get3A_1760, %get3A_1761] : memref<4x512x32xf32, #tpu.memory_space<vmem>>, vector<1x512x32xf32>
    %get3A_1763 = vector.shape_cast %get3A_1762 : vector<1x512x32xf32> to vector<512x32xf32>
    %integer_pow3A_1764 = arith.mulf %get3A_1763, %get3A_1763 : vector<512x32xf32>
    %add3A_1765 = arith.addf %add3A_1758, %integer_pow3A_1764 : vector<512x32xf32>
    %get3A_1766 = arith.constant 3 : index
    %get3A_1767 = arith.constant 0 : index
    %get3A_1768 = arith.constant 0 : index
    %get3A_1769 = vector.load %arg25[%get3A_1766, %get3A_1767, %get3A_1768] : memref<4x512x32xf32, #tpu.memory_space<vmem>>, vector<1x512x32xf32>
    %get3A_1770 = vector.shape_cast %get3A_1769 : vector<1x512x32xf32> to vector<512x32xf32>
    %integer_pow3A_1771 = arith.mulf %get3A_1770, %get3A_1770 : vector<512x32xf32>
    %add3A_1772 = arith.addf %add3A_1765, %integer_pow3A_1771 : vector<512x32xf32>
    %reduce_sum3A_1773 = arith.constant dense<0.000000e+00> : vector<512xf32>
    %reduce_sum3A_1774 = vector.multi_reduction <add>, %add3A_1772, %reduce_sum3A_1773 [1] : vector<512x32xf32> to vector<512xf32>
    %broadcast_in_dim3A_1775 = vector.shape_cast %reduce_sum3A_1774 : vector<512xf32> to vector<512x1xf32>
    %div3A_1776 = arith.constant 1.280000e+02 : f32
    %div3A_1777 = vector.broadcast %div3A_1776 : f32 to vector<512x1xf32>
    %div3A_1778 = arith.divf %broadcast_in_dim3A_1775, %div3A_1777 : vector<512x1xf32>
    %integer_pow3A_1779 = arith.mulf %div3A_1745, %div3A_1745 : vector<512x1xf32>
    %sub3A_1780 = arith.subf %div3A_1778, %integer_pow3A_1779 : vector<512x1xf32>
    %get3A_1781 = arith.constant 0 : index
    %get3A_1782 = arith.constant 0 : index
    %get3A_1783 = vector.load %arg16[%get3A_1781, %get3A_1782] : memref<512x1xf32, #tpu.memory_space<vmem>>, vector<512x1xf32>
    %add3A_1784 = arith.constant 9.99999974E-6 : f32
    %add3A_1785 = vector.broadcast %add3A_1784 : f32 to vector<512x1xf32>
    %add3A_1786 = arith.addf %sub3A_1780, %add3A_1785 : vector<512x1xf32>
    %sqrt3A_1787 = math.sqrt %add3A_1786 : vector<512x1xf32>
    %div3A_1788 = arith.divf %get3A_1783, %sqrt3A_1787 : vector<512x1xf32>
    %get3A_1789 = arith.constant 0 : index
    %get3A_1790 = arith.constant 0 : index
    %get3A_1791 = vector.load %arg17[%get3A_1789, %get3A_1790] : memref<512x1xf32, #tpu.memory_space<vmem>>, vector<512x1xf32>
    %mul3A_1792 = arith.mulf %div3A_1788, %div3A_1745 : vector<512x1xf32>
    %sub3A_1793 = arith.subf %get3A_1791, %mul3A_1792 : vector<512x1xf32>
    %get3A_1794 = arith.constant 0 : index
    %get3A_1795 = arith.constant 0 : index
    %get3A_1796 = arith.constant 0 : index
    %get3A_1797 = vector.load %arg25[%get3A_1794, %get3A_1795, %get3A_1796] : memref<4x512x32xf32, #tpu.memory_space<vmem>>, vector<1x512x32xf32>
    %get3A_1798 = vector.shape_cast %get3A_1797 : vector<1x512x32xf32> to vector<512x32xf32>
    %mul3A_1799 = vector.broadcast %div3A_1788 : vector<512x1xf32> to vector<512x32xf32>
    %mul3A_1800 = arith.mulf %get3A_1798, %mul3A_1799 : vector<512x32xf32>
    %add3A_1801 = vector.broadcast %sub3A_1793 : vector<512x1xf32> to vector<512x32xf32>
    %add3A_1802 = arith.addf %mul3A_1800, %add3A_1801 : vector<512x32xf32>
    %max3A_1803 = arith.constant 0.000000e+00 : f32
    %max3A_1804 = vector.broadcast %max3A_1803 : f32 to vector<512x32xf32>
    %max3A_1805 = arith.maximumf %add3A_1802, %max3A_1804 : vector<512x32xf32>
    %swap3A_1806 = arith.constant 0 : index
    %swap3A_1807 = arith.constant 0 : index
    %swap3A_1808 = arith.constant 0 : index
    %swap3A_1809 = vector.load %arg25[%swap3A_1806, %swap3A_1807, %swap3A_1808] : memref<4x512x32xf32, #tpu.memory_space<vmem>>, vector<1x512x32xf32>
    %swap3A_1810 = vector.shape_cast %swap3A_1809 : vector<1x512x32xf32> to vector<512x32xf32>
    %swap3A_1811 = vector.shape_cast %max3A_1805 : vector<512x32xf32> to vector<1x512x32xf32>
    tpu.vector_store %arg25[%swap3A_1806, %swap3A_1807, %swap3A_1808], %swap3A_1811 {strides = array<i32>} : memref<4x512x32xf32, #tpu.memory_space<vmem>>, vector<1x512x32xf32>,
    %get3A_1812 = arith.constant 1 : index
    %get3A_1813 = arith.constant 0 : index
    %get3A_1814 = arith.constant 0 : index
    %get3A_1815 = vector.load %arg25[%get3A_1812, %get3A_1813, %get3A_1814] : memref<4x512x32xf32, #tpu.memory_space<vmem>>, vector<1x512x32xf32>
    %get3A_1816 = vector.shape_cast %get3A_1815 : vector<1x512x32xf32> to vector<512x32xf32>
    %mul3A_1817 = vector.broadcast %div3A_1788 : vector<512x1xf32> to vector<512x32xf32>
    %mul3A_1818 = arith.mulf %get3A_1816, %mul3A_1817 : vector<512x32xf32>
    %add3A_1819 = vector.broadcast %sub3A_1793 : vector<512x1xf32> to vector<512x32xf32>
    %add3A_1820 = arith.addf %mul3A_1818, %add3A_1819 : vector<512x32xf32>
    %max3A_1821 = arith.constant 0.000000e+00 : f32
    %max3A_1822 = vector.broadcast %max3A_1821 : f32 to vector<512x32xf32>
    %max3A_1823 = arith.maximumf %add3A_1820, %max3A_1822 : vector<512x32xf32>
    %swap3A_1824 = arith.constant 1 : index
    %swap3A_1825 = arith.constant 0 : index
    %swap3A_1826 = arith.constant 0 : index
    %swap3A_1827 = vector.load %arg25[%swap3A_1824, %swap3A_1825, %swap3A_1826] : memref<4x512x32xf32, #tpu.memory_space<vmem>>, vector<1x512x32xf32>
    %swap3A_1828 = vector.shape_cast %swap3A_1827 : vector<1x512x32xf32> to vector<512x32xf32>
    %swap3A_1829 = vector.shape_cast %max3A_1823 : vector<512x32xf32> to vector<1x512x32xf32>
    tpu.vector_store %arg25[%swap3A_1824, %swap3A_1825, %swap3A_1826], %swap3A_1829 {strides = array<i32>} : memref<4x512x32xf32, #tpu.memory_space<vmem>>, vector<1x512x32xf32>,
    %get3A_1830 = arith.constant 2 : index
    %get3A_1831 = arith.constant 0 : index
    %get3A_1832 = arith.constant 0 : index
    %get3A_1833 = vector.load %arg25[%get3A_1830, %get3A_1831, %get3A_1832] : memref<4x512x32xf32, #tpu.memory_space<vmem>>, vector<1x512x32xf32>
    %get3A_1834 = vector.shape_cast %get3A_1833 : vector<1x512x32xf32> to vector<512x32xf32>
    %mul3A_1835 = vector.broadcast %div3A_1788 : vector<512x1xf32> to vector<512x32xf32>
    %mul3A_1836 = arith.mulf %get3A_1834, %mul3A_1835 : vector<512x32xf32>
    %add3A_1837 = vector.broadcast %sub3A_1793 : vector<512x1xf32> to vector<512x32xf32>
    %add3A_1838 = arith.addf %mul3A_1836, %add3A_1837 : vector<512x32xf32>
    %max3A_1839 = arith.constant 0.000000e+00 : f32
    %max3A_1840 = vector.broadcast %max3A_1839 : f32 to vector<512x32xf32>
    %max3A_1841 = arith.maximumf %add3A_1838, %max3A_1840 : vector<512x32xf32>
    %swap3A_1842 = arith.constant 2 : index
    %swap3A_1843 = arith.constant 0 : index
    %swap3A_1844 = arith.constant 0 : index
    %swap3A_1845 = vector.load %arg25[%swap3A_1842, %swap3A_1843, %swap3A_1844] : memref<4x512x32xf32, #tpu.memory_space<vmem>>, vector<1x512x32xf32>
    %swap3A_1846 = vector.shape_cast %swap3A_1845 : vector<1x512x32xf32> to vector<512x32xf32>
    %swap3A_1847 = vector.shape_cast %max3A_1841 : vector<512x32xf32> to vector<1x512x32xf32>
    tpu.vector_store %arg25[%swap3A_1842, %swap3A_1843, %swap3A_1844], %swap3A_1847 {strides = array<i32>} : memref<4x512x32xf32, #tpu.memory_space<vmem>>, vector<1x512x32xf32>,
    %get3A_1848 = arith.constant 3 : index
    %get3A_1849 = arith.constant 0 : index
    %get3A_1850 = arith.constant 0 : index
    %get3A_1851 = vector.load %arg25[%get3A_1848, %get3A_1849, %get3A_1850] : memref<4x512x32xf32, #tpu.memory_space<vmem>>, vector<1x512x32xf32>
    %get3A_1852 = vector.shape_cast %get3A_1851 : vector<1x512x32xf32> to vector<512x32xf32>
    %mul3A_1853 = vector.broadcast %div3A_1788 : vector<512x1xf32> to vector<512x32xf32>
    %mul3A_1854 = arith.mulf %get3A_1852, %mul3A_1853 : vector<512x32xf32>
    %add3A_1855 = vector.broadcast %sub3A_1793 : vector<512x1xf32> to vector<512x32xf32>
    %add3A_1856 = arith.addf %mul3A_1854, %add3A_1855 : vector<512x32xf32>
    %max3A_1857 = arith.constant 0.000000e+00 : f32
    %max3A_1858 = vector.broadcast %max3A_1857 : f32 to vector<512x32xf32>
    %max3A_1859 = arith.maximumf %add3A_1856, %max3A_1858 : vector<512x32xf32>
    %swap3A_1860 = arith.constant 3 : index
    %swap3A_1861 = arith.constant 0 : index
    %swap3A_1862 = arith.constant 0 : index
    %swap3A_1863 = vector.load %arg25[%swap3A_1860, %swap3A_1861, %swap3A_1862] : memref<4x512x32xf32, #tpu.memory_space<vmem>>, vector<1x512x32xf32>
    %swap3A_1864 = vector.shape_cast %swap3A_1863 : vector<1x512x32xf32> to vector<512x32xf32>
    %swap3A_1865 = vector.shape_cast %max3A_1859 : vector<512x32xf32> to vector<1x512x32xf32>
    tpu.vector_store %arg25[%swap3A_1860, %swap3A_1861, %swap3A_1862], %swap3A_1865 {strides = array<i32>} : memref<4x512x32xf32, #tpu.memory_space<vmem>>, vector<1x512x32xf32>,
    %get3A_1866 = arith.constant 0 : index
    %get3A_1867 = arith.constant 0 : index
    %get3A_1868 = vector.load %arg18[%get3A_1866, %get3A_1867] : memref<512x64xf32, #tpu.memory_space<vmem>>, vector<512x64xf32>
    %integer_pow3A_1869 = arith.mulf %get3A_1868, %get3A_1868 : vector<512x64xf32>
    %reduce_sum3A_1870 = arith.constant dense<0.000000e+00> : vector<512xf32>
    %reduce_sum3A_1871 = vector.multi_reduction <add>, %integer_pow3A_1869, %reduce_sum3A_1870 [1] : vector<512x64xf32> to vector<512xf32>
    %broadcast_in_dim3A_1872 = vector.shape_cast %reduce_sum3A_1871 : vector<512xf32> to vector<512x1xf32>
    %iota3A_1873 = tpu.iota {dimensions = array<i32: 0>} : vector<512x32xi32>
    %broadcast_in_dim3A_1874 = arith.constant 1048576 : i32
    %broadcast_in_dim3A_1875 = vector.broadcast %broadcast_in_dim3A_1874 : i32 to vector<512x32xi32>
    %broadcast_in_dim3A_1876 = arith.constant 0.000000e+00 : f32
    %broadcast_in_dim3A_1877 = vector.broadcast %broadcast_in_dim3A_1876 : f32 to vector<512x1xf32>
    %get3A_1878 = arith.constant 0 : index
    %get3A_1879 = arith.constant 0 : index
    %get3A_1880 = vector.load %arg6[%get3A_1878, %get3A_1879] : memref<64x512xf32, #tpu.memory_space<vmem>>, vector<64x512xf32>
    %get3A_1881 = arith.constant 0 : index
    %get3A_1882 = arith.constant 0 : index
    %get3A_1883 = arith.constant 0 : index
    %get3A_1884 = vector.load %arg25[%get3A_1881, %get3A_1882, %get3A_1883] : memref<4x512x32xf32, #tpu.memory_space<vmem>>, vector<1x512x32xf32>
    %get3A_1885 = vector.shape_cast %get3A_1884 : vector<1x512x32xf32> to vector<512x32xf32>
    %dot_general3A_1886 = arith.constant dense<0.000000e+00> : vector<64x32xf32>
    %dot_general3A_1887 = tpu.matmul %get3A_1880, %get3A_1885, %dot_general3A_1886 {dimension_numbers = #tpu.dot_dimension_numbers<[1], [0], [0], [1], [0, 0, 1, 1], [], []>, transpose_lhs_hint = false} : vector<64x512xf32>, vector<512x32xf32>, vector<64x32xf32> -> vector<64x32xf32>
    %get3A_1888 = arith.constant 0 : index
    %get3A_1889 = arith.constant 0 : index
    %get3A_1890 = vector.load %arg7[%get3A_1888, %get3A_1889] : memref<64x1xf32, #tpu.memory_space<vmem>>, vector<64x1xf32>
    %add3A_1891 = vector.broadcast %get3A_1890 : vector<64x1xf32> to vector<64x32xf32>
    %add3A_1892 = arith.addf %dot_general3A_1887, %add3A_1891 : vector<64x32xf32>
    %get3A_1893 = arith.constant 0 : index
    %get3A_1894 = arith.constant 0 : index
    %get3A_1895 = vector.load %arg18[%get3A_1893, %get3A_1894] : memref<512x64xf32, #tpu.memory_space<vmem>>, vector<512x64xf32>
    %dot_general3A_1896 = arith.constant dense<0.000000e+00> : vector<512x32xf32>
    %dot_general3A_1897 = tpu.matmul %get3A_1895, %add3A_1892, %dot_general3A_1896 {dimension_numbers = #tpu.dot_dimension_numbers<[1], [0], [0], [1], [0, 0, 1, 1], [], []>, transpose_lhs_hint = false} : vector<512x64xf32>, vector<64x32xf32>, vector<512x32xf32> -> vector<512x32xf32>
    %integer_pow3A_1898 = arith.mulf %add3A_1892, %add3A_1892 : vector<64x32xf32>
    %reduce_sum3A_1899 = arith.constant dense<0.000000e+00> : vector<32xf32>
    %reduce_sum3A_1900 = vector.multi_reduction <add>, %integer_pow3A_1898, %reduce_sum3A_1899 [0] : vector<64x32xf32> to vector<32xf32>
    %broadcast_in_dim3A_1901 = vector.shape_cast %reduce_sum3A_1900 : vector<32xf32> to vector<1x32xf32>
    %add3A_1902 = vector.broadcast %broadcast_in_dim3A_1872 : vector<512x1xf32> to vector<512x32xf32>
    %add3A_1903 = vector.broadcast %broadcast_in_dim3A_1901 : vector<1x32xf32> to vector<512x32xf32>
    %add3A_1904 = arith.addf %add3A_1902, %add3A_1903 : vector<512x32xf32>
    %mul3A_1905 = arith.constant 2.000000e+00 : f32
    %mul3A_1906 = vector.broadcast %mul3A_1905 : f32 to vector<512x32xf32>
    %mul3A_1907 = arith.mulf %mul3A_1906, %dot_general3A_1897 : vector<512x32xf32>
    %sub3A_1908 = arith.subf %add3A_1904, %mul3A_1907 : vector<512x32xf32>
    %reduce_min3A = arith.constant dense<0x7F800000> : vector<32xf32>
    %reduce_min3A_1909 = vector.multi_reduction <minimumf>, %sub3A_1908, %reduce_min3A [0] : vector<512x32xf32> to vector<32xf32>
    %broadcast_in_dim3A_1910 = vector.shape_cast %reduce_min3A_1909 : vector<32xf32> to vector<1x32xf32>
    %eq3A_1911 = vector.broadcast %broadcast_in_dim3A_1910 : vector<1x32xf32> to vector<512x32xf32>
    %eq3A_1912 = arith.cmpf oeq, %sub3A_1908, %eq3A_1911 : vector<512x32xf32>
    %select_n3A = arith.select %eq3A_1912, %iota3A_1873, %broadcast_in_dim3A_1875 : vector<512x32xi1>, vector<512x32xi32>
    %reduce_min3A_1913 = arith.constant dense<2147483647> : vector<32xi32>
    %reduce_min3A_1914 = vector.multi_reduction <minsi>, %select_n3A, %reduce_min3A_1913 [0] : vector<512x32xi32> to vector<32xi32>
    %broadcast_in_dim3A_1915 = vector.shape_cast %reduce_min3A_1914 : vector<32xi32> to vector<1x32xi32>
    %eq3A_1916 = vector.broadcast %broadcast_in_dim3A_1915 : vector<1x32xi32> to vector<512x32xi32>
    %eq3A_1917 = arith.cmpi eq, %iota3A_1873, %eq3A_1916 : vector<512x32xi32>
    %convert_element_type3A_1918 = arith.extui %eq3A_1917 : vector<512x32xi1> to vector<512x32xi32>
    %convert_element_type3A_1919 = arith.sitofp %convert_element_type3A_1918 : vector<512x32xi32> to vector<512x32xf32>
    %get3A_1920 = arith.constant 0 : index
    %get3A_1921 = arith.constant 0 : index
    %get3A_1922 = vector.load %arg19[%get3A_1920, %get3A_1921] : memref<64x512xf32, #tpu.memory_space<vmem>>, vector<64x512xf32>
    %dot_general3A_1923 = arith.constant dense<0.000000e+00> : vector<64x32xf32>
    %dot_general3A_1924 = tpu.matmul %get3A_1922, %convert_element_type3A_1919, %dot_general3A_1923 {dimension_numbers = #tpu.dot_dimension_numbers<[1], [0], [0], [1], [0, 0, 1, 1], [], []>, transpose_lhs_hint = false} : vector<64x512xf32>, vector<512x32xf32>, vector<64x32xf32> -> vector<64x32xf32>
    %swap3A_1925 = arith.constant 0 : index
    %swap3A_1926 = arith.constant 0 : index
    %swap3A_1927 = arith.constant 0 : index
    %swap3A_1928 = vector.load %arg20[%swap3A_1925, %swap3A_1926, %swap3A_1927] : memref<4x64x32xf32, #tpu.memory_space<vmem>>, vector<1x64x32xf32>
    %swap3A_1929 = vector.shape_cast %swap3A_1928 : vector<1x64x32xf32> to vector<64x32xf32>
    %swap3A_1930 = vector.shape_cast %dot_general3A_1924 : vector<64x32xf32> to vector<1x64x32xf32>
    tpu.vector_store %arg20[%swap3A_1925, %swap3A_1926, %swap3A_1927], %swap3A_1930 {strides = array<i32>} : memref<4x64x32xf32, #tpu.memory_space<vmem>>, vector<1x64x32xf32>,
    %reduce_sum3A_1931 = arith.constant dense<0.000000e+00> : vector<512xf32>
    %reduce_sum3A_1932 = vector.multi_reduction <add>, %convert_element_type3A_1919, %reduce_sum3A_1931 [1] : vector<512x32xf32> to vector<512xf32>
    %broadcast_in_dim3A_1933 = vector.shape_cast %reduce_sum3A_1932 : vector<512xf32> to vector<512x1xf32>
    %add3A_1934 = arith.addf %broadcast_in_dim3A_1877, %broadcast_in_dim3A_1933 : vector<512x1xf32>
    %reduce_sum3A_1935 = vector.shape_cast %broadcast_in_dim3A_1901 : vector<1x32xf32> to vector<1x1x32xf32>
    %reduce_sum3A_1936 = arith.constant dense<0.000000e+00> : vector<1xf32>
    %reduce_sum3A_1937 = vector.multi_reduction <add>, %reduce_sum3A_1935, %reduce_sum3A_1936 [1, 2] : vector<1x1x32xf32> to vector<1xf32>
    %reduce_sum3A_1938 = vector.shape_cast %reduce_sum3A_1937 : vector<1xf32> to vector<1x1x1xf32>
    %reduce_sum3A_1939 = vector.extract %reduce_sum3A_1938[0, 0, 0] : f32 from vector<1x1x1xf32>
    %add3A_1940 = arith.constant 0.000000e+00 : f32
    %add3A_1941 = arith.addf %add3A_1940, %reduce_sum3A_1939 : f32
    %mul3A_1942 = arith.mulf %convert_element_type3A_1919, %dot_general3A_1897 : vector<512x32xf32>
    %reduce_sum3A_1943 = vector.shape_cast %mul3A_1942 : vector<512x32xf32> to vector<1x512x32xf32>
    %reduce_sum3A_1944 = arith.constant dense<0.000000e+00> : vector<1xf32>
    %reduce_sum3A_1945 = vector.multi_reduction <add>, %reduce_sum3A_1943, %reduce_sum3A_1944 [1, 2] : vector<1x512x32xf32> to vector<1xf32>
    %reduce_sum3A_1946 = vector.shape_cast %reduce_sum3A_1945 : vector<1xf32> to vector<1x1x1xf32>
    %reduce_sum3A_1947 = vector.extract %reduce_sum3A_1946[0, 0, 0] : f32 from vector<1x1x1xf32>
    %add3A_1948 = arith.constant 0.000000e+00 : f32
    %add3A_1949 = arith.addf %add3A_1948, %reduce_sum3A_1947 : f32
    %mul3A_1950 = vector.broadcast %broadcast_in_dim3A_1872 : vector<512x1xf32> to vector<512x32xf32>
    %mul3A_1951 = arith.mulf %convert_element_type3A_1919, %mul3A_1950 : vector<512x32xf32>
    %reduce_sum3A_1952 = vector.shape_cast %mul3A_1951 : vector<512x32xf32> to vector<1x512x32xf32>
    %reduce_sum3A_1953 = arith.constant dense<0.000000e+00> : vector<1xf32>
    %reduce_sum3A_1954 = vector.multi_reduction <add>, %reduce_sum3A_1952, %reduce_sum3A_1953 [1, 2] : vector<1x512x32xf32> to vector<1xf32>
    %reduce_sum3A_1955 = vector.shape_cast %reduce_sum3A_1954 : vector<1xf32> to vector<1x1x1xf32>
    %reduce_sum3A_1956 = vector.extract %reduce_sum3A_1955[0, 0, 0] : f32 from vector<1x1x1xf32>
    %add3A_1957 = arith.constant 0.000000e+00 : f32
    %add3A_1958 = arith.addf %add3A_1957, %reduce_sum3A_1956 : f32
    %get3A_1959 = arith.constant 0 : index
    %get3A_1960 = arith.constant 0 : index
    %get3A_1961 = vector.load %arg6[%get3A_1959, %get3A_1960] : memref<64x512xf32, #tpu.memory_space<vmem>>, vector<64x512xf32>
    %get3A_1962 = arith.constant 1 : index
    %get3A_1963 = arith.constant 0 : index
    %get3A_1964 = arith.constant 0 : index
    %get3A_1965 = vector.load %arg25[%get3A_1962, %get3A_1963, %get3A_1964] : memref<4x512x32xf32, #tpu.memory_space<vmem>>, vector<1x512x32xf32>
    %get3A_1966 = vector.shape_cast %get3A_1965 : vector<1x512x32xf32> to vector<512x32xf32>
    %dot_general3A_1967 = arith.constant dense<0.000000e+00> : vector<64x32xf32>
    %dot_general3A_1968 = tpu.matmul %get3A_1961, %get3A_1966, %dot_general3A_1967 {dimension_numbers = #tpu.dot_dimension_numbers<[1], [0], [0], [1], [0, 0, 1, 1], [], []>, transpose_lhs_hint = false} : vector<64x512xf32>, vector<512x32xf32>, vector<64x32xf32> -> vector<64x32xf32>
    %get3A_1969 = arith.constant 0 : index
    %get3A_1970 = arith.constant 0 : index
    %get3A_1971 = vector.load %arg7[%get3A_1969, %get3A_1970] : memref<64x1xf32, #tpu.memory_space<vmem>>, vector<64x1xf32>
    %add3A_1972 = vector.broadcast %get3A_1971 : vector<64x1xf32> to vector<64x32xf32>
    %add3A_1973 = arith.addf %dot_general3A_1968, %add3A_1972 : vector<64x32xf32>
    %get3A_1974 = arith.constant 0 : index
    %get3A_1975 = arith.constant 0 : index
    %get3A_1976 = vector.load %arg18[%get3A_1974, %get3A_1975] : memref<512x64xf32, #tpu.memory_space<vmem>>, vector<512x64xf32>
    %dot_general3A_1977 = arith.constant dense<0.000000e+00> : vector<512x32xf32>
    %dot_general3A_1978 = tpu.matmul %get3A_1976, %add3A_1973, %dot_general3A_1977 {dimension_numbers = #tpu.dot_dimension_numbers<[1], [0], [0], [1], [0, 0, 1, 1], [], []>, transpose_lhs_hint = false} : vector<512x64xf32>, vector<64x32xf32>, vector<512x32xf32> -> vector<512x32xf32>
    %integer_pow3A_1979 = arith.mulf %add3A_1973, %add3A_1973 : vector<64x32xf32>
    %reduce_sum3A_1980 = arith.constant dense<0.000000e+00> : vector<32xf32>
    %reduce_sum3A_1981 = vector.multi_reduction <add>, %integer_pow3A_1979, %reduce_sum3A_1980 [0] : vector<64x32xf32> to vector<32xf32>
    %broadcast_in_dim3A_1982 = vector.shape_cast %reduce_sum3A_1981 : vector<32xf32> to vector<1x32xf32>
    %add3A_1983 = vector.broadcast %broadcast_in_dim3A_1872 : vector<512x1xf32> to vector<512x32xf32>
    %add3A_1984 = vector.broadcast %broadcast_in_dim3A_1982 : vector<1x32xf32> to vector<512x32xf32>
    %add3A_1985 = arith.addf %add3A_1983, %add3A_1984 : vector<512x32xf32>
    %mul3A_1986 = arith.constant 2.000000e+00 : f32
    %mul3A_1987 = vector.broadcast %mul3A_1986 : f32 to vector<512x32xf32>
    %mul3A_1988 = arith.mulf %mul3A_1987, %dot_general3A_1978 : vector<512x32xf32>
    %sub3A_1989 = arith.subf %add3A_1985, %mul3A_1988 : vector<512x32xf32>
    %reduce_min3A_1990 = arith.constant dense<0x7F800000> : vector<32xf32>
    %reduce_min3A_1991 = vector.multi_reduction <minimumf>, %sub3A_1989, %reduce_min3A_1990 [0] : vector<512x32xf32> to vector<32xf32>
    %broadcast_in_dim3A_1992 = vector.shape_cast %reduce_min3A_1991 : vector<32xf32> to vector<1x32xf32>
    %eq3A_1993 = vector.broadcast %broadcast_in_dim3A_1992 : vector<1x32xf32> to vector<512x32xf32>
    %eq3A_1994 = arith.cmpf oeq, %sub3A_1989, %eq3A_1993 : vector<512x32xf32>
    %select_n3A_1995 = arith.select %eq3A_1994, %iota3A_1873, %broadcast_in_dim3A_1875 : vector<512x32xi1>, vector<512x32xi32>
    %reduce_min3A_1996 = arith.constant dense<2147483647> : vector<32xi32>
    %reduce_min3A_1997 = vector.multi_reduction <minsi>, %select_n3A_1995, %reduce_min3A_1996 [0] : vector<512x32xi32> to vector<32xi32>
    %broadcast_in_dim3A_1998 = vector.shape_cast %reduce_min3A_1997 : vector<32xi32> to vector<1x32xi32>
    %eq3A_1999 = vector.broadcast %broadcast_in_dim3A_1998 : vector<1x32xi32> to vector<512x32xi32>
    %eq3A_2000 = arith.cmpi eq, %iota3A_1873, %eq3A_1999 : vector<512x32xi32>
    %convert_element_type3A_2001 = arith.extui %eq3A_2000 : vector<512x32xi1> to vector<512x32xi32>
    %convert_element_type3A_2002 = arith.sitofp %convert_element_type3A_2001 : vector<512x32xi32> to vector<512x32xf32>
    %get3A_2003 = arith.constant 0 : index
    %get3A_2004 = arith.constant 0 : index
    %get3A_2005 = vector.load %arg19[%get3A_2003, %get3A_2004] : memref<64x512xf32, #tpu.memory_space<vmem>>, vector<64x512xf32>
    %dot_general3A_2006 = arith.constant dense<0.000000e+00> : vector<64x32xf32>
    %dot_general3A_2007 = tpu.matmul %get3A_2005, %convert_element_type3A_2002, %dot_general3A_2006 {dimension_numbers = #tpu.dot_dimension_numbers<[1], [0], [0], [1], [0, 0, 1, 1], [], []>, transpose_lhs_hint = false} : vector<64x512xf32>, vector<512x32xf32>, vector<64x32xf32> -> vector<64x32xf32>
    %swap3A_2008 = arith.constant 1 : index
    %swap3A_2009 = arith.constant 0 : index
    %swap3A_2010 = arith.constant 0 : index
    %swap3A_2011 = vector.load %arg20[%swap3A_2008, %swap3A_2009, %swap3A_2010] : memref<4x64x32xf32, #tpu.memory_space<vmem>>, vector<1x64x32xf32>
    %swap3A_2012 = vector.shape_cast %swap3A_2011 : vector<1x64x32xf32> to vector<64x32xf32>
    %swap3A_2013 = vector.shape_cast %dot_general3A_2007 : vector<64x32xf32> to vector<1x64x32xf32>
    tpu.vector_store %arg20[%swap3A_2008, %swap3A_2009, %swap3A_2010], %swap3A_2013 {strides = array<i32>} : memref<4x64x32xf32, #tpu.memory_space<vmem>>, vector<1x64x32xf32>,
    %reduce_sum3A_2014 = arith.constant dense<0.000000e+00> : vector<512xf32>
    %reduce_sum3A_2015 = vector.multi_reduction <add>, %convert_element_type3A_2002, %reduce_sum3A_2014 [1] : vector<512x32xf32> to vector<512xf32>
    %broadcast_in_dim3A_2016 = vector.shape_cast %reduce_sum3A_2015 : vector<512xf32> to vector<512x1xf32>
    %add3A_2017 = arith.addf %add3A_1934, %broadcast_in_dim3A_2016 : vector<512x1xf32>
    %reduce_sum3A_2018 = vector.shape_cast %broadcast_in_dim3A_1982 : vector<1x32xf32> to vector<1x1x32xf32>
    %reduce_sum3A_2019 = arith.constant dense<0.000000e+00> : vector<1xf32>
    %reduce_sum3A_2020 = vector.multi_reduction <add>, %reduce_sum3A_2018, %reduce_sum3A_2019 [1, 2] : vector<1x1x32xf32> to vector<1xf32>
    %reduce_sum3A_2021 = vector.shape_cast %reduce_sum3A_2020 : vector<1xf32> to vector<1x1x1xf32>
    %reduce_sum3A_2022 = vector.extract %reduce_sum3A_2021[0, 0, 0] : f32 from vector<1x1x1xf32>
    %add3A_2023 = arith.addf %add3A_1941, %reduce_sum3A_2022 : f32
    %mul3A_2024 = arith.mulf %convert_element_type3A_2002, %dot_general3A_1978 : vector<512x32xf32>
    %reduce_sum3A_2025 = vector.shape_cast %mul3A_2024 : vector<512x32xf32> to vector<1x512x32xf32>
    %reduce_sum3A_2026 = arith.constant dense<0.000000e+00> : vector<1xf32>
    %reduce_sum3A_2027 = vector.multi_reduction <add>, %reduce_sum3A_2025, %reduce_sum3A_2026 [1, 2] : vector<1x512x32xf32> to vector<1xf32>
    %reduce_sum3A_2028 = vector.shape_cast %reduce_sum3A_2027 : vector<1xf32> to vector<1x1x1xf32>
    %reduce_sum3A_2029 = vector.extract %reduce_sum3A_2028[0, 0, 0] : f32 from vector<1x1x1xf32>
    %add3A_2030 = arith.addf %add3A_1949, %reduce_sum3A_2029 : f32
    %mul3A_2031 = vector.broadcast %broadcast_in_dim3A_1872 : vector<512x1xf32> to vector<512x32xf32>
    %mul3A_2032 = arith.mulf %convert_element_type3A_2002, %mul3A_2031 : vector<512x32xf32>
    %reduce_sum3A_2033 = vector.shape_cast %mul3A_2032 : vector<512x32xf32> to vector<1x512x32xf32>
    %reduce_sum3A_2034 = arith.constant dense<0.000000e+00> : vector<1xf32>
    %reduce_sum3A_2035 = vector.multi_reduction <add>, %reduce_sum3A_2033, %reduce_sum3A_2034 [1, 2] : vector<1x512x32xf32> to vector<1xf32>
    %reduce_sum3A_2036 = vector.shape_cast %reduce_sum3A_2035 : vector<1xf32> to vector<1x1x1xf32>
    %reduce_sum3A_2037 = vector.extract %reduce_sum3A_2036[0, 0, 0] : f32 from vector<1x1x1xf32>
    %add3A_2038 = arith.addf %add3A_1958, %reduce_sum3A_2037 : f32
    %get3A_2039 = arith.constant 0 : index
    %get3A_2040 = arith.constant 0 : index
    %get3A_2041 = vector.load %arg6[%get3A_2039, %get3A_2040] : memref<64x512xf32, #tpu.memory_space<vmem>>, vector<64x512xf32>
    %get3A_2042 = arith.constant 2 : index
    %get3A_2043 = arith.constant 0 : index
    %get3A_2044 = arith.constant 0 : index
    %get3A_2045 = vector.load %arg25[%get3A_2042, %get3A_2043, %get3A_2044] : memref<4x512x32xf32, #tpu.memory_space<vmem>>, vector<1x512x32xf32>
    %get3A_2046 = vector.shape_cast %get3A_2045 : vector<1x512x32xf32> to vector<512x32xf32>
    %dot_general3A_2047 = arith.constant dense<0.000000e+00> : vector<64x32xf32>
    %dot_general3A_2048 = tpu.matmul %get3A_2041, %get3A_2046, %dot_general3A_2047 {dimension_numbers = #tpu.dot_dimension_numbers<[1], [0], [0], [1], [0, 0, 1, 1], [], []>, transpose_lhs_hint = false} : vector<64x512xf32>, vector<512x32xf32>, vector<64x32xf32> -> vector<64x32xf32>
    %get3A_2049 = arith.constant 0 : index
    %get3A_2050 = arith.constant 0 : index
    %get3A_2051 = vector.load %arg7[%get3A_2049, %get3A_2050] : memref<64x1xf32, #tpu.memory_space<vmem>>, vector<64x1xf32>
    %add3A_2052 = vector.broadcast %get3A_2051 : vector<64x1xf32> to vector<64x32xf32>
    %add3A_2053 = arith.addf %dot_general3A_2048, %add3A_2052 : vector<64x32xf32>
    %get3A_2054 = arith.constant 0 : index
    %get3A_2055 = arith.constant 0 : index
    %get3A_2056 = vector.load %arg18[%get3A_2054, %get3A_2055] : memref<512x64xf32, #tpu.memory_space<vmem>>, vector<512x64xf32>
    %dot_general3A_2057 = arith.constant dense<0.000000e+00> : vector<512x32xf32>
    %dot_general3A_2058 = tpu.matmul %get3A_2056, %add3A_2053, %dot_general3A_2057 {dimension_numbers = #tpu.dot_dimension_numbers<[1], [0], [0], [1], [0, 0, 1, 1], [], []>, transpose_lhs_hint = false} : vector<512x64xf32>, vector<64x32xf32>, vector<512x32xf32> -> vector<512x32xf32>
    %integer_pow3A_2059 = arith.mulf %add3A_2053, %add3A_2053 : vector<64x32xf32>
    %reduce_sum3A_2060 = arith.constant dense<0.000000e+00> : vector<32xf32>
    %reduce_sum3A_2061 = vector.multi_reduction <add>, %integer_pow3A_2059, %reduce_sum3A_2060 [0] : vector<64x32xf32> to vector<32xf32>
    %broadcast_in_dim3A_2062 = vector.shape_cast %reduce_sum3A_2061 : vector<32xf32> to vector<1x32xf32>
    %add3A_2063 = vector.broadcast %broadcast_in_dim3A_1872 : vector<512x1xf32> to vector<512x32xf32>
    %add3A_2064 = vector.broadcast %broadcast_in_dim3A_2062 : vector<1x32xf32> to vector<512x32xf32>
    %add3A_2065 = arith.addf %add3A_2063, %add3A_2064 : vector<512x32xf32>
    %mul3A_2066 = arith.constant 2.000000e+00 : f32
    %mul3A_2067 = vector.broadcast %mul3A_2066 : f32 to vector<512x32xf32>
    %mul3A_2068 = arith.mulf %mul3A_2067, %dot_general3A_2058 : vector<512x32xf32>
    %sub3A_2069 = arith.subf %add3A_2065, %mul3A_2068 : vector<512x32xf32>
    %reduce_min3A_2070 = arith.constant dense<0x7F800000> : vector<32xf32>
    %reduce_min3A_2071 = vector.multi_reduction <minimumf>, %sub3A_2069, %reduce_min3A_2070 [0] : vector<512x32xf32> to vector<32xf32>
    %broadcast_in_dim3A_2072 = vector.shape_cast %reduce_min3A_2071 : vector<32xf32> to vector<1x32xf32>
    %eq3A_2073 = vector.broadcast %broadcast_in_dim3A_2072 : vector<1x32xf32> to vector<512x32xf32>
    %eq3A_2074 = arith.cmpf oeq, %sub3A_2069, %eq3A_2073 : vector<512x32xf32>
    %select_n3A_2075 = arith.select %eq3A_2074, %iota3A_1873, %broadcast_in_dim3A_1875 : vector<512x32xi1>, vector<512x32xi32>
    %reduce_min3A_2076 = arith.constant dense<2147483647> : vector<32xi32>
    %reduce_min3A_2077 = vector.multi_reduction <minsi>, %select_n3A_2075, %reduce_min3A_2076 [0] : vector<512x32xi32> to vector<32xi32>
    %broadcast_in_dim3A_2078 = vector.shape_cast %reduce_min3A_2077 : vector<32xi32> to vector<1x32xi32>
    %eq3A_2079 = vector.broadcast %broadcast_in_dim3A_2078 : vector<1x32xi32> to vector<512x32xi32>
    %eq3A_2080 = arith.cmpi eq, %iota3A_1873, %eq3A_2079 : vector<512x32xi32>
    %convert_element_type3A_2081 = arith.extui %eq3A_2080 : vector<512x32xi1> to vector<512x32xi32>
    %convert_element_type3A_2082 = arith.sitofp %convert_element_type3A_2081 : vector<512x32xi32> to vector<512x32xf32>
    %get3A_2083 = arith.constant 0 : index
    %get3A_2084 = arith.constant 0 : index
    %get3A_2085 = vector.load %arg19[%get3A_2083, %get3A_2084] : memref<64x512xf32, #tpu.memory_space<vmem>>, vector<64x512xf32>
    %dot_general3A_2086 = arith.constant dense<0.000000e+00> : vector<64x32xf32>
    %dot_general3A_2087 = tpu.matmul %get3A_2085, %convert_element_type3A_2082, %dot_general3A_2086 {dimension_numbers = #tpu.dot_dimension_numbers<[1], [0], [0], [1], [0, 0, 1, 1], [], []>, transpose_lhs_hint = false} : vector<64x512xf32>, vector<512x32xf32>, vector<64x32xf32> -> vector<64x32xf32>
    %swap3A_2088 = arith.constant 2 : index
    %swap3A_2089 = arith.constant 0 : index
    %swap3A_2090 = arith.constant 0 : index
    %swap3A_2091 = vector.load %arg20[%swap3A_2088, %swap3A_2089, %swap3A_2090] : memref<4x64x32xf32, #tpu.memory_space<vmem>>, vector<1x64x32xf32>
    %swap3A_2092 = vector.shape_cast %swap3A_2091 : vector<1x64x32xf32> to vector<64x32xf32>
    %swap3A_2093 = vector.shape_cast %dot_general3A_2087 : vector<64x32xf32> to vector<1x64x32xf32>
    tpu.vector_store %arg20[%swap3A_2088, %swap3A_2089, %swap3A_2090], %swap3A_2093 {strides = array<i32>} : memref<4x64x32xf32, #tpu.memory_space<vmem>>, vector<1x64x32xf32>,
    %reduce_sum3A_2094 = arith.constant dense<0.000000e+00> : vector<512xf32>
    %reduce_sum3A_2095 = vector.multi_reduction <add>, %convert_element_type3A_2082, %reduce_sum3A_2094 [1] : vector<512x32xf32> to vector<512xf32>
    %broadcast_in_dim3A_2096 = vector.shape_cast %reduce_sum3A_2095 : vector<512xf32> to vector<512x1xf32>
    %add3A_2097 = arith.addf %add3A_2017, %broadcast_in_dim3A_2096 : vector<512x1xf32>
    %reduce_sum3A_2098 = vector.shape_cast %broadcast_in_dim3A_2062 : vector<1x32xf32> to vector<1x1x32xf32>
    %reduce_sum3A_2099 = arith.constant dense<0.000000e+00> : vector<1xf32>
    %reduce_sum3A_2100 = vector.multi_reduction <add>, %reduce_sum3A_2098, %reduce_sum3A_2099 [1, 2] : vector<1x1x32xf32> to vector<1xf32>
    %reduce_sum3A_2101 = vector.shape_cast %reduce_sum3A_2100 : vector<1xf32> to vector<1x1x1xf32>
    %reduce_sum3A_2102 = vector.extract %reduce_sum3A_2101[0, 0, 0] : f32 from vector<1x1x1xf32>
    %add3A_2103 = arith.addf %add3A_2023, %reduce_sum3A_2102 : f32
    %mul3A_2104 = arith.mulf %convert_element_type3A_2082, %dot_general3A_2058 : vector<512x32xf32>
    %reduce_sum3A_2105 = vector.shape_cast %mul3A_2104 : vector<512x32xf32> to vector<1x512x32xf32>
    %reduce_sum3A_2106 = arith.constant dense<0.000000e+00> : vector<1xf32>
    %reduce_sum3A_2107 = vector.multi_reduction <add>, %reduce_sum3A_2105, %reduce_sum3A_2106 [1, 2] : vector<1x512x32xf32> to vector<1xf32>
    %reduce_sum3A_2108 = vector.shape_cast %reduce_sum3A_2107 : vector<1xf32> to vector<1x1x1xf32>
    %reduce_sum3A_2109 = vector.extract %reduce_sum3A_2108[0, 0, 0] : f32 from vector<1x1x1xf32>
    %add3A_2110 = arith.addf %add3A_2030, %reduce_sum3A_2109 : f32
    %mul3A_2111 = vector.broadcast %broadcast_in_dim3A_1872 : vector<512x1xf32> to vector<512x32xf32>
    %mul3A_2112 = arith.mulf %convert_element_type3A_2082, %mul3A_2111 : vector<512x32xf32>
    %reduce_sum3A_2113 = vector.shape_cast %mul3A_2112 : vector<512x32xf32> to vector<1x512x32xf32>
    %reduce_sum3A_2114 = arith.constant dense<0.000000e+00> : vector<1xf32>
    %reduce_sum3A_2115 = vector.multi_reduction <add>, %reduce_sum3A_2113, %reduce_sum3A_2114 [1, 2] : vector<1x512x32xf32> to vector<1xf32>
    %reduce_sum3A_2116 = vector.shape_cast %reduce_sum3A_2115 : vector<1xf32> to vector<1x1x1xf32>
    %reduce_sum3A_2117 = vector.extract %reduce_sum3A_2116[0, 0, 0] : f32 from vector<1x1x1xf32>
    %add3A_2118 = arith.addf %add3A_2038, %reduce_sum3A_2117 : f32
    %get3A_2119 = arith.constant 0 : index
    %get3A_2120 = arith.constant 0 : index
    %get3A_2121 = vector.load %arg6[%get3A_2119, %get3A_2120] : memref<64x512xf32, #tpu.memory_space<vmem>>, vector<64x512xf32>
    %get3A_2122 = arith.constant 3 : index
    %get3A_2123 = arith.constant 0 : index
    %get3A_2124 = arith.constant 0 : index
    %get3A_2125 = vector.load %arg25[%get3A_2122, %get3A_2123, %get3A_2124] : memref<4x512x32xf32, #tpu.memory_space<vmem>>, vector<1x512x32xf32>
    %get3A_2126 = vector.shape_cast %get3A_2125 : vector<1x512x32xf32> to vector<512x32xf32>
    %dot_general3A_2127 = arith.constant dense<0.000000e+00> : vector<64x32xf32>
    %dot_general3A_2128 = tpu.matmul %get3A_2121, %get3A_2126, %dot_general3A_2127 {dimension_numbers = #tpu.dot_dimension_numbers<[1], [0], [0], [1], [0, 0, 1, 1], [], []>, transpose_lhs_hint = false} : vector<64x512xf32>, vector<512x32xf32>, vector<64x32xf32> -> vector<64x32xf32>
    %get3A_2129 = arith.constant 0 : index
    %get3A_2130 = arith.constant 0 : index
    %get3A_2131 = vector.load %arg7[%get3A_2129, %get3A_2130] : memref<64x1xf32, #tpu.memory_space<vmem>>, vector<64x1xf32>
    %add3A_2132 = vector.broadcast %get3A_2131 : vector<64x1xf32> to vector<64x32xf32>
    %add3A_2133 = arith.addf %dot_general3A_2128, %add3A_2132 : vector<64x32xf32>
    %get3A_2134 = arith.constant 0 : index
    %get3A_2135 = arith.constant 0 : index
    %get3A_2136 = vector.load %arg18[%get3A_2134, %get3A_2135] : memref<512x64xf32, #tpu.memory_space<vmem>>, vector<512x64xf32>
    %dot_general3A_2137 = arith.constant dense<0.000000e+00> : vector<512x32xf32>
    %dot_general3A_2138 = tpu.matmul %get3A_2136, %add3A_2133, %dot_general3A_2137 {dimension_numbers = #tpu.dot_dimension_numbers<[1], [0], [0], [1], [0, 0, 1, 1], [], []>, transpose_lhs_hint = false} : vector<512x64xf32>, vector<64x32xf32>, vector<512x32xf32> -> vector<512x32xf32>
    %integer_pow3A_2139 = arith.mulf %add3A_2133, %add3A_2133 : vector<64x32xf32>
    %reduce_sum3A_2140 = arith.constant dense<0.000000e+00> : vector<32xf32>
    %reduce_sum3A_2141 = vector.multi_reduction <add>, %integer_pow3A_2139, %reduce_sum3A_2140 [0] : vector<64x32xf32> to vector<32xf32>
    %broadcast_in_dim3A_2142 = vector.shape_cast %reduce_sum3A_2141 : vector<32xf32> to vector<1x32xf32>
    %add3A_2143 = vector.broadcast %broadcast_in_dim3A_1872 : vector<512x1xf32> to vector<512x32xf32>
    %add3A_2144 = vector.broadcast %broadcast_in_dim3A_2142 : vector<1x32xf32> to vector<512x32xf32>
    %add3A_2145 = arith.addf %add3A_2143, %add3A_2144 : vector<512x32xf32>
    %mul3A_2146 = arith.constant 2.000000e+00 : f32
    %mul3A_2147 = vector.broadcast %mul3A_2146 : f32 to vector<512x32xf32>
    %mul3A_2148 = arith.mulf %mul3A_2147, %dot_general3A_2138 : vector<512x32xf32>
    %sub3A_2149 = arith.subf %add3A_2145, %mul3A_2148 : vector<512x32xf32>
    %reduce_min3A_2150 = arith.constant dense<0x7F800000> : vector<32xf32>
    %reduce_min3A_2151 = vector.multi_reduction <minimumf>, %sub3A_2149, %reduce_min3A_2150 [0] : vector<512x32xf32> to vector<32xf32>
    %broadcast_in_dim3A_2152 = vector.shape_cast %reduce_min3A_2151 : vector<32xf32> to vector<1x32xf32>
    %eq3A_2153 = vector.broadcast %broadcast_in_dim3A_2152 : vector<1x32xf32> to vector<512x32xf32>
    %eq3A_2154 = arith.cmpf oeq, %sub3A_2149, %eq3A_2153 : vector<512x32xf32>
    %select_n3A_2155 = arith.select %eq3A_2154, %iota3A_1873, %broadcast_in_dim3A_1875 : vector<512x32xi1>, vector<512x32xi32>
    %reduce_min3A_2156 = arith.constant dense<2147483647> : vector<32xi32>
    %reduce_min3A_2157 = vector.multi_reduction <minsi>, %select_n3A_2155, %reduce_min3A_2156 [0] : vector<512x32xi32> to vector<32xi32>
    %broadcast_in_dim3A_2158 = vector.shape_cast %reduce_min3A_2157 : vector<32xi32> to vector<1x32xi32>
    %eq3A_2159 = vector.broadcast %broadcast_in_dim3A_2158 : vector<1x32xi32> to vector<512x32xi32>
    %eq3A_2160 = arith.cmpi eq, %iota3A_1873, %eq3A_2159 : vector<512x32xi32>
    %convert_element_type3A_2161 = arith.extui %eq3A_2160 : vector<512x32xi1> to vector<512x32xi32>
    %convert_element_type3A_2162 = arith.sitofp %convert_element_type3A_2161 : vector<512x32xi32> to vector<512x32xf32>
    %get3A_2163 = arith.constant 0 : index
    %get3A_2164 = arith.constant 0 : index
    %get3A_2165 = vector.load %arg19[%get3A_2163, %get3A_2164] : memref<64x512xf32, #tpu.memory_space<vmem>>, vector<64x512xf32>
    %dot_general3A_2166 = arith.constant dense<0.000000e+00> : vector<64x32xf32>
    %dot_general3A_2167 = tpu.matmul %get3A_2165, %convert_element_type3A_2162, %dot_general3A_2166 {dimension_numbers = #tpu.dot_dimension_numbers<[1], [0], [0], [1], [0, 0, 1, 1], [], []>, transpose_lhs_hint = false} : vector<64x512xf32>, vector<512x32xf32>, vector<64x32xf32> -> vector<64x32xf32>
    %swap3A_2168 = arith.constant 3 : index
    %swap3A_2169 = arith.constant 0 : index
    %swap3A_2170 = arith.constant 0 : index
    %swap3A_2171 = vector.load %arg20[%swap3A_2168, %swap3A_2169, %swap3A_2170] : memref<4x64x32xf32, #tpu.memory_space<vmem>>, vector<1x64x32xf32>
    %swap3A_2172 = vector.shape_cast %swap3A_2171 : vector<1x64x32xf32> to vector<64x32xf32>
    %swap3A_2173 = vector.shape_cast %dot_general3A_2167 : vector<64x32xf32> to vector<1x64x32xf32>
    tpu.vector_store %arg20[%swap3A_2168, %swap3A_2169, %swap3A_2170], %swap3A_2173 {strides = array<i32>} : memref<4x64x32xf32, #tpu.memory_space<vmem>>, vector<1x64x32xf32>,
    %reduce_sum3A_2174 = arith.constant dense<0.000000e+00> : vector<512xf32>
    %reduce_sum3A_2175 = vector.multi_reduction <add>, %convert_element_type3A_2162, %reduce_sum3A_2174 [1] : vector<512x32xf32> to vector<512xf32>
    %broadcast_in_dim3A_2176 = vector.shape_cast %reduce_sum3A_2175 : vector<512xf32> to vector<512x1xf32>
    %add3A_2177 = arith.addf %add3A_2097, %broadcast_in_dim3A_2176 : vector<512x1xf32>
    %reduce_sum3A_2178 = vector.shape_cast %broadcast_in_dim3A_2142 : vector<1x32xf32> to vector<1x1x32xf32>
    %reduce_sum3A_2179 = arith.constant dense<0.000000e+00> : vector<1xf32>
    %reduce_sum3A_2180 = vector.multi_reduction <add>, %reduce_sum3A_2178, %reduce_sum3A_2179 [1, 2] : vector<1x1x32xf32> to vector<1xf32>
    %reduce_sum3A_2181 = vector.shape_cast %reduce_sum3A_2180 : vector<1xf32> to vector<1x1x1xf32>
    %reduce_sum3A_2182 = vector.extract %reduce_sum3A_2181[0, 0, 0] : f32 from vector<1x1x1xf32>
    %add3A_2183 = arith.addf %add3A_2103, %reduce_sum3A_2182 : f32
    %mul3A_2184 = arith.mulf %convert_element_type3A_2162, %dot_general3A_2138 : vector<512x32xf32>
    %reduce_sum3A_2185 = vector.shape_cast %mul3A_2184 : vector<512x32xf32> to vector<1x512x32xf32>
    %reduce_sum3A_2186 = arith.constant dense<0.000000e+00> : vector<1xf32>
    %reduce_sum3A_2187 = vector.multi_reduction <add>, %reduce_sum3A_2185, %reduce_sum3A_2186 [1, 2] : vector<1x512x32xf32> to vector<1xf32>
    %reduce_sum3A_2188 = vector.shape_cast %reduce_sum3A_2187 : vector<1xf32> to vector<1x1x1xf32>
    %reduce_sum3A_2189 = vector.extract %reduce_sum3A_2188[0, 0, 0] : f32 from vector<1x1x1xf32>
    %add3A_2190 = arith.addf %add3A_2110, %reduce_sum3A_2189 : f32
    %mul3A_2191 = vector.broadcast %broadcast_in_dim3A_1872 : vector<512x1xf32> to vector<512x32xf32>
    %mul3A_2192 = arith.mulf %convert_element_type3A_2162, %mul3A_2191 : vector<512x32xf32>
    %reduce_sum3A_2193 = vector.shape_cast %mul3A_2192 : vector<512x32xf32> to vector<1x512x32xf32>
    %reduce_sum3A_2194 = arith.constant dense<0.000000e+00> : vector<1xf32>
    %reduce_sum3A_2195 = vector.multi_reduction <add>, %reduce_sum3A_2193, %reduce_sum3A_2194 [1, 2] : vector<1x512x32xf32> to vector<1xf32>
    %reduce_sum3A_2196 = vector.shape_cast %reduce_sum3A_2195 : vector<1xf32> to vector<1x1x1xf32>
    %reduce_sum3A_2197 = vector.extract %reduce_sum3A_2196[0, 0, 0] : f32 from vector<1x1x1xf32>
    %add3A_2198 = arith.addf %add3A_2118, %reduce_sum3A_2197 : f32
    %mul3A_2199 = arith.constant 2.000000e+00 : f32
    %mul3A_2200 = arith.mulf %mul3A_2199, %add3A_2190 : f32
    %sub3A_2201 = arith.subf %add3A_2183, %mul3A_2200 : f32
    %add3A_2202 = arith.addf %sub3A_2201, %add3A_2198 : f32
    %div3A_2203 = arith.constant 8.192000e+03 : f32
    %div3A_2204 = arith.divf %add3A_2202, %div3A_2203 : f32
    %mul3A_2205 = arith.constant 2.500000e-01 : f32
    %mul3A_2206 = arith.mulf %mul3A_2205, %div3A_2204 : f32
    %broadcast_in_dim3A_2207 = vector.broadcast %mul3A_2206 : f32 to vector<1x1xf32>
    %swap3A_2208 = arith.constant 0 : index
    %swap3A_2209 = arith.constant 0 : index
    %swap3A_2210 = vector.load %arg21[%swap3A_2208, %swap3A_2209] : memref<1x1xf32, #tpu.memory_space<vmem>>, vector<1x1xf32>
    tpu.vector_store %arg21[%swap3A_2208, %swap3A_2209], %broadcast_in_dim3A_2207 {strides = array<i32>} : memref<1x1xf32, #tpu.memory_space<vmem>>, vector<1x1xf32>,
    %div3A_2211 = arith.constant 1.280000e+02 : f32
    %div3A_2212 = vector.broadcast %div3A_2211 : f32 to vector<512x1xf32>
    %div3A_2213 = arith.divf %add3A_2177, %div3A_2212 : vector<512x1xf32>
    %add3A_2214 = arith.constant 1.000000e-10 : f32
    %add3A_2215 = vector.broadcast %add3A_2214 : f32 to vector<512x1xf32>
    %add3A_2216 = arith.addf %div3A_2213, %add3A_2215 : vector<512x1xf32>
    %log3A = math.log %add3A_2216 : vector<512x1xf32>
    %mul3A_2217 = arith.mulf %div3A_2213, %log3A : vector<512x1xf32>
    %reduce_sum3A_2218 = vector.shape_cast %mul3A_2217 : vector<512x1xf32> to vector<1x512x1xf32>
    %reduce_sum3A_2219 = arith.constant dense<0.000000e+00> : vector<1xf32>
    %reduce_sum3A_2220 = vector.multi_reduction <add>, %reduce_sum3A_2218, %reduce_sum3A_2219 [1, 2] : vector<1x512x1xf32> to vector<1xf32>
    %reduce_sum3A_2221 = vector.shape_cast %reduce_sum3A_2220 : vector<1xf32> to vector<1x1x1xf32>
    %reduce_sum3A_2222 = vector.extract %reduce_sum3A_2221[0, 0, 0] : f32 from vector<1x1x1xf32>
    %neg3A = arith.constant 0.000000e+00 : f32
    %neg3A_2223 = arith.subf %neg3A, %reduce_sum3A_2222 : f32
    %exp3A = math.exp %neg3A_2223 : f32
    %broadcast_in_dim3A_2224 = vector.broadcast %exp3A : f32 to vector<1x1xf32>
    %swap3A_2225 = arith.constant 0 : index
    %swap3A_2226 = arith.constant 0 : index
    %swap3A_2227 = vector.load %arg22[%swap3A_2225, %swap3A_2226] : memref<1x1xf32, #tpu.memory_space<vmem>>, vector<1x1xf32>
    tpu.vector_store %arg22[%swap3A_2225, %swap3A_2226], %broadcast_in_dim3A_2224 {strides = array<i32>} : memref<1x1xf32, #tpu.memory_space<vmem>>, vector<1x1xf32>,
    return
  }
}

module attributes {stable_mosaic.version = 14 : i64} {
  func.func @_rnn1_body(%arg0: memref<64x4x128xf32, #tpu.memory_space<vmem>>, %arg1: memref<128x384xf32, #tpu.memory_space<vmem>>, %arg2: memref<128x384xf32, #tpu.memory_space<vmem>>, %arg3: memref<1x384xf32, #tpu.memory_space<vmem>>, %arg4: memref<1x384xf32, #tpu.memory_space<vmem>>, %arg5: memref<128x384xf32, #tpu.memory_space<vmem>>, %arg6: memref<128x384xf32, #tpu.memory_space<vmem>>, %arg7: memref<1x384xf32, #tpu.memory_space<vmem>>, %arg8: memref<1x384xf32, #tpu.memory_space<vmem>>, %arg9: memref<256x384xf32, #tpu.memory_space<vmem>>, %arg10: memref<128x384xf32, #tpu.memory_space<vmem>>, %arg11: memref<1x384xf32, #tpu.memory_space<vmem>>, %arg12: memref<1x384xf32, #tpu.memory_space<vmem>>, %arg13: memref<256x384xf32, #tpu.memory_space<vmem>>, %arg14: memref<128x384xf32, #tpu.memory_space<vmem>>, %arg15: memref<1x384xf32, #tpu.memory_space<vmem>>, %arg16: memref<1x384xf32, #tpu.memory_space<vmem>>, %arg17: memref<64x4x256xf32, #tpu.memory_space<vmem>>, %arg18: memref<64x4x256xf32, #tpu.memory_space<vmem>>) attributes {dimension_semantics = [], scalar_prefetch = 0 : i64, scratch_operands = 1 : i64, tpu.core_type = #tpu.core_type<tc>} {
    %broadcast_in_dim3A = arith.constant 0.000000e+00 : f32
    %broadcast_in_dim3A_0 = vector.broadcast %broadcast_in_dim3A : f32 to vector<4x128xf32>
    %scan3A = arith.constant 0 : i32
    %scan3A_1 = arith.constant 64 : i32
    %scan3A_2 = arith.addi %scan3A, %scan3A_1 : i32
    %scan3A_3 = arith.constant 1 : i32
    %scan3A_4:2 = scf.for %scan3A_14 = %scan3A to %scan3A_2 step %scan3A_3 iter_args(%scan3A_15 = %broadcast_in_dim3A_0, %scan3A_16 = %broadcast_in_dim3A_0) -> (vector<4x128xf32>, vector<4x128xf32>)  : i32 {
      %sub3A = arith.constant 63 : i32
      %sub3A_17 = arith.subi %sub3A, %scan3A_14 : i32
      %get3A = arith.index_cast %scan3A_14 : i32 to index
      %get3A_18 = arith.constant 0 : index
      %get3A_19 = arith.constant 0 : index
      %get3A_20 = vector.load %arg0[%get3A, %get3A_18, %get3A_19] : memref<64x4x128xf32, #tpu.memory_space<vmem>>, vector<1x4x128xf32>
      %get3A_21 = vector.shape_cast %get3A_20 : vector<1x4x128xf32> to vector<4x128xf32>
      %get3A_22 = arith.constant 0 : index
      %get3A_23 = arith.constant 0 : index
      %get3A_24 = vector.load %arg1[%get3A_22, %get3A_23] : memref<128x384xf32, #tpu.memory_space<vmem>>, vector<128x384xf32>
      %dot_general3A = arith.constant dense<0.000000e+00> : vector<4x384xf32>
      %dot_general3A_25 = tpu.matmul %get3A_21, %get3A_24, %dot_general3A {dimension_numbers = #tpu.dot_dimension_numbers<[1], [0], [0], [1], [0, 0, 1, 1], [], []>, transpose_lhs_hint = false} : vector<4x128xf32>, vector<128x384xf32>, vector<4x384xf32> -> vector<4x384xf32>
      %get3A_26 = arith.constant 0 : index
      %get3A_27 = arith.constant 0 : index
      %get3A_28 = vector.load %arg3[%get3A_26, %get3A_27] : memref<1x384xf32, #tpu.memory_space<vmem>>, vector<1x384xf32>
      %add3A = vector.broadcast %get3A_28 : vector<1x384xf32> to vector<4x384xf32>
      %add3A_29 = arith.addf %dot_general3A_25, %add3A : vector<4x384xf32>
      %get3A_30 = arith.constant 0 : index
      %get3A_31 = arith.constant 0 : index
      %get3A_32 = vector.load %arg2[%get3A_30, %get3A_31] : memref<128x384xf32, #tpu.memory_space<vmem>>, vector<128x384xf32>
      %dot_general3A_33 = arith.constant dense<0.000000e+00> : vector<4x384xf32>
      %dot_general3A_34 = tpu.matmul %scan3A_15, %get3A_32, %dot_general3A_33 {dimension_numbers = #tpu.dot_dimension_numbers<[1], [0], [0], [1], [0, 0, 1, 1], [], []>, transpose_lhs_hint = false} : vector<4x128xf32>, vector<128x384xf32>, vector<4x384xf32> -> vector<4x384xf32>
      %get3A_35 = arith.constant 0 : index
      %get3A_36 = arith.constant 0 : index
      %get3A_37 = vector.load %arg4[%get3A_35, %get3A_36] : memref<1x384xf32, #tpu.memory_space<vmem>>, vector<1x384xf32>
      %add3A_38 = vector.broadcast %get3A_37 : vector<1x384xf32> to vector<4x384xf32>
      %add3A_39 = arith.addf %dot_general3A_34, %add3A_38 : vector<4x384xf32>
      %slice3A = vector.extract_strided_slice %add3A_29 {offsets = [0, 0], sizes = [4, 128], strides = [1, 1]} : vector<4x384xf32> to vector<4x128xf32>
      %slice3A_40 = vector.extract_strided_slice %add3A_39 {offsets = [0, 0], sizes = [4, 128], strides = [1, 1]} : vector<4x384xf32> to vector<4x128xf32>
      %add3A_41 = arith.addf %slice3A, %slice3A_40 : vector<4x128xf32>
      %logistic3A = arith.negf %add3A_41 : vector<4x128xf32>
      %logistic3A_42 = math.exp %logistic3A : vector<4x128xf32>
      %logistic3A_43 = arith.constant 1.000000e+00 : f32
      %logistic3A_44 = vector.broadcast %logistic3A_43 : f32 to vector<4x128xf32>
      %logistic3A_45 = arith.addf %logistic3A_44, %logistic3A_42 : vector<4x128xf32>
      %logistic3A_46 = arith.divf %logistic3A_44, %logistic3A_45 : vector<4x128xf32>
      %slice3A_47 = vector.extract_strided_slice %add3A_29 {offsets = [0, 128], sizes = [4, 128], strides = [1, 1]} : vector<4x384xf32> to vector<4x128xf32>
      %slice3A_48 = vector.extract_strided_slice %add3A_39 {offsets = [0, 128], sizes = [4, 128], strides = [1, 1]} : vector<4x384xf32> to vector<4x128xf32>
      %add3A_49 = arith.addf %slice3A_47, %slice3A_48 : vector<4x128xf32>
      %logistic3A_50 = arith.negf %add3A_49 : vector<4x128xf32>
      %logistic3A_51 = math.exp %logistic3A_50 : vector<4x128xf32>
      %logistic3A_52 = arith.constant 1.000000e+00 : f32
      %logistic3A_53 = vector.broadcast %logistic3A_52 : f32 to vector<4x128xf32>
      %logistic3A_54 = arith.addf %logistic3A_53, %logistic3A_51 : vector<4x128xf32>
      %logistic3A_55 = arith.divf %logistic3A_53, %logistic3A_54 : vector<4x128xf32>
      %slice3A_56 = vector.extract_strided_slice %add3A_29 {offsets = [0, 256], sizes = [4, 128], strides = [1, 1]} : vector<4x384xf32> to vector<4x128xf32>
      %slice3A_57 = vector.extract_strided_slice %add3A_39 {offsets = [0, 256], sizes = [4, 128], strides = [1, 1]} : vector<4x384xf32> to vector<4x128xf32>
      %mul3A = arith.mulf %logistic3A_46, %slice3A_57 : vector<4x128xf32>
      %add3A_58 = arith.addf %slice3A_56, %mul3A : vector<4x128xf32>
      %tanh3A = math.tanh %add3A_58 : vector<4x128xf32>
      %sub3A_59 = arith.constant 1.000000e+00 : f32
      %sub3A_60 = vector.broadcast %sub3A_59 : f32 to vector<4x128xf32>
      %sub3A_61 = arith.subf %sub3A_60, %logistic3A_55 : vector<4x128xf32>
      %mul3A_62 = arith.mulf %sub3A_61, %tanh3A : vector<4x128xf32>
      %mul3A_63 = arith.mulf %logistic3A_55, %scan3A_15 : vector<4x128xf32>
      %add3A_64 = arith.addf %mul3A_62, %mul3A_63 : vector<4x128xf32>
      %get3A_65 = arith.index_cast %sub3A_17 : i32 to index
      %get3A_66 = arith.constant 0 : index
      %get3A_67 = arith.constant 0 : index
      %get3A_68 = vector.load %arg0[%get3A_65, %get3A_66, %get3A_67] : memref<64x4x128xf32, #tpu.memory_space<vmem>>, vector<1x4x128xf32>
      %get3A_69 = vector.shape_cast %get3A_68 : vector<1x4x128xf32> to vector<4x128xf32>
      %get3A_70 = arith.constant 0 : index
      %get3A_71 = arith.constant 0 : index
      %get3A_72 = vector.load %arg5[%get3A_70, %get3A_71] : memref<128x384xf32, #tpu.memory_space<vmem>>, vector<128x384xf32>
      %dot_general3A_73 = arith.constant dense<0.000000e+00> : vector<4x384xf32>
      %dot_general3A_74 = tpu.matmul %get3A_69, %get3A_72, %dot_general3A_73 {dimension_numbers = #tpu.dot_dimension_numbers<[1], [0], [0], [1], [0, 0, 1, 1], [], []>, transpose_lhs_hint = false} : vector<4x128xf32>, vector<128x384xf32>, vector<4x384xf32> -> vector<4x384xf32>
      %get3A_75 = arith.constant 0 : index
      %get3A_76 = arith.constant 0 : index
      %get3A_77 = vector.load %arg7[%get3A_75, %get3A_76] : memref<1x384xf32, #tpu.memory_space<vmem>>, vector<1x384xf32>
      %add3A_78 = vector.broadcast %get3A_77 : vector<1x384xf32> to vector<4x384xf32>
      %add3A_79 = arith.addf %dot_general3A_74, %add3A_78 : vector<4x384xf32>
      %get3A_80 = arith.constant 0 : index
      %get3A_81 = arith.constant 0 : index
      %get3A_82 = vector.load %arg6[%get3A_80, %get3A_81] : memref<128x384xf32, #tpu.memory_space<vmem>>, vector<128x384xf32>
      %dot_general3A_83 = arith.constant dense<0.000000e+00> : vector<4x384xf32>
      %dot_general3A_84 = tpu.matmul %scan3A_16, %get3A_82, %dot_general3A_83 {dimension_numbers = #tpu.dot_dimension_numbers<[1], [0], [0], [1], [0, 0, 1, 1], [], []>, transpose_lhs_hint = false} : vector<4x128xf32>, vector<128x384xf32>, vector<4x384xf32> -> vector<4x384xf32>
      %get3A_85 = arith.constant 0 : index
      %get3A_86 = arith.constant 0 : index
      %get3A_87 = vector.load %arg8[%get3A_85, %get3A_86] : memref<1x384xf32, #tpu.memory_space<vmem>>, vector<1x384xf32>
      %add3A_88 = vector.broadcast %get3A_87 : vector<1x384xf32> to vector<4x384xf32>
      %add3A_89 = arith.addf %dot_general3A_84, %add3A_88 : vector<4x384xf32>
      %slice3A_90 = vector.extract_strided_slice %add3A_79 {offsets = [0, 0], sizes = [4, 128], strides = [1, 1]} : vector<4x384xf32> to vector<4x128xf32>
      %slice3A_91 = vector.extract_strided_slice %add3A_89 {offsets = [0, 0], sizes = [4, 128], strides = [1, 1]} : vector<4x384xf32> to vector<4x128xf32>
      %add3A_92 = arith.addf %slice3A_90, %slice3A_91 : vector<4x128xf32>
      %logistic3A_93 = arith.negf %add3A_92 : vector<4x128xf32>
      %logistic3A_94 = math.exp %logistic3A_93 : vector<4x128xf32>
      %logistic3A_95 = arith.constant 1.000000e+00 : f32
      %logistic3A_96 = vector.broadcast %logistic3A_95 : f32 to vector<4x128xf32>
      %logistic3A_97 = arith.addf %logistic3A_96, %logistic3A_94 : vector<4x128xf32>
      %logistic3A_98 = arith.divf %logistic3A_96, %logistic3A_97 : vector<4x128xf32>
      %slice3A_99 = vector.extract_strided_slice %add3A_79 {offsets = [0, 128], sizes = [4, 128], strides = [1, 1]} : vector<4x384xf32> to vector<4x128xf32>
      %slice3A_100 = vector.extract_strided_slice %add3A_89 {offsets = [0, 128], sizes = [4, 128], strides = [1, 1]} : vector<4x384xf32> to vector<4x128xf32>
      %add3A_101 = arith.addf %slice3A_99, %slice3A_100 : vector<4x128xf32>
      %logistic3A_102 = arith.negf %add3A_101 : vector<4x128xf32>
      %logistic3A_103 = math.exp %logistic3A_102 : vector<4x128xf32>
      %logistic3A_104 = arith.constant 1.000000e+00 : f32
      %logistic3A_105 = vector.broadcast %logistic3A_104 : f32 to vector<4x128xf32>
      %logistic3A_106 = arith.addf %logistic3A_105, %logistic3A_103 : vector<4x128xf32>
      %logistic3A_107 = arith.divf %logistic3A_105, %logistic3A_106 : vector<4x128xf32>
      %slice3A_108 = vector.extract_strided_slice %add3A_79 {offsets = [0, 256], sizes = [4, 128], strides = [1, 1]} : vector<4x384xf32> to vector<4x128xf32>
      %slice3A_109 = vector.extract_strided_slice %add3A_89 {offsets = [0, 256], sizes = [4, 128], strides = [1, 1]} : vector<4x384xf32> to vector<4x128xf32>
      %mul3A_110 = arith.mulf %logistic3A_98, %slice3A_109 : vector<4x128xf32>
      %add3A_111 = arith.addf %slice3A_108, %mul3A_110 : vector<4x128xf32>
      %tanh3A_112 = math.tanh %add3A_111 : vector<4x128xf32>
      %sub3A_113 = arith.constant 1.000000e+00 : f32
      %sub3A_114 = vector.broadcast %sub3A_113 : f32 to vector<4x128xf32>
      %sub3A_115 = arith.subf %sub3A_114, %logistic3A_107 : vector<4x128xf32>
      %mul3A_116 = arith.mulf %sub3A_115, %tanh3A_112 : vector<4x128xf32>
      %mul3A_117 = arith.mulf %logistic3A_107, %scan3A_16 : vector<4x128xf32>
      %add3A_118 = arith.addf %mul3A_116, %mul3A_117 : vector<4x128xf32>
      %swap3A = arith.index_cast %scan3A_14 : i32 to index
      %swap3A_119 = arith.constant 0 : index
      %swap3A_120 = arith.constant 0 : index
      %swap3A_121 = vector.load %arg18[%swap3A, %swap3A_119, %swap3A_120] : memref<64x4x256xf32, #tpu.memory_space<vmem>>, vector<1x4x128xf32>
      %swap3A_122 = vector.shape_cast %swap3A_121 : vector<1x4x128xf32> to vector<4x128xf32>
      %swap3A_123 = vector.shape_cast %add3A_64 : vector<4x128xf32> to vector<1x4x128xf32>
      tpu.vector_store %arg18[%swap3A, %swap3A_119, %swap3A_120], %swap3A_123 {strides = array<i32>} : memref<64x4x256xf32, #tpu.memory_space<vmem>>, vector<1x4x128xf32>,
      %swap3A_124 = arith.index_cast %sub3A_17 : i32 to index
      %swap3A_125 = arith.constant 0 : index
      %swap3A_126 = arith.constant 128 : index
      %swap3A_127 = vector.load %arg18[%swap3A_124, %swap3A_125, %swap3A_126] : memref<64x4x256xf32, #tpu.memory_space<vmem>>, vector<1x4x128xf32>
      %swap3A_128 = vector.shape_cast %swap3A_127 : vector<1x4x128xf32> to vector<4x128xf32>
      %swap3A_129 = vector.shape_cast %add3A_118 : vector<4x128xf32> to vector<1x4x128xf32>
      tpu.vector_store %arg18[%swap3A_124, %swap3A_125, %swap3A_126], %swap3A_129 {strides = array<i32>} : memref<64x4x256xf32, #tpu.memory_space<vmem>>, vector<1x4x128xf32>,
      scf.yield %add3A_64, %add3A_118 : vector<4x128xf32>, vector<4x128xf32>
    }
    %scan3A_5 = arith.constant 64 : i32
    %broadcast_in_dim3A_6 = arith.constant 0.000000e+00 : f32
    %broadcast_in_dim3A_7 = vector.broadcast %broadcast_in_dim3A_6 : f32 to vector<4x128xf32>
    %scan3A_8 = arith.constant 0 : i32
    %scan3A_9 = arith.constant 64 : i32
    %scan3A_10 = arith.addi %scan3A_8, %scan3A_9 : i32
    %scan3A_11 = arith.constant 1 : i32
    %scan3A_12:2 = scf.for %scan3A_14 = %scan3A_8 to %scan3A_10 step %scan3A_11 iter_args(%scan3A_15 = %broadcast_in_dim3A_7, %scan3A_16 = %broadcast_in_dim3A_7) -> (vector<4x128xf32>, vector<4x128xf32>)  : i32 {
      %sub3A = arith.constant 63 : i32
      %sub3A_17 = arith.subi %sub3A, %scan3A_14 : i32
      %get3A = arith.index_cast %scan3A_14 : i32 to index
      %get3A_18 = arith.constant 0 : index
      %get3A_19 = arith.constant 0 : index
      %get3A_20 = vector.load %arg18[%get3A, %get3A_18, %get3A_19] : memref<64x4x256xf32, #tpu.memory_space<vmem>>, vector<1x4x256xf32>
      %get3A_21 = vector.shape_cast %get3A_20 : vector<1x4x256xf32> to vector<4x256xf32>
      %get3A_22 = arith.constant 0 : index
      %get3A_23 = arith.constant 0 : index
      %get3A_24 = vector.load %arg9[%get3A_22, %get3A_23] : memref<256x384xf32, #tpu.memory_space<vmem>>, vector<256x384xf32>
      %dot_general3A = arith.constant dense<0.000000e+00> : vector<4x384xf32>
      %dot_general3A_25 = tpu.matmul %get3A_21, %get3A_24, %dot_general3A {dimension_numbers = #tpu.dot_dimension_numbers<[1], [0], [0], [1], [0, 0, 1, 1], [], []>, transpose_lhs_hint = false} : vector<4x256xf32>, vector<256x384xf32>, vector<4x384xf32> -> vector<4x384xf32>
      %get3A_26 = arith.constant 0 : index
      %get3A_27 = arith.constant 0 : index
      %get3A_28 = vector.load %arg11[%get3A_26, %get3A_27] : memref<1x384xf32, #tpu.memory_space<vmem>>, vector<1x384xf32>
      %add3A = vector.broadcast %get3A_28 : vector<1x384xf32> to vector<4x384xf32>
      %add3A_29 = arith.addf %dot_general3A_25, %add3A : vector<4x384xf32>
      %get3A_30 = arith.constant 0 : index
      %get3A_31 = arith.constant 0 : index
      %get3A_32 = vector.load %arg10[%get3A_30, %get3A_31] : memref<128x384xf32, #tpu.memory_space<vmem>>, vector<128x384xf32>
      %dot_general3A_33 = arith.constant dense<0.000000e+00> : vector<4x384xf32>
      %dot_general3A_34 = tpu.matmul %scan3A_15, %get3A_32, %dot_general3A_33 {dimension_numbers = #tpu.dot_dimension_numbers<[1], [0], [0], [1], [0, 0, 1, 1], [], []>, transpose_lhs_hint = false} : vector<4x128xf32>, vector<128x384xf32>, vector<4x384xf32> -> vector<4x384xf32>
      %get3A_35 = arith.constant 0 : index
      %get3A_36 = arith.constant 0 : index
      %get3A_37 = vector.load %arg12[%get3A_35, %get3A_36] : memref<1x384xf32, #tpu.memory_space<vmem>>, vector<1x384xf32>
      %add3A_38 = vector.broadcast %get3A_37 : vector<1x384xf32> to vector<4x384xf32>
      %add3A_39 = arith.addf %dot_general3A_34, %add3A_38 : vector<4x384xf32>
      %slice3A = vector.extract_strided_slice %add3A_29 {offsets = [0, 0], sizes = [4, 128], strides = [1, 1]} : vector<4x384xf32> to vector<4x128xf32>
      %slice3A_40 = vector.extract_strided_slice %add3A_39 {offsets = [0, 0], sizes = [4, 128], strides = [1, 1]} : vector<4x384xf32> to vector<4x128xf32>
      %add3A_41 = arith.addf %slice3A, %slice3A_40 : vector<4x128xf32>
      %logistic3A = arith.negf %add3A_41 : vector<4x128xf32>
      %logistic3A_42 = math.exp %logistic3A : vector<4x128xf32>
      %logistic3A_43 = arith.constant 1.000000e+00 : f32
      %logistic3A_44 = vector.broadcast %logistic3A_43 : f32 to vector<4x128xf32>
      %logistic3A_45 = arith.addf %logistic3A_44, %logistic3A_42 : vector<4x128xf32>
      %logistic3A_46 = arith.divf %logistic3A_44, %logistic3A_45 : vector<4x128xf32>
      %slice3A_47 = vector.extract_strided_slice %add3A_29 {offsets = [0, 128], sizes = [4, 128], strides = [1, 1]} : vector<4x384xf32> to vector<4x128xf32>
      %slice3A_48 = vector.extract_strided_slice %add3A_39 {offsets = [0, 128], sizes = [4, 128], strides = [1, 1]} : vector<4x384xf32> to vector<4x128xf32>
      %add3A_49 = arith.addf %slice3A_47, %slice3A_48 : vector<4x128xf32>
      %logistic3A_50 = arith.negf %add3A_49 : vector<4x128xf32>
      %logistic3A_51 = math.exp %logistic3A_50 : vector<4x128xf32>
      %logistic3A_52 = arith.constant 1.000000e+00 : f32
      %logistic3A_53 = vector.broadcast %logistic3A_52 : f32 to vector<4x128xf32>
      %logistic3A_54 = arith.addf %logistic3A_53, %logistic3A_51 : vector<4x128xf32>
      %logistic3A_55 = arith.divf %logistic3A_53, %logistic3A_54 : vector<4x128xf32>
      %slice3A_56 = vector.extract_strided_slice %add3A_29 {offsets = [0, 256], sizes = [4, 128], strides = [1, 1]} : vector<4x384xf32> to vector<4x128xf32>
      %slice3A_57 = vector.extract_strided_slice %add3A_39 {offsets = [0, 256], sizes = [4, 128], strides = [1, 1]} : vector<4x384xf32> to vector<4x128xf32>
      %mul3A = arith.mulf %logistic3A_46, %slice3A_57 : vector<4x128xf32>
      %add3A_58 = arith.addf %slice3A_56, %mul3A : vector<4x128xf32>
      %tanh3A = math.tanh %add3A_58 : vector<4x128xf32>
      %sub3A_59 = arith.constant 1.000000e+00 : f32
      %sub3A_60 = vector.broadcast %sub3A_59 : f32 to vector<4x128xf32>
      %sub3A_61 = arith.subf %sub3A_60, %logistic3A_55 : vector<4x128xf32>
      %mul3A_62 = arith.mulf %sub3A_61, %tanh3A : vector<4x128xf32>
      %mul3A_63 = arith.mulf %logistic3A_55, %scan3A_15 : vector<4x128xf32>
      %add3A_64 = arith.addf %mul3A_62, %mul3A_63 : vector<4x128xf32>
      %get3A_65 = arith.index_cast %sub3A_17 : i32 to index
      %get3A_66 = arith.constant 0 : index
      %get3A_67 = arith.constant 0 : index
      %get3A_68 = vector.load %arg18[%get3A_65, %get3A_66, %get3A_67] : memref<64x4x256xf32, #tpu.memory_space<vmem>>, vector<1x4x256xf32>
      %get3A_69 = vector.shape_cast %get3A_68 : vector<1x4x256xf32> to vector<4x256xf32>
      %get3A_70 = arith.constant 0 : index
      %get3A_71 = arith.constant 0 : index
      %get3A_72 = vector.load %arg13[%get3A_70, %get3A_71] : memref<256x384xf32, #tpu.memory_space<vmem>>, vector<256x384xf32>
      %dot_general3A_73 = arith.constant dense<0.000000e+00> : vector<4x384xf32>
      %dot_general3A_74 = tpu.matmul %get3A_69, %get3A_72, %dot_general3A_73 {dimension_numbers = #tpu.dot_dimension_numbers<[1], [0], [0], [1], [0, 0, 1, 1], [], []>, transpose_lhs_hint = false} : vector<4x256xf32>, vector<256x384xf32>, vector<4x384xf32> -> vector<4x384xf32>
      %get3A_75 = arith.constant 0 : index
      %get3A_76 = arith.constant 0 : index
      %get3A_77 = vector.load %arg15[%get3A_75, %get3A_76] : memref<1x384xf32, #tpu.memory_space<vmem>>, vector<1x384xf32>
      %add3A_78 = vector.broadcast %get3A_77 : vector<1x384xf32> to vector<4x384xf32>
      %add3A_79 = arith.addf %dot_general3A_74, %add3A_78 : vector<4x384xf32>
      %get3A_80 = arith.constant 0 : index
      %get3A_81 = arith.constant 0 : index
      %get3A_82 = vector.load %arg14[%get3A_80, %get3A_81] : memref<128x384xf32, #tpu.memory_space<vmem>>, vector<128x384xf32>
      %dot_general3A_83 = arith.constant dense<0.000000e+00> : vector<4x384xf32>
      %dot_general3A_84 = tpu.matmul %scan3A_16, %get3A_82, %dot_general3A_83 {dimension_numbers = #tpu.dot_dimension_numbers<[1], [0], [0], [1], [0, 0, 1, 1], [], []>, transpose_lhs_hint = false} : vector<4x128xf32>, vector<128x384xf32>, vector<4x384xf32> -> vector<4x384xf32>
      %get3A_85 = arith.constant 0 : index
      %get3A_86 = arith.constant 0 : index
      %get3A_87 = vector.load %arg16[%get3A_85, %get3A_86] : memref<1x384xf32, #tpu.memory_space<vmem>>, vector<1x384xf32>
      %add3A_88 = vector.broadcast %get3A_87 : vector<1x384xf32> to vector<4x384xf32>
      %add3A_89 = arith.addf %dot_general3A_84, %add3A_88 : vector<4x384xf32>
      %slice3A_90 = vector.extract_strided_slice %add3A_79 {offsets = [0, 0], sizes = [4, 128], strides = [1, 1]} : vector<4x384xf32> to vector<4x128xf32>
      %slice3A_91 = vector.extract_strided_slice %add3A_89 {offsets = [0, 0], sizes = [4, 128], strides = [1, 1]} : vector<4x384xf32> to vector<4x128xf32>
      %add3A_92 = arith.addf %slice3A_90, %slice3A_91 : vector<4x128xf32>
      %logistic3A_93 = arith.negf %add3A_92 : vector<4x128xf32>
      %logistic3A_94 = math.exp %logistic3A_93 : vector<4x128xf32>
      %logistic3A_95 = arith.constant 1.000000e+00 : f32
      %logistic3A_96 = vector.broadcast %logistic3A_95 : f32 to vector<4x128xf32>
      %logistic3A_97 = arith.addf %logistic3A_96, %logistic3A_94 : vector<4x128xf32>
      %logistic3A_98 = arith.divf %logistic3A_96, %logistic3A_97 : vector<4x128xf32>
      %slice3A_99 = vector.extract_strided_slice %add3A_79 {offsets = [0, 128], sizes = [4, 128], strides = [1, 1]} : vector<4x384xf32> to vector<4x128xf32>
      %slice3A_100 = vector.extract_strided_slice %add3A_89 {offsets = [0, 128], sizes = [4, 128], strides = [1, 1]} : vector<4x384xf32> to vector<4x128xf32>
      %add3A_101 = arith.addf %slice3A_99, %slice3A_100 : vector<4x128xf32>
      %logistic3A_102 = arith.negf %add3A_101 : vector<4x128xf32>
      %logistic3A_103 = math.exp %logistic3A_102 : vector<4x128xf32>
      %logistic3A_104 = arith.constant 1.000000e+00 : f32
      %logistic3A_105 = vector.broadcast %logistic3A_104 : f32 to vector<4x128xf32>
      %logistic3A_106 = arith.addf %logistic3A_105, %logistic3A_103 : vector<4x128xf32>
      %logistic3A_107 = arith.divf %logistic3A_105, %logistic3A_106 : vector<4x128xf32>
      %slice3A_108 = vector.extract_strided_slice %add3A_79 {offsets = [0, 256], sizes = [4, 128], strides = [1, 1]} : vector<4x384xf32> to vector<4x128xf32>
      %slice3A_109 = vector.extract_strided_slice %add3A_89 {offsets = [0, 256], sizes = [4, 128], strides = [1, 1]} : vector<4x384xf32> to vector<4x128xf32>
      %mul3A_110 = arith.mulf %logistic3A_98, %slice3A_109 : vector<4x128xf32>
      %add3A_111 = arith.addf %slice3A_108, %mul3A_110 : vector<4x128xf32>
      %tanh3A_112 = math.tanh %add3A_111 : vector<4x128xf32>
      %sub3A_113 = arith.constant 1.000000e+00 : f32
      %sub3A_114 = vector.broadcast %sub3A_113 : f32 to vector<4x128xf32>
      %sub3A_115 = arith.subf %sub3A_114, %logistic3A_107 : vector<4x128xf32>
      %mul3A_116 = arith.mulf %sub3A_115, %tanh3A_112 : vector<4x128xf32>
      %mul3A_117 = arith.mulf %logistic3A_107, %scan3A_16 : vector<4x128xf32>
      %add3A_118 = arith.addf %mul3A_116, %mul3A_117 : vector<4x128xf32>
      %swap3A = arith.index_cast %scan3A_14 : i32 to index
      %swap3A_119 = arith.constant 0 : index
      %swap3A_120 = arith.constant 0 : index
      %swap3A_121 = vector.load %arg17[%swap3A, %swap3A_119, %swap3A_120] : memref<64x4x256xf32, #tpu.memory_space<vmem>>, vector<1x4x128xf32>
      %swap3A_122 = vector.shape_cast %swap3A_121 : vector<1x4x128xf32> to vector<4x128xf32>
      %swap3A_123 = vector.shape_cast %add3A_64 : vector<4x128xf32> to vector<1x4x128xf32>
      tpu.vector_store %arg17[%swap3A, %swap3A_119, %swap3A_120], %swap3A_123 {strides = array<i32>} : memref<64x4x256xf32, #tpu.memory_space<vmem>>, vector<1x4x128xf32>,
      %swap3A_124 = arith.index_cast %sub3A_17 : i32 to index
      %swap3A_125 = arith.constant 0 : index
      %swap3A_126 = arith.constant 128 : index
      %swap3A_127 = vector.load %arg17[%swap3A_124, %swap3A_125, %swap3A_126] : memref<64x4x256xf32, #tpu.memory_space<vmem>>, vector<1x4x128xf32>
      %swap3A_128 = vector.shape_cast %swap3A_127 : vector<1x4x128xf32> to vector<4x128xf32>
      %swap3A_129 = vector.shape_cast %add3A_118 : vector<4x128xf32> to vector<1x4x128xf32>
      tpu.vector_store %arg17[%swap3A_124, %swap3A_125, %swap3A_126], %swap3A_129 {strides = array<i32>} : memref<64x4x256xf32, #tpu.memory_space<vmem>>, vector<1x4x128xf32>,
      scf.yield %add3A_64, %add3A_118 : vector<4x128xf32>, vector<4x128xf32>
    }
    %scan3A_13 = arith.constant 64 : i32
    return
  }
}

module attributes {stable_mosaic.version = 14 : i64} {
  func.func @_rnn2_body(%arg0: i32, %arg1: memref<1x256x1xi32, #tpu.memory_space<vmem>>, %arg2: memref<256x256xf32, #tpu.memory_space<vmem>>, %arg3: memref<256x1536xf32, #tpu.memory_space<vmem>>, %arg4: memref<256x1536xf32, #tpu.memory_space<vmem>>, %arg5: memref<1x1536xf32, #tpu.memory_space<vmem>>, %arg6: memref<512x256xf32, #tpu.memory_space<vmem>>, %arg7: memref<512x512xf32, #tpu.memory_space<vmem>>, %arg8: memref<512x512xf32, #tpu.memory_space<vmem>>, %arg9: memref<512x512xf32, #tpu.memory_space<vmem>>, %arg10: memref<1x1536xf32, #tpu.memory_space<vmem>>, %arg11: memref<512x256xf32, #tpu.memory_space<vmem>>, %arg12: memref<1x256xf32, #tpu.memory_space<vmem>>, %arg13: memref<256x256xf32, #tpu.memory_space<vmem>>, %arg14: memref<1x256xf32, #tpu.memory_space<vmem>>, %arg15: memref<1x256x256xf32, #tpu.memory_space<vmem>>, %arg16: memref<256x1536xf32, #tpu.memory_space<vmem>>, %arg17: memref<512x1536xf32, #tpu.memory_space<vmem>>, %arg18: memref<256x1536xf32, #tpu.memory_space<vmem>>, %arg19: memref<256x512xf32, #tpu.memory_space<vmem>>, %arg20: memref<4x512xf32, #tpu.memory_space<vmem>>) attributes {dimension_semantics = [#tpu.dimension_semantics<arbitrary>], iteration_bounds = array<i64: 64>, scalar_prefetch = 0 : i64, scratch_operands = 5 : i64, tpu.core_type = #tpu.core_type<tc>, window_params = [{transform_indices = @transform_0, window_bounds = array<i64: 1, 256, 1>}, {pipeline_mode = #tpu.pipeline_mode<synchronous>, transform_indices = @transform_1, window_bounds = array<i64: 256, 256>}, {pipeline_mode = #tpu.pipeline_mode<synchronous>, transform_indices = @transform_2, window_bounds = array<i64: 256, 1536>}, {pipeline_mode = #tpu.pipeline_mode<synchronous>, transform_indices = @transform_3, window_bounds = array<i64: 256, 1536>}, {pipeline_mode = #tpu.pipeline_mode<synchronous>, transform_indices = @transform_4, window_bounds = array<i64: 1, 1536>}, {pipeline_mode = #tpu.pipeline_mode<synchronous>, transform_indices = @transform_5, window_bounds = array<i64: 512, 256>}, {pipeline_mode = #tpu.pipeline_mode<synchronous>, transform_indices = @transform_6, window_bounds = array<i64: 512, 512>}, {pipeline_mode = #tpu.pipeline_mode<synchronous>, transform_indices = @transform_7, window_bounds = array<i64: 512, 512>}, {pipeline_mode = #tpu.pipeline_mode<synchronous>, transform_indices = @transform_8, window_bounds = array<i64: 512, 512>}, {pipeline_mode = #tpu.pipeline_mode<synchronous>, transform_indices = @transform_9, window_bounds = array<i64: 1, 1536>}, {pipeline_mode = #tpu.pipeline_mode<synchronous>, transform_indices = @transform_10, window_bounds = array<i64: 512, 256>}, {pipeline_mode = #tpu.pipeline_mode<synchronous>, transform_indices = @transform_11, window_bounds = array<i64: 1, 256>}, {pipeline_mode = #tpu.pipeline_mode<synchronous>, transform_indices = @transform_12, window_bounds = array<i64: 256, 256>}, {pipeline_mode = #tpu.pipeline_mode<synchronous>, transform_indices = @transform_13, window_bounds = array<i64: 1, 256>}, {transform_indices = @transform_14, window_bounds = array<i64: 1, 256, 256>}]} {
    %eq3A = arith.constant 0 : i32
    %eq3A_0 = arith.cmpi eq, %arg0, %eq3A : i32
    %convert_element_type3A = arith.extui %eq3A_0 : i1 to i32
    %cond3A = arith.constant 0 : i32
    %cond3A_1 = arith.cmpi ne, %convert_element_type3A, %cond3A : i32
    scf.if %cond3A_1 {
      %get3A_61 = arith.constant 0 : index
      %get3A_62 = arith.constant 0 : index
      %get3A_63 = vector.load %arg2[%get3A_61, %get3A_62] : memref<256x256xf32, #tpu.memory_space<vmem>>, vector<256x256xf32>
      %get3A_64 = arith.constant 0 : index
      %get3A_65 = arith.constant 0 : index
      %get3A_66 = vector.load %arg3[%get3A_64, %get3A_65] : memref<256x1536xf32, #tpu.memory_space<vmem>>, vector<256x1536xf32>
      %dot_general3A_67 = arith.constant dense<0.000000e+00> : vector<256x1536xf32>
      %dot_general3A_68 = tpu.matmul %get3A_63, %get3A_66, %dot_general3A_67 {dimension_numbers = #tpu.dot_dimension_numbers<[1], [0], [0], [1], [0, 0, 1, 1], [], []>, transpose_lhs_hint = false} : vector<256x256xf32>, vector<256x1536xf32>, vector<256x1536xf32> -> vector<256x1536xf32>
      %swap3A_69 = arith.constant 0 : index
      %swap3A_70 = arith.constant 0 : index
      %swap3A_71 = vector.load %arg16[%swap3A_69, %swap3A_70] : memref<256x1536xf32, #tpu.memory_space<vmem>>, vector<256x1536xf32>
      tpu.vector_store %arg16[%swap3A_69, %swap3A_70], %dot_general3A_68 {strides = array<i32>} : memref<256x1536xf32, #tpu.memory_space<vmem>>, vector<256x1536xf32>,
      %get3A_72 = arith.constant 0 : index
      %get3A_73 = arith.constant 0 : index
      %get3A_74 = vector.load %arg6[%get3A_72, %get3A_73] : memref<512x256xf32, #tpu.memory_space<vmem>>, vector<512x256xf32>
      %get3A_75 = arith.constant 0 : index
      %get3A_76 = arith.constant 0 : index
      %get3A_77 = vector.load %arg4[%get3A_75, %get3A_76] : memref<256x1536xf32, #tpu.memory_space<vmem>>, vector<256x1536xf32>
      %dot_general3A_78 = arith.constant dense<0.000000e+00> : vector<512x1536xf32>
      %dot_general3A_79 = tpu.matmul %get3A_74, %get3A_77, %dot_general3A_78 {dimension_numbers = #tpu.dot_dimension_numbers<[1], [0], [0], [1], [0, 0, 1, 1], [], []>, transpose_lhs_hint = false} : vector<512x256xf32>, vector<256x1536xf32>, vector<512x1536xf32> -> vector<512x1536xf32>
      %get3A_80 = arith.constant 0 : index
      %get3A_81 = arith.constant 0 : index
      %get3A_82 = vector.load %arg5[%get3A_80, %get3A_81] : memref<1x1536xf32, #tpu.memory_space<vmem>>, vector<1x1536xf32>
      %add3A_83 = vector.broadcast %get3A_82 : vector<1x1536xf32> to vector<512x1536xf32>
      %add3A_84 = arith.addf %dot_general3A_79, %add3A_83 : vector<512x1536xf32>
      %swap3A_85 = arith.constant 0 : index
      %swap3A_86 = arith.constant 0 : index
      %swap3A_87 = vector.load %arg17[%swap3A_85, %swap3A_86] : memref<512x1536xf32, #tpu.memory_space<vmem>>, vector<512x1536xf32>
      tpu.vector_store %arg17[%swap3A_85, %swap3A_86], %add3A_84 {strides = array<i32>} : memref<512x1536xf32, #tpu.memory_space<vmem>>, vector<512x1536xf32>,
      %broadcast_in_dim3A = arith.constant 0.000000e+00 : f32
      %broadcast_in_dim3A_88 = vector.broadcast %broadcast_in_dim3A : f32 to vector<4x512xf32>
      %swap3A_89 = arith.constant 0 : index
      %swap3A_90 = arith.constant 0 : index
      %swap3A_91 = vector.load %arg20[%swap3A_89, %swap3A_90] : memref<4x512xf32, #tpu.memory_space<vmem>>, vector<4x512xf32>
      tpu.vector_store %arg20[%swap3A_89, %swap3A_90], %broadcast_in_dim3A_88 {strides = array<i32>} : memref<4x512xf32, #tpu.memory_space<vmem>>, vector<4x512xf32>,
    } else {
    }
    %get3A = arith.constant 0 : index
    %get3A_2 = arith.constant 0 : index
    %get3A_3 = arith.constant 0 : index
    %get3A_4 = vector.load %arg1[%get3A, %get3A_2, %get3A_3] : memref<1x256x1xi32, #tpu.memory_space<vmem>>, vector<1x256x1xi32>
    %get3A_5 = vector.shape_cast %get3A_4 : vector<1x256x1xi32> to vector<256x1xi32>
    %iota3A = tpu.iota {dimensions = array<i32: 1>} : vector<256x256xi32>
    %eq3A_6 = vector.broadcast %get3A_5 : vector<256x1xi32> to vector<256x256xi32>
    %eq3A_7 = arith.cmpi eq, %eq3A_6, %iota3A : vector<256x256xi32>
    %convert_element_type3A_8 = arith.extui %eq3A_7 : vector<256x256xi1> to vector<256x256xi32>
    %convert_element_type3A_9 = arith.sitofp %convert_element_type3A_8 : vector<256x256xi32> to vector<256x256xf32>
    %get3A_10 = arith.constant 0 : index
    %get3A_11 = arith.constant 0 : index
    %get3A_12 = vector.load %arg16[%get3A_10, %get3A_11] : memref<256x1536xf32, #tpu.memory_space<vmem>>, vector<256x1536xf32>
    %dot_general3A = arith.constant dense<0.000000e+00> : vector<256x1536xf32>
    %dot_general3A_13 = tpu.matmul %convert_element_type3A_9, %get3A_12, %dot_general3A {dimension_numbers = #tpu.dot_dimension_numbers<[1], [0], [0], [1], [0, 0, 1, 1], [], []>, transpose_lhs_hint = false} : vector<256x256xf32>, vector<256x1536xf32>, vector<256x1536xf32> -> vector<256x1536xf32>
    %swap3A = arith.constant 0 : index
    %swap3A_14 = arith.constant 0 : index
    %swap3A_15 = vector.load %arg18[%swap3A, %swap3A_14] : memref<256x1536xf32, #tpu.memory_space<vmem>>, vector<256x1536xf32>
    tpu.vector_store %arg18[%swap3A, %swap3A_14], %dot_general3A_13 {strides = array<i32>} : memref<256x1536xf32, #tpu.memory_space<vmem>>, vector<256x1536xf32>,
    %mul3A = arith.constant 8 : i32
    %mul3A_16 = arith.muli %arg0, %mul3A : i32
    %multiple_of3A = tpu.assume_multiple %mul3A_16, 8 : i32
    %get3A_17 = arith.index_cast %multiple_of3A : i32 to index
    %get3A_18 = arith.constant 0 : index
    %get3A_19 = vector.load %arg17[%get3A_17, %get3A_18] : memref<512x1536xf32, #tpu.memory_space<vmem>>, vector<4x1536xf32>
    %get3A_20 = arith.constant 0 : index
    %get3A_21 = arith.constant 0 : index
    %get3A_22 = vector.load %arg20[%get3A_20, %get3A_21] : memref<4x512xf32, #tpu.memory_space<vmem>>, vector<4x512xf32>
    %scan3A = arith.constant 0 : i32
    %scan3A_23 = arith.constant 32 : i32
    %scan3A_24 = arith.addi %scan3A, %scan3A_23 : i32
    %scan3A_25 = arith.constant 1 : i32
    %scan3A_26 = scf.for %scan3A_61 = %scan3A to %scan3A_24 step %scan3A_25 iter_args(%scan3A_62 = %get3A_22) -> (vector<4x512xf32>)  : i32 {
      %mul3A_63 = arith.constant 8 : i32
      %mul3A_64 = arith.muli %scan3A_61, %mul3A_63 : i32
      %multiple_of3A_65 = tpu.assume_multiple %mul3A_64, 8 : i32
      %get3A_66 = arith.index_cast %multiple_of3A_65 : i32 to index
      %get3A_67 = arith.constant 0 : index
      %get3A_68 = vector.load %arg18[%get3A_66, %get3A_67] : memref<256x1536xf32, #tpu.memory_space<vmem>>, vector<8x1536xf32>
      %slice3A = vector.extract_strided_slice %get3A_68 {offsets = [0, 0], sizes = [4, 1536], strides = [1, 1]} : vector<8x1536xf32> to vector<4x1536xf32>
      %add3A_69 = arith.addf %slice3A, %get3A_19 : vector<4x1536xf32>
      %get3A_70 = arith.constant 0 : index
      %get3A_71 = arith.constant 0 : index
      %get3A_72 = vector.load %arg7[%get3A_70, %get3A_71] : memref<512x512xf32, #tpu.memory_space<vmem>>, vector<512x512xf32>
      %dot_general3A_73 = arith.constant dense<0.000000e+00> : vector<4x512xf32>
      %dot_general3A_74 = tpu.matmul %scan3A_62, %get3A_72, %dot_general3A_73 {dimension_numbers = #tpu.dot_dimension_numbers<[1], [0], [0], [1], [0, 0, 1, 1], [], []>, transpose_lhs_hint = false} : vector<4x512xf32>, vector<512x512xf32>, vector<4x512xf32> -> vector<4x512xf32>
      %get3A_75 = arith.constant 0 : index
      %get3A_76 = arith.constant 0 : index
      %get3A_77 = vector.load %arg10[%get3A_75, %get3A_76] : memref<1x1536xf32, #tpu.memory_space<vmem>>, vector<1x512xf32>
      %add3A_78 = vector.broadcast %get3A_77 : vector<1x512xf32> to vector<4x512xf32>
      %add3A_79 = arith.addf %dot_general3A_74, %add3A_78 : vector<4x512xf32>
      %get3A_80 = arith.constant 0 : index
      %get3A_81 = arith.constant 0 : index
      %get3A_82 = vector.load %arg8[%get3A_80, %get3A_81] : memref<512x512xf32, #tpu.memory_space<vmem>>, vector<512x512xf32>
      %dot_general3A_83 = arith.constant dense<0.000000e+00> : vector<4x512xf32>
      %dot_general3A_84 = tpu.matmul %scan3A_62, %get3A_82, %dot_general3A_83 {dimension_numbers = #tpu.dot_dimension_numbers<[1], [0], [0], [1], [0, 0, 1, 1], [], []>, transpose_lhs_hint = false} : vector<4x512xf32>, vector<512x512xf32>, vector<4x512xf32> -> vector<4x512xf32>
      %get3A_85 = arith.constant 0 : index
      %get3A_86 = arith.constant 512 : index
      %get3A_87 = vector.load %arg10[%get3A_85, %get3A_86] : memref<1x1536xf32, #tpu.memory_space<vmem>>, vector<1x512xf32>
      %add3A_88 = vector.broadcast %get3A_87 : vector<1x512xf32> to vector<4x512xf32>
      %add3A_89 = arith.addf %dot_general3A_84, %add3A_88 : vector<4x512xf32>
      %get3A_90 = arith.constant 0 : index
      %get3A_91 = arith.constant 0 : index
      %get3A_92 = vector.load %arg9[%get3A_90, %get3A_91] : memref<512x512xf32, #tpu.memory_space<vmem>>, vector<512x512xf32>
      %dot_general3A_93 = arith.constant dense<0.000000e+00> : vector<4x512xf32>
      %dot_general3A_94 = tpu.matmul %scan3A_62, %get3A_92, %dot_general3A_93 {dimension_numbers = #tpu.dot_dimension_numbers<[1], [0], [0], [1], [0, 0, 1, 1], [], []>, transpose_lhs_hint = false} : vector<4x512xf32>, vector<512x512xf32>, vector<4x512xf32> -> vector<4x512xf32>
      %get3A_95 = arith.constant 0 : index
      %get3A_96 = arith.constant 1024 : index
      %get3A_97 = vector.load %arg10[%get3A_95, %get3A_96] : memref<1x1536xf32, #tpu.memory_space<vmem>>, vector<1x512xf32>
      %add3A_98 = vector.broadcast %get3A_97 : vector<1x512xf32> to vector<4x512xf32>
      %add3A_99 = arith.addf %dot_general3A_94, %add3A_98 : vector<4x512xf32>
      %slice3A_100 = vector.extract_strided_slice %add3A_69 {offsets = [0, 0], sizes = [4, 512], strides = [1, 1]} : vector<4x1536xf32> to vector<4x512xf32>
      %add3A_101 = arith.addf %slice3A_100, %add3A_79 : vector<4x512xf32>
      %logistic3A = arith.negf %add3A_101 : vector<4x512xf32>
      %logistic3A_102 = math.exp %logistic3A : vector<4x512xf32>
      %logistic3A_103 = arith.constant 1.000000e+00 : f32
      %logistic3A_104 = vector.broadcast %logistic3A_103 : f32 to vector<4x512xf32>
      %logistic3A_105 = arith.addf %logistic3A_104, %logistic3A_102 : vector<4x512xf32>
      %logistic3A_106 = arith.divf %logistic3A_104, %logistic3A_105 : vector<4x512xf32>
      %slice3A_107 = vector.extract_strided_slice %add3A_69 {offsets = [0, 512], sizes = [4, 512], strides = [1, 1]} : vector<4x1536xf32> to vector<4x512xf32>
      %add3A_108 = arith.addf %slice3A_107, %add3A_89 : vector<4x512xf32>
      %logistic3A_109 = arith.negf %add3A_108 : vector<4x512xf32>
      %logistic3A_110 = math.exp %logistic3A_109 : vector<4x512xf32>
      %logistic3A_111 = arith.constant 1.000000e+00 : f32
      %logistic3A_112 = vector.broadcast %logistic3A_111 : f32 to vector<4x512xf32>
      %logistic3A_113 = arith.addf %logistic3A_112, %logistic3A_110 : vector<4x512xf32>
      %logistic3A_114 = arith.divf %logistic3A_112, %logistic3A_113 : vector<4x512xf32>
      %slice3A_115 = vector.extract_strided_slice %add3A_69 {offsets = [0, 1024], sizes = [4, 512], strides = [1, 1]} : vector<4x1536xf32> to vector<4x512xf32>
      %mul3A_116 = arith.mulf %logistic3A_106, %add3A_99 : vector<4x512xf32>
      %add3A_117 = arith.addf %slice3A_115, %mul3A_116 : vector<4x512xf32>
      %tanh3A = math.tanh %add3A_117 : vector<4x512xf32>
      %sub3A = arith.constant 1.000000e+00 : f32
      %sub3A_118 = vector.broadcast %sub3A : f32 to vector<4x512xf32>
      %sub3A_119 = arith.subf %sub3A_118, %logistic3A_114 : vector<4x512xf32>
      %mul3A_120 = arith.mulf %sub3A_119, %tanh3A : vector<4x512xf32>
      %mul3A_121 = arith.mulf %logistic3A_114, %scan3A_62 : vector<4x512xf32>
      %add3A_122 = arith.addf %mul3A_120, %mul3A_121 : vector<4x512xf32>
      %slice3A_123 = vector.extract_strided_slice %get3A_68 {offsets = [4, 0], sizes = [4, 1536], strides = [1, 1]} : vector<8x1536xf32> to vector<4x1536xf32>
      %add3A_124 = arith.addf %slice3A_123, %get3A_19 : vector<4x1536xf32>
      %get3A_125 = arith.constant 0 : index
      %get3A_126 = arith.constant 0 : index
      %get3A_127 = vector.load %arg7[%get3A_125, %get3A_126] : memref<512x512xf32, #tpu.memory_space<vmem>>, vector<512x512xf32>
      %dot_general3A_128 = arith.constant dense<0.000000e+00> : vector<4x512xf32>
      %dot_general3A_129 = tpu.matmul %add3A_122, %get3A_127, %dot_general3A_128 {dimension_numbers = #tpu.dot_dimension_numbers<[1], [0], [0], [1], [0, 0, 1, 1], [], []>, transpose_lhs_hint = false} : vector<4x512xf32>, vector<512x512xf32>, vector<4x512xf32> -> vector<4x512xf32>
      %get3A_130 = arith.constant 0 : index
      %get3A_131 = arith.constant 0 : index
      %get3A_132 = vector.load %arg10[%get3A_130, %get3A_131] : memref<1x1536xf32, #tpu.memory_space<vmem>>, vector<1x512xf32>
      %add3A_133 = vector.broadcast %get3A_132 : vector<1x512xf32> to vector<4x512xf32>
      %add3A_134 = arith.addf %dot_general3A_129, %add3A_133 : vector<4x512xf32>
      %get3A_135 = arith.constant 0 : index
      %get3A_136 = arith.constant 0 : index
      %get3A_137 = vector.load %arg8[%get3A_135, %get3A_136] : memref<512x512xf32, #tpu.memory_space<vmem>>, vector<512x512xf32>
      %dot_general3A_138 = arith.constant dense<0.000000e+00> : vector<4x512xf32>
      %dot_general3A_139 = tpu.matmul %add3A_122, %get3A_137, %dot_general3A_138 {dimension_numbers = #tpu.dot_dimension_numbers<[1], [0], [0], [1], [0, 0, 1, 1], [], []>, transpose_lhs_hint = false} : vector<4x512xf32>, vector<512x512xf32>, vector<4x512xf32> -> vector<4x512xf32>
      %get3A_140 = arith.constant 0 : index
      %get3A_141 = arith.constant 512 : index
      %get3A_142 = vector.load %arg10[%get3A_140, %get3A_141] : memref<1x1536xf32, #tpu.memory_space<vmem>>, vector<1x512xf32>
      %add3A_143 = vector.broadcast %get3A_142 : vector<1x512xf32> to vector<4x512xf32>
      %add3A_144 = arith.addf %dot_general3A_139, %add3A_143 : vector<4x512xf32>
      %get3A_145 = arith.constant 0 : index
      %get3A_146 = arith.constant 0 : index
      %get3A_147 = vector.load %arg9[%get3A_145, %get3A_146] : memref<512x512xf32, #tpu.memory_space<vmem>>, vector<512x512xf32>
      %dot_general3A_148 = arith.constant dense<0.000000e+00> : vector<4x512xf32>
      %dot_general3A_149 = tpu.matmul %add3A_122, %get3A_147, %dot_general3A_148 {dimension_numbers = #tpu.dot_dimension_numbers<[1], [0], [0], [1], [0, 0, 1, 1], [], []>, transpose_lhs_hint = false} : vector<4x512xf32>, vector<512x512xf32>, vector<4x512xf32> -> vector<4x512xf32>
      %get3A_150 = arith.constant 0 : index
      %get3A_151 = arith.constant 1024 : index
      %get3A_152 = vector.load %arg10[%get3A_150, %get3A_151] : memref<1x1536xf32, #tpu.memory_space<vmem>>, vector<1x512xf32>
      %add3A_153 = vector.broadcast %get3A_152 : vector<1x512xf32> to vector<4x512xf32>
      %add3A_154 = arith.addf %dot_general3A_149, %add3A_153 : vector<4x512xf32>
      %slice3A_155 = vector.extract_strided_slice %add3A_124 {offsets = [0, 0], sizes = [4, 512], strides = [1, 1]} : vector<4x1536xf32> to vector<4x512xf32>
      %add3A_156 = arith.addf %slice3A_155, %add3A_134 : vector<4x512xf32>
      %logistic3A_157 = arith.negf %add3A_156 : vector<4x512xf32>
      %logistic3A_158 = math.exp %logistic3A_157 : vector<4x512xf32>
      %logistic3A_159 = arith.constant 1.000000e+00 : f32
      %logistic3A_160 = vector.broadcast %logistic3A_159 : f32 to vector<4x512xf32>
      %logistic3A_161 = arith.addf %logistic3A_160, %logistic3A_158 : vector<4x512xf32>
      %logistic3A_162 = arith.divf %logistic3A_160, %logistic3A_161 : vector<4x512xf32>
      %slice3A_163 = vector.extract_strided_slice %add3A_124 {offsets = [0, 512], sizes = [4, 512], strides = [1, 1]} : vector<4x1536xf32> to vector<4x512xf32>
      %add3A_164 = arith.addf %slice3A_163, %add3A_144 : vector<4x512xf32>
      %logistic3A_165 = arith.negf %add3A_164 : vector<4x512xf32>
      %logistic3A_166 = math.exp %logistic3A_165 : vector<4x512xf32>
      %logistic3A_167 = arith.constant 1.000000e+00 : f32
      %logistic3A_168 = vector.broadcast %logistic3A_167 : f32 to vector<4x512xf32>
      %logistic3A_169 = arith.addf %logistic3A_168, %logistic3A_166 : vector<4x512xf32>
      %logistic3A_170 = arith.divf %logistic3A_168, %logistic3A_169 : vector<4x512xf32>
      %slice3A_171 = vector.extract_strided_slice %add3A_124 {offsets = [0, 1024], sizes = [4, 512], strides = [1, 1]} : vector<4x1536xf32> to vector<4x512xf32>
      %mul3A_172 = arith.mulf %logistic3A_162, %add3A_154 : vector<4x512xf32>
      %add3A_173 = arith.addf %slice3A_171, %mul3A_172 : vector<4x512xf32>
      %tanh3A_174 = math.tanh %add3A_173 : vector<4x512xf32>
      %sub3A_175 = arith.constant 1.000000e+00 : f32
      %sub3A_176 = vector.broadcast %sub3A_175 : f32 to vector<4x512xf32>
      %sub3A_177 = arith.subf %sub3A_176, %logistic3A_170 : vector<4x512xf32>
      %mul3A_178 = arith.mulf %sub3A_177, %tanh3A_174 : vector<4x512xf32>
      %mul3A_179 = arith.mulf %logistic3A_170, %add3A_122 : vector<4x512xf32>
      %add3A_180 = arith.addf %mul3A_178, %mul3A_179 : vector<4x512xf32>
      %concatenate3A = tpu.concatenate %add3A_122, %add3A_180 in 0 : vector<4x512xf32>, vector<4x512xf32> -> vector<8x512xf32>
      %swap3A_181 = arith.index_cast %multiple_of3A_65 : i32 to index
      %swap3A_182 = arith.constant 0 : index
      %swap3A_183 = vector.load %arg19[%swap3A_181, %swap3A_182] : memref<256x512xf32, #tpu.memory_space<vmem>>, vector<8x512xf32>
      tpu.vector_store %arg19[%swap3A_181, %swap3A_182], %concatenate3A {strides = array<i32>} : memref<256x512xf32, #tpu.memory_space<vmem>>, vector<8x512xf32>,
      scf.yield %add3A_180 : vector<4x512xf32>
    }
    %scan3A_27 = arith.constant 32 : i32
    %swap3A_28 = arith.constant 0 : index
    %swap3A_29 = arith.constant 0 : index
    %swap3A_30 = vector.load %arg20[%swap3A_28, %swap3A_29] : memref<4x512xf32, #tpu.memory_space<vmem>>, vector<4x512xf32>
    tpu.vector_store %arg20[%swap3A_28, %swap3A_29], %scan3A_26 {strides = array<i32>} : memref<4x512xf32, #tpu.memory_space<vmem>>, vector<4x512xf32>,
    %get3A_31 = arith.constant 0 : index
    %get3A_32 = arith.constant 0 : index
    %get3A_33 = vector.load %arg19[%get3A_31, %get3A_32] : memref<256x512xf32, #tpu.memory_space<vmem>>, vector<256x512xf32>
    %get3A_34 = arith.constant 0 : index
    %get3A_35 = arith.constant 0 : index
    %get3A_36 = vector.load %arg11[%get3A_34, %get3A_35] : memref<512x256xf32, #tpu.memory_space<vmem>>, vector<512x256xf32>
    %dot_general3A_37 = arith.constant dense<0.000000e+00> : vector<256x256xf32>
    %dot_general3A_38 = tpu.matmul %get3A_33, %get3A_36, %dot_general3A_37 {dimension_numbers = #tpu.dot_dimension_numbers<[1], [0], [0], [1], [0, 0, 1, 1], [], []>, transpose_lhs_hint = false} : vector<256x512xf32>, vector<512x256xf32>, vector<256x256xf32> -> vector<256x256xf32>
    %get3A_39 = arith.constant 0 : index
    %get3A_40 = arith.constant 0 : index
    %get3A_41 = vector.load %arg12[%get3A_39, %get3A_40] : memref<1x256xf32, #tpu.memory_space<vmem>>, vector<1x256xf32>
    %add3A = vector.broadcast %get3A_41 : vector<1x256xf32> to vector<256x256xf32>
    %add3A_42 = arith.addf %dot_general3A_38, %add3A : vector<256x256xf32>
    %max3A = arith.constant 0.000000e+00 : f32
    %max3A_43 = vector.broadcast %max3A : f32 to vector<256x256xf32>
    %max3A_44 = arith.maximumf %add3A_42, %max3A_43 : vector<256x256xf32>
    %get3A_45 = arith.constant 0 : index
    %get3A_46 = arith.constant 0 : index
    %get3A_47 = vector.load %arg13[%get3A_45, %get3A_46] : memref<256x256xf32, #tpu.memory_space<vmem>>, vector<256x256xf32>
    %dot_general3A_48 = arith.constant dense<0.000000e+00> : vector<256x256xf32>
    %dot_general3A_49 = tpu.matmul %max3A_44, %get3A_47, %dot_general3A_48 {dimension_numbers = #tpu.dot_dimension_numbers<[1], [0], [0], [1], [0, 0, 1, 1], [], []>, transpose_lhs_hint = false} : vector<256x256xf32>, vector<256x256xf32>, vector<256x256xf32> -> vector<256x256xf32>
    %get3A_50 = arith.constant 0 : index
    %get3A_51 = arith.constant 0 : index
    %get3A_52 = vector.load %arg14[%get3A_50, %get3A_51] : memref<1x256xf32, #tpu.memory_space<vmem>>, vector<1x256xf32>
    %add3A_53 = vector.broadcast %get3A_52 : vector<1x256xf32> to vector<256x256xf32>
    %add3A_54 = arith.addf %dot_general3A_49, %add3A_53 : vector<256x256xf32>
    %swap3A_55 = arith.constant 0 : index
    %swap3A_56 = arith.constant 0 : index
    %swap3A_57 = arith.constant 0 : index
    %swap3A_58 = vector.load %arg15[%swap3A_55, %swap3A_56, %swap3A_57] : memref<1x256x256xf32, #tpu.memory_space<vmem>>, vector<1x256x256xf32>
    %swap3A_59 = vector.shape_cast %swap3A_58 : vector<1x256x256xf32> to vector<256x256xf32>
    %swap3A_60 = vector.shape_cast %add3A_54 : vector<256x256xf32> to vector<1x256x256xf32>
    tpu.vector_store %arg15[%swap3A_55, %swap3A_56, %swap3A_57], %swap3A_60 {strides = array<i32>} : memref<1x256x256xf32, #tpu.memory_space<vmem>>, vector<1x256x256xf32>,
    return
  }
  func.func @transform_0(%arg0: i32) -> (i32, i32, i32) {
    %c0_i32 = arith.constant 0 : i32
    %c0_i32_0 = arith.constant 0 : i32
    %c0_i32_1 = arith.constant 0 : i32
    return %arg0, %c0_i32, %c0_i32_0 : i32, i32, i32
  }
  func.func @transform_1(%arg0: i32) -> (i32, i32) {
    %c0_i32 = arith.constant 0 : i32
    %c0_i32_0 = arith.constant 0 : i32
    %c0_i32_1 = arith.constant 0 : i32
    return %c0_i32, %c0_i32_0 : i32, i32
  }
  func.func @transform_2(%arg0: i32) -> (i32, i32) {
    %c0_i32 = arith.constant 0 : i32
    %c0_i32_0 = arith.constant 0 : i32
    %c0_i32_1 = arith.constant 0 : i32
    return %c0_i32, %c0_i32_0 : i32, i32
  }
  func.func @transform_3(%arg0: i32) -> (i32, i32) {
    %c0_i32 = arith.constant 0 : i32
    %c0_i32_0 = arith.constant 0 : i32
    %c0_i32_1 = arith.constant 0 : i32
    return %c0_i32, %c0_i32_0 : i32, i32
  }
  func.func @transform_4(%arg0: i32) -> (i32, i32) {
    %c0_i32 = arith.constant 0 : i32
    %c0_i32_0 = arith.constant 0 : i32
    %c0_i32_1 = arith.constant 0 : i32
    return %c0_i32, %c0_i32_0 : i32, i32
  }
  func.func @transform_5(%arg0: i32) -> (i32, i32) {
    %c0_i32 = arith.constant 0 : i32
    %c0_i32_0 = arith.constant 0 : i32
    %c0_i32_1 = arith.constant 0 : i32
    return %c0_i32, %c0_i32_0 : i32, i32
  }
  func.func @transform_6(%arg0: i32) -> (i32, i32) {
    %c0_i32 = arith.constant 0 : i32
    %c0_i32_0 = arith.constant 0 : i32
    %c0_i32_1 = arith.constant 0 : i32
    return %c0_i32, %c0_i32_0 : i32, i32
  }
  func.func @transform_7(%arg0: i32) -> (i32, i32) {
    %c0_i32 = arith.constant 0 : i32
    %c0_i32_0 = arith.constant 0 : i32
    %c0_i32_1 = arith.constant 0 : i32
    return %c0_i32, %c0_i32_0 : i32, i32
  }
  func.func @transform_8(%arg0: i32) -> (i32, i32) {
    %c0_i32 = arith.constant 0 : i32
    %c0_i32_0 = arith.constant 0 : i32
    %c0_i32_1 = arith.constant 0 : i32
    return %c0_i32, %c0_i32_0 : i32, i32
  }
  func.func @transform_9(%arg0: i32) -> (i32, i32) {
    %c0_i32 = arith.constant 0 : i32
    %c0_i32_0 = arith.constant 0 : i32
    %c0_i32_1 = arith.constant 0 : i32
    return %c0_i32, %c0_i32_0 : i32, i32
  }
  func.func @transform_10(%arg0: i32) -> (i32, i32) {
    %c0_i32 = arith.constant 0 : i32
    %c0_i32_0 = arith.constant 0 : i32
    %c0_i32_1 = arith.constant 0 : i32
    return %c0_i32, %c0_i32_0 : i32, i32
  }
  func.func @transform_11(%arg0: i32) -> (i32, i32) {
    %c0_i32 = arith.constant 0 : i32
    %c0_i32_0 = arith.constant 0 : i32
    %c0_i32_1 = arith.constant 0 : i32
    return %c0_i32, %c0_i32_0 : i32, i32
  }
  func.func @transform_12(%arg0: i32) -> (i32, i32) {
    %c0_i32 = arith.constant 0 : i32
    %c0_i32_0 = arith.constant 0 : i32
    %c0_i32_1 = arith.constant 0 : i32
    return %c0_i32, %c0_i32_0 : i32, i32
  }
  func.func @transform_13(%arg0: i32) -> (i32, i32) {
    %c0_i32 = arith.constant 0 : i32
    %c0_i32_0 = arith.constant 0 : i32
    %c0_i32_1 = arith.constant 0 : i32
    return %c0_i32, %c0_i32_0 : i32, i32
  }
  func.func @transform_14(%arg0: i32) -> (i32, i32, i32) {
    %c0_i32 = arith.constant 0 : i32
    %c0_i32_0 = arith.constant 0 : i32
    %c0_i32_1 = arith.constant 0 : i32
    return %arg0, %c0_i32, %c0_i32_0 : i32, i32, i32
  }
}

</mosaic_0001>

<sc_bundles>
// kernel: kernel.6.cloned.1.call-start
scs
__scs_entry_jumppad:
0x0: {  	(pc) =	sbr.rel $0x88, $3  }
0x1: {  	(tag) =	ssettag $0x0;
	lr =	simm.s32 $0x1  }
0x2: {  	[smem:$0x3F72] =	sst lr;
	_ =	strace $0xD0000000  }
0x3: {  	_ = 	snop  }
0x4: {  	_ = 	snop  }
0x5: {  	_ = 	snop  }
0x6: {  	_ = 	snop  }
0x7: {  	_ = 	snop  }
__scs_overlays_trampoline_lowered:
0x8: {  	[smem:$0x3F81] =	sst s0  }
0x9: {  	[smem:$0x3F82] =	sst s1  }
0xa: {  	[smem:$0x3F83] =	sst s2  }
0xb: {  	[smem:$0x3F84] =	sst s3  }
0xc: {  	[smem:$0x3F85] =	sst s4  }
0xd: {  	[smem:$0x3F86] =	sst s5  }
0xe: {  	[smem:$0x3F87] =	sst s6  }
0xf: {  	[smem:$0x3F88] =	sst s7  }
0x10: {  	[smem:$0x3F89] =	sst s8  }
0x11: {  	[smem:$0x3F8A] =	sst s9;
	s0 =	simm.s32 @!p0 $0x0  }
0x12: {  	s1 =	sld [smem:$0x3F70];
	s0 =	simm.s32 @p0 $0x1  }
0x13: {  	[smem:$0x3F8B] =	sst s0;
	s0 =	simm.s32 @!p1 $0x0  }
0x14: {  	s2 =	sld [smem:$0x3F6F];
	s0 =	simm.s32 @p1 $0x1  }
0x15: {  	[smem:$0x3F8C] =	sst s0;
	s0 =	simm.s32 @!p2 $0x0  }
0x16: {  	s3 =	sld [smem:$0x3FDB];
	s0 =	simm.s32 @p2 $0x1  }
0x17: {  	s4 =	simm.s32 $0x1BF5;
	[smem:$0x3F8E] =	sst s0  }
0x18: {  	s0 =	sld [smem:$0x3F71];
	_ =	swait.ge [sflag:s4], $0x0  }
0x19: {  	s7 =	sld [smem:$0x3F72]  }
0x1a: {  	s8 =	sadd.s32 $0xFFFFE003, lr  }
0x1b: {  	s9 =	sadd.s32 $0xFFFFFEF7, lr;
	s5 =	simm.s32 $0xFFFFFFFF;
	p2 =	slt.u32 s8, $0xFFFFF086  }
0x1c: {  	p1 =	slt.u32 s9, $0xF7A;
	s5 =	simm.s32 @!p2 $0x0  }
0x1d: {  	s5 =	simm.s32 @p1 $0x1;
	p0 =	seq.s32 s7, s2  }
0x1e: {  	s7 =	smul.u32 @!p0 $0xF7A, s2;
	p2 =	seq.s32 @!p0 s5, $0x0  }
0x1f: {  	s9 =	smul.u32 $0xF7A, s1;
	s8 =	simm.s32 @!p0 $0x1BF5;
	p2 =	por !p2, p0  }
0x20: {  	[sflag:s8] =	ssyncset.s32 @!p0 $0xFFFFF086;
	s6 =	sadd.s32 @!p0 s3, s7;
	s7 =	simm.s32 @!p0 $0x108  }
0x21: {  	s3 =	sadd.s32 s3, s9;
	s6 =	sadd.s32 @!p0 $0x88, s6;
	s7 =	simm.s32 @p2 $0x1082  }
0x22: {  	[simem:s7], [sflag:s8] =	dma.local @!p0 [hbm:s6], $0xF7A  }
0x23: {  	s9 =	sor.u32 $0xD0000000, s2;
	s6 =	simm.s32 $0x108;
	_ =	swait.ge @!p0 [sflag:s8], $0x0  }
0x24: {  	s3 =	sadd.s32 $0x88, s3;
	s6 =	simm.s32 @!p1 $0x1082;
	[sflag:s4] =	ssyncset.s32 $0xFFFFF086  }
0x25: {  	[simem:s6], [sflag:s4] =	dma.local [hbm:s3], $0xF7A  }
0x26: {  	[smem:$0x3F72] =	sst s1;
	(tag) =	ssettag s2;
	_ =	strace s9  }
0x27: {  	s1 =	sld [smem:$0x3F82]  }
0x28: {  	s2 =	sld [smem:$0x3F83]  }
0x29: {  	s4 =	sld [smem:$0x3F85]  }
0x2a: {  	p0 =	seq.s32 s5, $0x0;
	s5 =	sld [smem:$0x3F86]  }
0x2b: {  	s6 =	sld [smem:$0x3F87]  }
0x2c: {  	s7 =	sld [smem:$0x3F88]  }
0x2d: {  	s3 =	simm.s32 $0x108;
	s8 =	sld [smem:$0x3F89]  }
0x2e: {  	s3 =	simm.s32 @!p0 $0x1082;
	s9 =	sld [smem:$0x3F8A]  }
0x2f: {  	lr =	sadd.s32 s0, s3;
	s0 =	sld [smem:$0x3F81]  }
0x30: {  	s3 =	sld [smem:$0x3F84]  }
0x31: {  	[smem:$0x3F8D] =	sst s10  }
0x32: {  	s10 =	sld [smem:$0x3F8B];
	_ =	sdelay $0x3  }
0x33: {  	p0 =	seq.s32 s10, $0x1;
	s10 =	sld [smem:$0x3F8D];
	_ =	sdelay $0x3  }
0x34: {  	[smem:$0x3F8D] =	sst s10  }
0x35: {  	s10 =	sld [smem:$0x3F8C];
	_ =	sdelay $0x3  }
0x36: {  	p1 =	seq.s32 s10, $0x1;
	s10 =	sld [smem:$0x3F8D];
	_ =	sdelay $0x3  }
0x37: {  	[smem:$0x3F8D] =	sst s10  }
0x38: {  	s10 =	sld [smem:$0x3F8E]  }
0x39: {  	_ = 	snop;
	(pc) =	sbr.ind lr, $3  }
0x3a: {  	_ = 	snop  }
0x3b: {  	_ = 	snop  }
0x3c: {  	p2 =	seq.s32 s10, $0x1;
	s10 =	sld [smem:$0x3F8D]  }
0x3d: {  	_ =	shalt  }
0x3e: {  	_ =	shalt  }
0x3f: {  	_ =	shalt  }
0x40: {  	_ =	shalt  }
0x41: {  	_ =	shalt  }
0x42: {  	_ =	shalt  }
0x43: {  	_ =	shalt  }
0x44: {  	_ =	shalt  }
0x45: {  	_ =	shalt  }
0x46: {  	_ =	shalt  }
0x47: {  	_ =	shalt  }
0x48: {  	_ =	shalt  }
0x49: {  	_ =	shalt  }
0x4a: {  	_ =	shalt  }
0x4b: {  	_ =	shalt  }
0x4c: {  	_ =	shalt  }
0x4d: {  	_ =	shalt  }
0x4e: {  	_ =	shalt  }
0x4f: {  	_ =	shalt  }
0x50: {  	_ =	shalt  }
0x51: {  	_ =	shalt  }
0x52: {  	_ =	shalt  }
0x53: {  	_ =	shalt  }
0x54: {  	_ =	shalt  }
0x55: {  	_ =	shalt  }
0x56: {  	_ =	shalt  }
0x57: {  	_ =	shalt  }
0x58: {  	_ =	shalt  }
0x59: {  	_ =	shalt  }
0x5a: {  	_ =	shalt  }
0x5b: {  	_ =	shalt  }
0x5c: {  	_ =	shalt  }
0x5d: {  	_ =	shalt  }
0x5e: {  	_ =	shalt  }
0x5f: {  	_ =	shalt  }
0x60: {  	_ =	shalt  }
0x61: {  	_ =	shalt  }
0x62: {  	_ =	shalt  }
0x63: {  	_ =	shalt  }
0x64: {  	_ =	shalt  }
0x65: {  	_ =	shalt  }
0x66: {  	_ =	shalt  }
0x67: {  	_ =	shalt  }
0x68: {  	_ =	shalt  }
0x69: {  	_ =	shalt  }
0x6a: {  	_ =	shalt  }
0x6b: {  	_ =	shalt  }
0x6c: {  	_ =	shalt  }
0x6d: {  	_ =	shalt  }
0x6e: {  	_ =	shalt  }
0x6f: {  	_ =	shalt  }
0x70: {  	_ =	shalt  }
0x71: {  	_ =	shalt  }
0x72: {  	_ =	shalt  }
0x73: {  	_ =	shalt  }
0x74: {  	_ =	shalt  }
0x75: {  	_ =	shalt  }
0x76: {  	_ =	shalt  }
0x77: {  	_ =	shalt  }
0x78: {  	_ =	shalt  }
0x79: {  	_ =	shalt  }
0x7a: {  	_ =	shalt  }
0x7b: {  	_ =	shalt  }
0x7c: {  	_ =	shalt  }
0x7d: {  	_ =	shalt  }
0x7e: {  	_ =	shalt  }
0x7f: {  	_ =	shalt  }
0x80: {  	_ =	shalt  }
0x81: {  	_ =	shalt  }
0x82: {  	_ =	shalt  }
0x83: {  	_ =	shalt  }
0x84: {  	_ =	shalt  }
0x85: {  	_ =	shalt  }
0x86: {  	_ =	shalt  }
0x87: {  	_ =	shalt  }
.Lfunc_end0:
.L_simem_size_0:
called_computation_lowered:
.L_overlay_start_0:
0x88: {  	s2 =	sld [smem:$0x3FD9]  }
0x89: {  	s3 =	sld [smem:$0x3FFE];
	_ =	sdelay $0x1  }
0x8a: {  	s1 =	srdreg.scid  }
0x8b: {  	s0 =	sand.u32 $0x1, s1  }
0x8c: {  	s16 =	sshll.u32 s0, $0xA;
	s2 =	sadd.s32 s3, s2  }
0x8d: {  	s2 =	sadd.s32 s2, s16  }
0x8e: {  	[smem:$0x3F99] =	sst s2  }
0x8f: {  	_ = 	snop  }
0x90: {  	(tm) =	ssettm $0x1  }
0x91: {  	s17 =	sld [smem:$0x3FFB];
	_ =	sdelay $0x3  }
0x92: {  	_ =	strace s17  }
0x93: {  	s2 =	sld [smem:$0x3FFC];
	_ =	sdelay $0x3  }
0x94: {  	_ =	strace s2  }
0x95: {  	s2 =	sld [smem:$0x3FFD];
	_ =	sdelay $0x3  }
0x96: {  	_ =	strace s2  }
0x97: {  	_ =	strace $0x8FFFFFFF  }
0x98: {  	s18 =	sld [smem:$0x3FDB];
	_ =	sdelay $0x1  }
0x99: {  	s19 =	simm.s32 $_scs_section_size  }
0x9a: {  	s4 =	simm.s32 $_size__tile_overlayer_lowered;
	s5 =	simm.s32 $_tile_overlayer_lowered  }
0x9b: {  	s22 =	simm.s32 $0x1BFF;
	s21 =	sshll.u32 s5, $0x1;
	s2 =	sadd.s32 s19, s18  }
0x9c: {  	s6 =	simm.s32 $0x0;
	s20 =	sshll.u32 s4, $0x1;
	s4 =	sadd.s32 s21, s2  }
0x9d: {  	[timem:s6], [sflag:s22] =	dma.local [hbm:s4], s20  }
0x9e: {  	_ =	swait.ge [sflag:s22], s20  }
0x9f: {  	s3 =	ssub.s32 $0x0, s20;
	[sflag:s22] =	ssyncset.done $0x0  }
0xa0: {  	[sflag:s22] =	ssyncadd.s32 s3;
	_ =	sdelay $0x1  }
0xa1: {  	s23 =	simm.s32 $0x1B8B  }
0xa2: {  	_ =	swait.ge [sflag:s23], $0x1  }
0xa3: {  	[sflag:s23] =	ssyncset.done $0x0  }
0xa4: {  	s25 =	simm.s32 $0x1B8E;
	s24 =	sld [smem:$0x3FFE];
	[sflag:s23] =	ssyncadd.s32 $0xFFFFFFFF  }
0xa5: {  	s26 =	simm.s32 $execute0_lowered;
	[smem:$0x3FD2] =	sst s25  }
0xa6: {  	s4 =	sshll.u32 s26, $0x1;
	_ =	strace $0x80000046;
	[dreg:$0x1] =	wrdreg $0xFFFFFFFF  }
0xa7: {  	s28 =	simm.s32 $_size_execute0_lowered;
	s2 =	sadd.s32 s2, s4;
	[dreg:$0x0] =	wrdreg $0x0  }
0xa8: {  	s4 =	sshll.u32 s28, $0x1;
	[dreg:$0x2] =	wrdreg s2  }
0xa9: {  	[dreg:$0x3] =	wrdreg s4  }
0xaa: {  	[dreg:$0x4] =	wrdreg $0xC0  }
0xab: {  	_ =	task [dreg:s6], $0x5FFFF  }
0xac: {  	[dreg:$0x1] =	wrdreg $0xFFFFFFFF  }
0xad: {  	[dreg:$0x0] =	wrdreg $0x60  }
0xae: {  	[dreg:$0x2] =	wrdreg s24  }
0xaf: {  	[dreg:$0x3] =	wrdreg $0x9  }
0xb0: {  	_ =	task.clear_ibuf [dreg:s6], $0x4FFFF;
	_ =	strace $0x90000046  }
0xb1: {  	s29 =	simm.s32 $0x9;
	_ =	strace $0x80000048  }
0xb2: {  	_ =	swait.ge [sflag:s29], $0x1  }
0xb3: {  	[sflag:s29] =	ssyncadd.s32 $0xFFFFFFFF  }
0xb4: {  	_ =	strace $0x90000048  }
0xb5: {  	_ =	sfence  }
0xb6: {  	s30 =	sld [smem:$0x0];
	_ =	sdelay $0x2  }
0xb7: {  	s31 =	sshll.u32 s1, $0xD;
	s1 =	sshrl.u32 s1, $0x2  }
0xb8: {  	s3 =	sand.u32 $0x4000, s31;
	s1 =	sadd.s32 s1, s30  }
0xb9: {  	s0 =	sor.u32 s3, s0;
	s1 =	sshll.u32 s1, $0x11  }
0xba: {  	s0 =	sor.u32 s1, s0  }
0xbb: {  	s0 =	sadd.s32 $0x8F2B, s0  }
0xbc: {  	[sflag:s0] =	ssyncadd.remote.s32 $0x1  }
0xbd: {  	_ =	sfence.sel $0xFFFF  }
0xbe: {  	[dreg:$0x0] =	wrdreg $0xFFFFFFFF;
	(pc) =	sbr.abs _section_cstart, $3  }
0xbf: {  	[dreg:$0x1] =	wrdreg $0xFFFFFFFF  }
0xc0: {  	_ =	task.clear_ibuf [dreg:s6], $0x2FFFF;
	_ =	strace $0x9FFFFFFF  }
0xc1: {  	(tm) =	ssettm $0x7FFFFFFF  }
tec
execute0_lowered:
.L_overlay_start_1:
0x0: {  	(tag) =	ssettag $0x1  }
0x1: {  	s0 =	srdreg.scid  }
0x2: {  	s10 =	sand.u32 $0x1, s0;
	s0 =	stileid.u32  }
0x3: {  	s2 =	sor.u32 s10, s0  }
0x4: {  	p0 =	sne.s32 s2, $0x0  }
.Ltmp0:
0x5: {  	_ = 	snop;
	(pc) =	sbr.rel @p0 .LBB2_4-.Ltmp0, $3  }
0x6: {  	_ =	sdelay $0x1  }
0x7: {  	s9 =	rddreg [dreg:$0x0]  }
0x8: {  	s1 =	rddreg [dreg:$0x1];
	_ =	strace $0x80000047  }
0x9: {  	s2 =	sadd.s32 $0x4200, s9  }
0xa: {  	s4 =	simm.s32 $0x0;
	s3 =	simm.s32 $0x2;
	s5 =	sadd.s32 $0x4400, s9  }
0xb: {  	[tilespmem:s4], [sflag:$0x2] =	stream.linear.gather [hbm4b:s2+s4], $0x80, $0x38;
	[tilespmem:$0x480] =	vst v63  }
0xc: {  	s6 =	simm.s32 $0x8;
	s10 =	ssub.s32 $0x2, s10;
	_ =	swait.ge [sflag:s3], $0x80  }
0xd: {  	s7 =	simm.s32 $0x80;
	s11 =	sshrl.u32 s10, $0x1;
	[sflag:s3] =	ssyncset.done $0x0  }
0xe: {  	s8 =	simm.s32 $0x1;
	s10 =	ssub.s32 s10, s11;
	[sflag:s3] =	ssyncadd.s32 $0xFFFFFF80  }
0xf: {  	[tilespmem:s7], [sflag:$0x1] =	stream.indirect.gather [hbm4b:s5+s6], $0x80, s4, s6, $0xb8;
	[tilespmem:$0x480] =	vst v63  }
0x10: {  	p0 =	sne.s32 s10, $0x1;
	_ =	swait.ge [sflag:s8], $0x400  }
.Ltmp1:
0x11: {  	[sflag:s8] =	ssyncset.done $0x0;
	(pc) =	sbr.rel @!p0 .LBB2_3-.Ltmp1, $4  }
0x12: {  	s9 =	sadd.s32 $0x4C00, s9;
	[sflag:s8] =	ssyncadd.s32 $0xFFFFFC00  }
0x13: {  	[hbm4b:s9+s4] =	stream.linear.scatter [tilespmem:s7], [sflag:$0x2], $0x400, $0x38;
	[tilespmem:$0x480] =	vst v63  }
0x14: {  	_ =	swait.ge [sflag:s3], $0x400  }
0x15: {  	s10 =	sadd.s32 $0xFFFFFFFF, s10;
	[sflag:s3] =	ssyncset.done $0x0  }
.LBB2_2:
0x16: {  	p0 =	sne.s32 s10, $0x1;
	s10 =	sadd.s32 $0xFFFFFFFF, s10;
	[sflag:s3] =	ssyncadd.s32 $0xFFFFFC00  }
0x17: {  	[tilespmem:s4], [sflag:$0x2] =	stream.linear.gather [hbm4b:s2+s4], $0x80, $0x38;
	[tilespmem:$0x480] =	vst v63  }
0x18: {  	_ =	swait.ge [sflag:s3], $0x80  }
0x19: {  	[sflag:s3] =	ssyncset.done $0x0  }
0x1a: {  	[sflag:s3] =	ssyncadd.s32 $0xFFFFFF80  }
0x1b: {  	[tilespmem:s7], [sflag:$0x1] =	stream.indirect.gather [hbm4b:s5+s6], $0x80, s4, s6, $0xb8;
	[tilespmem:$0x480] =	vst v63  }
0x1c: {  	_ =	swait.ge [sflag:s8], $0x400  }
.Ltmp2:
0x1d: {  	[sflag:s8] =	ssyncset.done $0x0;
	(pc) =	sbr.rel @p0 .LBB2_2-.Ltmp2, $4  }
0x1e: {  	[sflag:s8] =	ssyncadd.s32 $0xFFFFFC00  }
0x1f: {  	[hbm4b:s9+s4] =	stream.linear.scatter [tilespmem:s7], [sflag:$0x2], $0x400, $0x38;
	[tilespmem:$0x480] =	vst v63  }
0x20: {  	_ =	swait.ge [sflag:s3], $0x400  }
0x21: {  	[sflag:s3] =	ssyncset.done $0x0  }
.LBB2_3:
0x22: {  	[sflag:s3] =	ssyncadd.s32 $0xFFFFFC00  }
.LBB2_4:
0x23: {  	_ =	sfence.sel $0x180000  }
0x24: {  	[bflag:$0x0] =	sbarrier.arrive $0xFFFF  }
0x25: {  	p0 =	sne.s32 s0, $0x0;
	_ =	strace $0x90000047  }
0x26: {  	s0 =	sadd.s32 @!p0 $0x100000, s1;
	[bflag:$0x2] =	sbarrier.arrive $0xFFFF  }
0x27: {  	[sflag:s0] =	ssyncadd.tile.s32 @!p0 $0x1;
	_ =	shalt  }
.Lfunc_end2:
_tile_overlayer_lowered:
.L_overlay_start_2:
0x28: {  	(tag) =	ssettag $0x2  }
0x29: {  	s0 =	rddreg [dreg:$0x0];
	s2 =	stileid.u32  }
0x2a: {  	s1 =	rddreg [dreg:$0x1];
	p0 =	sne.s32 s2, $0x0  }
0x2b: {  	s3 =	rddreg [dreg:$0x2];
	[bflag:$0x3] =	sbarrier.arrive $0xFFFF;
	s2 =	simm.s32 @!p0 $0x1C02  }
0x2c: {  	[timem:s3], [sflag:s2] =	dma.local @!p0 [hbm:s0], s1  }
0x2d: {  	s0 =	simm.s32 @!p0 $0x2  }
0x2e: {  	_ =	swait.ge @!p0 [sflag:s0], s1  }
0x2f: {  	s1 =	ssub.s32 @!p0 $0x0, s1;
	[sflag:s0] =	ssyncset.done @!p0 $0x0  }
0x30: {  	[sflag:s0] =	ssyncadd.s32 @!p0 s1  }
0x31: {  	[bflag:$0x3] =	sbarrier.arrive $0xFFFF  }
0x32: {  	_ =	shalt  }

</sc_bundles>
